<compile_context>
chip_gen: v7x
topology: tpu7x:2x2x1
jax: 0.10.2.dev20260603
libtpu: 0.0.44.dev20260713+nightly
codegen_flags: <defaults>
</compile_context>

<pallas_src>
import functools
import math

import jax
import jax.numpy as jnp
from jax import lax
from jax.experimental import pallas as pl
from jax.experimental.pallas import tpu as pltpu
from jax.experimental.pallas import tpu_sc as plsc

EMBED_DIM = 32
SCALE = math.sqrt(float(EMBED_DIM))

NUM_CORES = 2
NUM_SUBCORES = 16
NUM_WORKERS = NUM_CORES * NUM_SUBCORES


@functools.partial(jax.jit, static_argnums=(2, 3, 4))
def _embed_call(idx, table, S, BATCH, C):
    D = EMBED_DIM
    B = S * BATCH
    b_per_w = B // NUM_WORKERS
    n_chunks = b_per_w // C
    chunks_per_s = BATCH // C
    mesh = plsc.VectorSubcoreMesh(core_axis_name="c", subcore_axis_name="s")

    @functools.partial(
        pl.kernel,
        out_type=jax.ShapeDtypeStruct((S, D, BATCH), jnp.float32),
        mesh=mesh,
        scratch_types=[
            pltpu.VMEM((b_per_w,), jnp.int32),
            pltpu.VMEM((C, D), jnp.float32),
            pltpu.VMEM((C, D), jnp.float32),
            pltpu.VMEM((D, C), jnp.float32),
            pltpu.VMEM((D, C), jnp.float32),
            pltpu.SemaphoreType.DMA,
            pltpu.SemaphoreType.DMA,
            pltpu.SemaphoreType.DMA,
            pltpu.SemaphoreType.DMA,
        ],
        compiler_params=pltpu.CompilerParams(
            use_tc_tiling_on_sc=False, needs_layout_passes=False
        ),
    )
    def k(idx_hbm, table_hbm, out_hbm, idx_v, rows0, rows1, t0, t1,
          gsem0, gsem1, osem0, osem1):
        wid = lax.axis_index("s") * NUM_CORES + lax.axis_index("c")
        c0 = wid * n_chunks
        j0 = c0 * C
        pltpu.sync_copy(idx_hbm.at[pl.ds(j0, b_per_w)], idx_v)

        rows = (rows0, rows1)
        tbufs = (t0, t1)
        gsems = (gsem0, gsem1)
        osems = (osem0, osem1)
        lane = lax.iota(jnp.int32, 16)

        def out_slice(k_local):
            c = c0 + k_local
            s = c // chunks_per_s
            b0 = (c - s * chunks_per_s) * C
            return out_hbm.at[s, :, pl.ds(b0, C)]

        NS = 8
        CS = C // NS

        def gather_descs(k_local, buf_i):
            return [
                pltpu.make_async_copy(
                    table_hbm.at[idx_v.at[pl.ds(k_local * C + j * CS, CS)]],
                    rows[buf_i].at[pl.ds(j * CS, CS)], gsems[buf_i],
                )
                for j in range(NS)
            ]

        def gather_start(k_local, buf_i):
            for d in gather_descs(k_local, buf_i):
                d.start()

        def gather_wait(k_local, buf_i):
            for d in gather_descs(k_local, buf_i):
                d.wait()

        diags = tuple(
            jnp.bitwise_and(lane + j, D - 1) for j in range(D)
        )

        def transpose_scale(rbuf, tbuf):
            def body(g, carry):
                rids = g * 16 + lane
                for j in range(D):
                    v = plsc.load_gather(rbuf, [rids, diags[j]])
                    plsc.store_scatter(tbuf, [diags[j], rids], v * SCALE)
                return carry

            lax.fori_loop(0, C // 16, body, 0, unroll=2)

        gather_start(0, 0)

        def outer(kk, carry):
            for b in (0, 1):
                k_local = 2 * kk + b
                if b == 0:
                    gather_start(k_local + 1, 1)
                else:
                    @pl.when(kk < n_chunks // 2 - 1)
                    def _():
                        gather_start(k_local + 1, 0)
                gather_wait(k_local, b)
                transpose_scale(rows[b], tbufs[b])

                @pl.when(kk >= 1)
                def _():
                    pltpu.make_async_copy(
                        tbufs[b], out_slice(k_local - 2), osems[b]
                    ).wait()
                pltpu.make_async_copy(
                    tbufs[b], out_slice(k_local), osems[b]
                ).start()
            return carry

        lax.fori_loop(0, n_chunks // 2, outer, 0)
        pltpu.make_async_copy(tbufs[0], out_slice(n_chunks - 2), osems[0]).wait()
        pltpu.make_async_copy(tbufs[1], out_slice(n_chunks - 1), osems[1]).wait()

    return k(idx, table)


def kernel(tokens, table):
    BATCH, S = tokens.shape
    idx = jnp.transpose(tokens).reshape(S * BATCH).astype(jnp.int32)
    out = _embed_call(idx, table, S, BATCH, 512)
    return jnp.transpose(out, (2, 0, 1))

# --- scband reference (transcript-rebuilt; emitter-appended) ---
"""Pipeline reference for scband-token-embedding-3856880632090 (READ-ONLY COPY).

The authoritative reference and input builder live on the scoring server;
editing this copy changes nothing except your own understanding.
"""

import math
import jax, jax.numpy as jnp
import numpy as np

VOCAB = 1000000
EMBED_DIM = 32
BATCH = 16384
SEQ = 50


def setup_inputs(seed: int = 0) -> dict:
    key = jax.random.key(seed)
    k_tok, k_tab = jax.random.split(key)
    tokens = jax.random.randint(k_tok, (BATCH, SEQ), 0, VOCAB, dtype=jnp.int64)
    table = jax.random.normal(k_tab, (VOCAB, EMBED_DIM), dtype=jnp.float32)
    return {"tokens": tokens, "table": table}


def reference(tokens, table):
    # TokenEmbedding.forward: sqrt(embed_dim) * embedding(tokens)
    emb = jnp.take(table, tokens, axis=0)
    return math.sqrt(EMBED_DIM) * emb

if __name__ == "__main__":
    import jax
    _d = setup_inputs()
    print(jax.jit(kernel)(*tuple(_d.values())))

</pallas_src>

<mosaic_0001>
#map = affine_map<(d0, d1) -> (0)>
#map1 = affine_map<(d0, d1) -> (0, 0)>
#map2 = affine_map<(d0, d1) -> (0, 0, 0)>
module attributes {stable_mosaic.version = 14 : i64} {
  func.func @k(%arg0: i32, %arg1: i32, %arg2: memref<819200xi32, #tpu.memory_space<hbm>>, %arg3: memref<1000000x32xf32, #tpu.memory_space<hbm>>, %arg4: memref<50x32x16384xf32, #tpu.memory_space<hbm>>, %arg5: memref<25600xi32, #tpu.memory_space<vmem>>, %arg6: memref<512x32xf32, #tpu.memory_space<vmem>>, %arg7: memref<512x32xf32, #tpu.memory_space<vmem>>, %arg8: memref<32x512xf32, #tpu.memory_space<vmem>>, %arg9: memref<32x512xf32, #tpu.memory_space<vmem>>, %arg10: memref<!tpu.dma_semaphore, #tpu.memory_space<semaphore_mem>>, %arg11: memref<!tpu.dma_semaphore, #tpu.memory_space<semaphore_mem>>, %arg12: memref<!tpu.dma_semaphore, #tpu.memory_space<semaphore_mem>>, %arg13: memref<!tpu.dma_semaphore, #tpu.memory_space<semaphore_mem>>) attributes {dimension_semantics = [#tpu.dimension_semantics<core_parallel>, #tpu.dimension_semantics<subcore_parallel>], iteration_bounds = array<i64: 2, 16>, scalar_prefetch = 0 : i64, scratch_operands = 9 : i64, tpu.core_type = #tpu.core_type<sc_vector_subcore>, window_params = [{transform_indices = #map}, {transform_indices = #map1}, {transform_indices = #map2}]} {
    %mul3A = arith.constant 2 : i32
    %mul3A_0 = arith.muli %arg1, %mul3A : i32
    %add3A = arith.addi %mul3A_0, %arg0 : i32
    %mul3A_1 = arith.constant 50 : i32
    %mul3A_2 = arith.muli %add3A, %mul3A_1 : i32
    %mul3A_3 = arith.constant 512 : i32
    %mul3A_4 = arith.muli %mul3A_2, %mul3A_3 : i32
    "tpu.region"() ({
      %run_scoped3A = tpu.sem_alloc : memref<!tpu.dma_semaphore, #tpu.memory_space<semaphore_mem>>
      %dma_start3A_330 = tpu.memref_slice %arg2[%mul3A_4] : memref<819200xi32, #tpu.memory_space<hbm>> -> memref<25600xi32, #tpu.memory_space<hbm>>
      %dma_start3A_331 = tpu.memref_slice %arg2[%mul3A_4] : memref<819200xi32, #tpu.memory_space<hbm>> -> memref<25600xi32, #tpu.memory_space<hbm>>
      tpu.enqueue_dma source(%dma_start3A_331 : memref<25600xi32, #tpu.memory_space<hbm>>) target(%arg5 : memref<25600xi32, #tpu.memory_space<vmem>>) target_semaphore(%run_scoped3A : memref<!tpu.dma_semaphore, #tpu.memory_space<semaphore_mem>>)
      %dma_wait3A_332 = tpu.memref_slice %arg2[%mul3A_4] : memref<819200xi32, #tpu.memory_space<hbm>> -> memref<25600xi32, #tpu.memory_space<hbm>>
      %dma_wait3A_333 = tpu.memref_slice %arg2[%mul3A_4] : memref<819200xi32, #tpu.memory_space<hbm>> -> memref<25600xi32, #tpu.memory_space<hbm>>
      tpu.wait_dma2 semaphore(%run_scoped3A : memref<!tpu.dma_semaphore, #tpu.memory_space<semaphore_mem>>) src(%dma_wait3A_333 : memref<25600xi32, #tpu.memory_space<hbm>>) dst(%arg5 : memref<25600xi32, #tpu.memory_space<vmem>>)
      tpu.yield
    }) : () -> ()
    %iota3A = tpu.iota {dimensions = array<i32: 0>} : vector<16xi32>
    %add3A_5 = arith.constant 0 : i32
    %add3A_6 = vector.broadcast %add3A_5 : i32 to vector<16xi32>
    %add3A_7 = arith.addi %iota3A, %add3A_6 : vector<16xi32>
    %and3A = arith.constant 31 : i32
    %and3A_8 = vector.broadcast %and3A : i32 to vector<16xi32>
    %and3A_9 = arith.andi %add3A_7, %and3A_8 : vector<16xi32>
    %add3A_10 = arith.constant 1 : i32
    %add3A_11 = vector.broadcast %add3A_10 : i32 to vector<16xi32>
    %add3A_12 = arith.addi %iota3A, %add3A_11 : vector<16xi32>
    %and3A_13 = arith.constant 31 : i32
    %and3A_14 = vector.broadcast %and3A_13 : i32 to vector<16xi32>
    %and3A_15 = arith.andi %add3A_12, %and3A_14 : vector<16xi32>
    %add3A_16 = arith.constant 2 : i32
    %add3A_17 = vector.broadcast %add3A_16 : i32 to vector<16xi32>
    %add3A_18 = arith.addi %iota3A, %add3A_17 : vector<16xi32>
    %and3A_19 = arith.constant 31 : i32
    %and3A_20 = vector.broadcast %and3A_19 : i32 to vector<16xi32>
    %and3A_21 = arith.andi %add3A_18, %and3A_20 : vector<16xi32>
    %add3A_22 = arith.constant 3 : i32
    %add3A_23 = vector.broadcast %add3A_22 : i32 to vector<16xi32>
    %add3A_24 = arith.addi %iota3A, %add3A_23 : vector<16xi32>
    %and3A_25 = arith.constant 31 : i32
    %and3A_26 = vector.broadcast %and3A_25 : i32 to vector<16xi32>
    %and3A_27 = arith.andi %add3A_24, %and3A_26 : vector<16xi32>
    %add3A_28 = arith.constant 4 : i32
    %add3A_29 = vector.broadcast %add3A_28 : i32 to vector<16xi32>
    %add3A_30 = arith.addi %iota3A, %add3A_29 : vector<16xi32>
    %and3A_31 = arith.constant 31 : i32
    %and3A_32 = vector.broadcast %and3A_31 : i32 to vector<16xi32>
    %and3A_33 = arith.andi %add3A_30, %and3A_32 : vector<16xi32>
    %add3A_34 = arith.constant 5 : i32
    %add3A_35 = vector.broadcast %add3A_34 : i32 to vector<16xi32>
    %add3A_36 = arith.addi %iota3A, %add3A_35 : vector<16xi32>
    %and3A_37 = arith.constant 31 : i32
    %and3A_38 = vector.broadcast %and3A_37 : i32 to vector<16xi32>
    %and3A_39 = arith.andi %add3A_36, %and3A_38 : vector<16xi32>
    %add3A_40 = arith.constant 6 : i32
    %add3A_41 = vector.broadcast %add3A_40 : i32 to vector<16xi32>
    %add3A_42 = arith.addi %iota3A, %add3A_41 : vector<16xi32>
    %and3A_43 = arith.constant 31 : i32
    %and3A_44 = vector.broadcast %and3A_43 : i32 to vector<16xi32>
    %and3A_45 = arith.andi %add3A_42, %and3A_44 : vector<16xi32>
    %add3A_46 = arith.constant 7 : i32
    %add3A_47 = vector.broadcast %add3A_46 : i32 to vector<16xi32>
    %add3A_48 = arith.addi %iota3A, %add3A_47 : vector<16xi32>
    %and3A_49 = arith.constant 31 : i32
    %and3A_50 = vector.broadcast %and3A_49 : i32 to vector<16xi32>
    %and3A_51 = arith.andi %add3A_48, %and3A_50 : vector<16xi32>
    %add3A_52 = arith.constant 8 : i32
    %add3A_53 = vector.broadcast %add3A_52 : i32 to vector<16xi32>
    %add3A_54 = arith.addi %iota3A, %add3A_53 : vector<16xi32>
    %and3A_55 = arith.constant 31 : i32
    %and3A_56 = vector.broadcast %and3A_55 : i32 to vector<16xi32>
    %and3A_57 = arith.andi %add3A_54, %and3A_56 : vector<16xi32>
    %add3A_58 = arith.constant 9 : i32
    %add3A_59 = vector.broadcast %add3A_58 : i32 to vector<16xi32>
    %add3A_60 = arith.addi %iota3A, %add3A_59 : vector<16xi32>
    %and3A_61 = arith.constant 31 : i32
    %and3A_62 = vector.broadcast %and3A_61 : i32 to vector<16xi32>
    %and3A_63 = arith.andi %add3A_60, %and3A_62 : vector<16xi32>
    %add3A_64 = arith.constant 10 : i32
    %add3A_65 = vector.broadcast %add3A_64 : i32 to vector<16xi32>
    %add3A_66 = arith.addi %iota3A, %add3A_65 : vector<16xi32>
    %and3A_67 = arith.constant 31 : i32
    %and3A_68 = vector.broadcast %and3A_67 : i32 to vector<16xi32>
    %and3A_69 = arith.andi %add3A_66, %and3A_68 : vector<16xi32>
    %add3A_70 = arith.constant 11 : i32
    %add3A_71 = vector.broadcast %add3A_70 : i32 to vector<16xi32>
    %add3A_72 = arith.addi %iota3A, %add3A_71 : vector<16xi32>
    %and3A_73 = arith.constant 31 : i32
    %and3A_74 = vector.broadcast %and3A_73 : i32 to vector<16xi32>
    %and3A_75 = arith.andi %add3A_72, %and3A_74 : vector<16xi32>
    %add3A_76 = arith.constant 12 : i32
    %add3A_77 = vector.broadcast %add3A_76 : i32 to vector<16xi32>
    %add3A_78 = arith.addi %iota3A, %add3A_77 : vector<16xi32>
    %and3A_79 = arith.constant 31 : i32
    %and3A_80 = vector.broadcast %and3A_79 : i32 to vector<16xi32>
    %and3A_81 = arith.andi %add3A_78, %and3A_80 : vector<16xi32>
    %add3A_82 = arith.constant 13 : i32
    %add3A_83 = vector.broadcast %add3A_82 : i32 to vector<16xi32>
    %add3A_84 = arith.addi %iota3A, %add3A_83 : vector<16xi32>
    %and3A_85 = arith.constant 31 : i32
    %and3A_86 = vector.broadcast %and3A_85 : i32 to vector<16xi32>
    %and3A_87 = arith.andi %add3A_84, %and3A_86 : vector<16xi32>
    %add3A_88 = arith.constant 14 : i32
    %add3A_89 = vector.broadcast %add3A_88 : i32 to vector<16xi32>
    %add3A_90 = arith.addi %iota3A, %add3A_89 : vector<16xi32>
    %and3A_91 = arith.constant 31 : i32
    %and3A_92 = vector.broadcast %and3A_91 : i32 to vector<16xi32>
    %and3A_93 = arith.andi %add3A_90, %and3A_92 : vector<16xi32>
    %add3A_94 = arith.constant 15 : i32
    %add3A_95 = vector.broadcast %add3A_94 : i32 to vector<16xi32>
    %add3A_96 = arith.addi %iota3A, %add3A_95 : vector<16xi32>
    %and3A_97 = arith.constant 31 : i32
    %and3A_98 = vector.broadcast %and3A_97 : i32 to vector<16xi32>
    %and3A_99 = arith.andi %add3A_96, %and3A_98 : vector<16xi32>
    %add3A_100 = arith.constant 16 : i32
    %add3A_101 = vector.broadcast %add3A_100 : i32 to vector<16xi32>
    %add3A_102 = arith.addi %iota3A, %add3A_101 : vector<16xi32>
    %and3A_103 = arith.constant 31 : i32
    %and3A_104 = vector.broadcast %and3A_103 : i32 to vector<16xi32>
    %and3A_105 = arith.andi %add3A_102, %and3A_104 : vector<16xi32>
    %add3A_106 = arith.constant 17 : i32
    %add3A_107 = vector.broadcast %add3A_106 : i32 to vector<16xi32>
    %add3A_108 = arith.addi %iota3A, %add3A_107 : vector<16xi32>
    %and3A_109 = arith.constant 31 : i32
    %and3A_110 = vector.broadcast %and3A_109 : i32 to vector<16xi32>
    %and3A_111 = arith.andi %add3A_108, %and3A_110 : vector<16xi32>
    %add3A_112 = arith.constant 18 : i32
    %add3A_113 = vector.broadcast %add3A_112 : i32 to vector<16xi32>
    %add3A_114 = arith.addi %iota3A, %add3A_113 : vector<16xi32>
    %and3A_115 = arith.constant 31 : i32
    %and3A_116 = vector.broadcast %and3A_115 : i32 to vector<16xi32>
    %and3A_117 = arith.andi %add3A_114, %and3A_116 : vector<16xi32>
    %add3A_118 = arith.constant 19 : i32
    %add3A_119 = vector.broadcast %add3A_118 : i32 to vector<16xi32>
    %add3A_120 = arith.addi %iota3A, %add3A_119 : vector<16xi32>
    %and3A_121 = arith.constant 31 : i32
    %and3A_122 = vector.broadcast %and3A_121 : i32 to vector<16xi32>
    %and3A_123 = arith.andi %add3A_120, %and3A_122 : vector<16xi32>
    %add3A_124 = arith.constant 20 : i32
    %add3A_125 = vector.broadcast %add3A_124 : i32 to vector<16xi32>
    %add3A_126 = arith.addi %iota3A, %add3A_125 : vector<16xi32>
    %and3A_127 = arith.constant 31 : i32
    %and3A_128 = vector.broadcast %and3A_127 : i32 to vector<16xi32>
    %and3A_129 = arith.andi %add3A_126, %and3A_128 : vector<16xi32>
    %add3A_130 = arith.constant 21 : i32
    %add3A_131 = vector.broadcast %add3A_130 : i32 to vector<16xi32>
    %add3A_132 = arith.addi %iota3A, %add3A_131 : vector<16xi32>
    %and3A_133 = arith.constant 31 : i32
    %and3A_134 = vector.broadcast %and3A_133 : i32 to vector<16xi32>
    %and3A_135 = arith.andi %add3A_132, %and3A_134 : vector<16xi32>
    %add3A_136 = arith.constant 22 : i32
    %add3A_137 = vector.broadcast %add3A_136 : i32 to vector<16xi32>
    %add3A_138 = arith.addi %iota3A, %add3A_137 : vector<16xi32>
    %and3A_139 = arith.constant 31 : i32
    %and3A_140 = vector.broadcast %and3A_139 : i32 to vector<16xi32>
    %and3A_141 = arith.andi %add3A_138, %and3A_140 : vector<16xi32>
    %add3A_142 = arith.constant 23 : i32
    %add3A_143 = vector.broadcast %add3A_142 : i32 to vector<16xi32>
    %add3A_144 = arith.addi %iota3A, %add3A_143 : vector<16xi32>
    %and3A_145 = arith.constant 31 : i32
    %and3A_146 = vector.broadcast %and3A_145 : i32 to vector<16xi32>
    %and3A_147 = arith.andi %add3A_144, %and3A_146 : vector<16xi32>
    %add3A_148 = arith.constant 24 : i32
    %add3A_149 = vector.broadcast %add3A_148 : i32 to vector<16xi32>
    %add3A_150 = arith.addi %iota3A, %add3A_149 : vector<16xi32>
    %and3A_151 = arith.constant 31 : i32
    %and3A_152 = vector.broadcast %and3A_151 : i32 to vector<16xi32>
    %and3A_153 = arith.andi %add3A_150, %and3A_152 : vector<16xi32>
    %add3A_154 = arith.constant 25 : i32
    %add3A_155 = vector.broadcast %add3A_154 : i32 to vector<16xi32>
    %add3A_156 = arith.addi %iota3A, %add3A_155 : vector<16xi32>
    %and3A_157 = arith.constant 31 : i32
    %and3A_158 = vector.broadcast %and3A_157 : i32 to vector<16xi32>
    %and3A_159 = arith.andi %add3A_156, %and3A_158 : vector<16xi32>
    %add3A_160 = arith.constant 26 : i32
    %add3A_161 = vector.broadcast %add3A_160 : i32 to vector<16xi32>
    %add3A_162 = arith.addi %iota3A, %add3A_161 : vector<16xi32>
    %and3A_163 = arith.constant 31 : i32
    %and3A_164 = vector.broadcast %and3A_163 : i32 to vector<16xi32>
    %and3A_165 = arith.andi %add3A_162, %and3A_164 : vector<16xi32>
    %add3A_166 = arith.constant 27 : i32
    %add3A_167 = vector.broadcast %add3A_166 : i32 to vector<16xi32>
    %add3A_168 = arith.addi %iota3A, %add3A_167 : vector<16xi32>
    %and3A_169 = arith.constant 31 : i32
    %and3A_170 = vector.broadcast %and3A_169 : i32 to vector<16xi32>
    %and3A_171 = arith.andi %add3A_168, %and3A_170 : vector<16xi32>
    %add3A_172 = arith.constant 28 : i32
    %add3A_173 = vector.broadcast %add3A_172 : i32 to vector<16xi32>
    %add3A_174 = arith.addi %iota3A, %add3A_173 : vector<16xi32>
    %and3A_175 = arith.constant 31 : i32
    %and3A_176 = vector.broadcast %and3A_175 : i32 to vector<16xi32>
    %and3A_177 = arith.andi %add3A_174, %and3A_176 : vector<16xi32>
    %add3A_178 = arith.constant 29 : i32
    %add3A_179 = vector.broadcast %add3A_178 : i32 to vector<16xi32>
    %add3A_180 = arith.addi %iota3A, %add3A_179 : vector<16xi32>
    %and3A_181 = arith.constant 31 : i32
    %and3A_182 = vector.broadcast %and3A_181 : i32 to vector<16xi32>
    %and3A_183 = arith.andi %add3A_180, %and3A_182 : vector<16xi32>
    %add3A_184 = arith.constant 30 : i32
    %add3A_185 = vector.broadcast %add3A_184 : i32 to vector<16xi32>
    %add3A_186 = arith.addi %iota3A, %add3A_185 : vector<16xi32>
    %and3A_187 = arith.constant 31 : i32
    %and3A_188 = vector.broadcast %and3A_187 : i32 to vector<16xi32>
    %and3A_189 = arith.andi %add3A_186, %and3A_188 : vector<16xi32>
    %add3A_190 = arith.constant 31 : i32
    %add3A_191 = vector.broadcast %add3A_190 : i32 to vector<16xi32>
    %add3A_192 = arith.addi %iota3A, %add3A_191 : vector<16xi32>
    %and3A_193 = arith.constant 31 : i32
    %and3A_194 = vector.broadcast %and3A_193 : i32 to vector<16xi32>
    %and3A_195 = arith.andi %add3A_192, %and3A_194 : vector<16xi32>
    %dma_start3A = arith.constant 0 : i32
    %dma_start3A_196 = arith.constant 0 : i32
    %dma_start3A_197 = tpu.memref_slice %arg6[%dma_start3A, %dma_start3A_196] : memref<512x32xf32, #tpu.memory_space<vmem>> -> memref<64x32xf32, #tpu.memory_space<vmem>>
    %dma_start3A_198 = arith.constant 0 : i32
    %dma_start3A_199 = tpu.memref_slice %arg5[%dma_start3A_198] : memref<25600xi32, #tpu.memory_space<vmem>> -> memref<64xi32, #tpu.memory_space<vmem>>
    %dma_start3A_200 = arith.constant 0 : i32
    %dma_start3A_201 = arith.constant 0 : i32
    %dma_start3A_202 = tpu.memref_slice %arg3[%dma_start3A_200, %dma_start3A_201] : memref<1000000x32xf32, #tpu.memory_space<hbm>> -> memref<1000000x32xf32, #tpu.memory_space<hbm>>
    tpu.enqueue_indirect_dma source(%dma_start3A_202 : memref<1000000x32xf32, #tpu.memory_space<hbm>>) target(%dma_start3A_197 : memref<64x32xf32, #tpu.memory_space<vmem>>) offsets(%dma_start3A_199 : memref<64xi32, #tpu.memory_space<vmem>>) semaphore(%arg10 : memref<!tpu.dma_semaphore, #tpu.memory_space<semaphore_mem>>)
    %dma_start3A_203 = arith.constant 64 : i32
    %dma_start3A_204 = arith.constant 0 : i32
    %dma_start3A_205 = tpu.memref_slice %arg6[%dma_start3A_203, %dma_start3A_204] : memref<512x32xf32, #tpu.memory_space<vmem>> -> memref<64x32xf32, #tpu.memory_space<vmem>>
    %dma_start3A_206 = arith.constant 64 : i32
    %dma_start3A_207 = tpu.memref_slice %arg5[%dma_start3A_206] : memref<25600xi32, #tpu.memory_space<vmem>> -> memref<64xi32, #tpu.memory_space<vmem>>
    %dma_start3A_208 = arith.constant 0 : i32
    %dma_start3A_209 = arith.constant 0 : i32
    %dma_start3A_210 = tpu.memref_slice %arg3[%dma_start3A_208, %dma_start3A_209] : memref<1000000x32xf32, #tpu.memory_space<hbm>> -> memref<1000000x32xf32, #tpu.memory_space<hbm>>
    tpu.enqueue_indirect_dma source(%dma_start3A_210 : memref<1000000x32xf32, #tpu.memory_space<hbm>>) target(%dma_start3A_205 : memref<64x32xf32, #tpu.memory_space<vmem>>) offsets(%dma_start3A_207 : memref<64xi32, #tpu.memory_space<vmem>>) semaphore(%arg10 : memref<!tpu.dma_semaphore, #tpu.memory_space<semaphore_mem>>)
    %dma_start3A_211 = arith.constant 128 : i32
    %dma_start3A_212 = arith.constant 0 : i32
    %dma_start3A_213 = tpu.memref_slice %arg6[%dma_start3A_211, %dma_start3A_212] : memref<512x32xf32, #tpu.memory_space<vmem>> -> memref<64x32xf32, #tpu.memory_space<vmem>>
    %dma_start3A_214 = arith.constant 128 : i32
    %dma_start3A_215 = tpu.memref_slice %arg5[%dma_start3A_214] : memref<25600xi32, #tpu.memory_space<vmem>> -> memref<64xi32, #tpu.memory_space<vmem>>
    %dma_start3A_216 = arith.constant 0 : i32
    %dma_start3A_217 = arith.constant 0 : i32
    %dma_start3A_218 = tpu.memref_slice %arg3[%dma_start3A_216, %dma_start3A_217] : memref<1000000x32xf32, #tpu.memory_space<hbm>> -> memref<1000000x32xf32, #tpu.memory_space<hbm>>
    tpu.enqueue_indirect_dma source(%dma_start3A_218 : memref<1000000x32xf32, #tpu.memory_space<hbm>>) target(%dma_start3A_213 : memref<64x32xf32, #tpu.memory_space<vmem>>) offsets(%dma_start3A_215 : memref<64xi32, #tpu.memory_space<vmem>>) semaphore(%arg10 : memref<!tpu.dma_semaphore, #tpu.memory_space<semaphore_mem>>)
    %dma_start3A_219 = arith.constant 192 : i32
    %dma_start3A_220 = arith.constant 0 : i32
    %dma_start3A_221 = tpu.memref_slice %arg6[%dma_start3A_219, %dma_start3A_220] : memref<512x32xf32, #tpu.memory_space<vmem>> -> memref<64x32xf32, #tpu.memory_space<vmem>>
    %dma_start3A_222 = arith.constant 192 : i32
    %dma_start3A_223 = tpu.memref_slice %arg5[%dma_start3A_222] : memref<25600xi32, #tpu.memory_space<vmem>> -> memref<64xi32, #tpu.memory_space<vmem>>
    %dma_start3A_224 = arith.constant 0 : i32
    %dma_start3A_225 = arith.constant 0 : i32
    %dma_start3A_226 = tpu.memref_slice %arg3[%dma_start3A_224, %dma_start3A_225] : memref<1000000x32xf32, #tpu.memory_space<hbm>> -> memref<1000000x32xf32, #tpu.memory_space<hbm>>
    tpu.enqueue_indirect_dma source(%dma_start3A_226 : memref<1000000x32xf32, #tpu.memory_space<hbm>>) target(%dma_start3A_221 : memref<64x32xf32, #tpu.memory_space<vmem>>) offsets(%dma_start3A_223 : memref<64xi32, #tpu.memory_space<vmem>>) semaphore(%arg10 : memref<!tpu.dma_semaphore, #tpu.memory_space<semaphore_mem>>)
    %dma_start3A_227 = arith.constant 256 : i32
    %dma_start3A_228 = arith.constant 0 : i32
    %dma_start3A_229 = tpu.memref_slice %arg6[%dma_start3A_227, %dma_start3A_228] : memref<512x32xf32, #tpu.memory_space<vmem>> -> memref<64x32xf32, #tpu.memory_space<vmem>>
    %dma_start3A_230 = arith.constant 256 : i32
    %dma_start3A_231 = tpu.memref_slice %arg5[%dma_start3A_230] : memref<25600xi32, #tpu.memory_space<vmem>> -> memref<64xi32, #tpu.memory_space<vmem>>
    %dma_start3A_232 = arith.constant 0 : i32
    %dma_start3A_233 = arith.constant 0 : i32
    %dma_start3A_234 = tpu.memref_slice %arg3[%dma_start3A_232, %dma_start3A_233] : memref<1000000x32xf32, #tpu.memory_space<hbm>> -> memref<1000000x32xf32, #tpu.memory_space<hbm>>
    tpu.enqueue_indirect_dma source(%dma_start3A_234 : memref<1000000x32xf32, #tpu.memory_space<hbm>>) target(%dma_start3A_229 : memref<64x32xf32, #tpu.memory_space<vmem>>) offsets(%dma_start3A_231 : memref<64xi32, #tpu.memory_space<vmem>>) semaphore(%arg10 : memref<!tpu.dma_semaphore, #tpu.memory_space<semaphore_mem>>)
    %dma_start3A_235 = arith.constant 320 : i32
    %dma_start3A_236 = arith.constant 0 : i32
    %dma_start3A_237 = tpu.memref_slice %arg6[%dma_start3A_235, %dma_start3A_236] : memref<512x32xf32, #tpu.memory_space<vmem>> -> memref<64x32xf32, #tpu.memory_space<vmem>>
    %dma_start3A_238 = arith.constant 320 : i32
    %dma_start3A_239 = tpu.memref_slice %arg5[%dma_start3A_238] : memref<25600xi32, #tpu.memory_space<vmem>> -> memref<64xi32, #tpu.memory_space<vmem>>
    %dma_start3A_240 = arith.constant 0 : i32
    %dma_start3A_241 = arith.constant 0 : i32
    %dma_start3A_242 = tpu.memref_slice %arg3[%dma_start3A_240, %dma_start3A_241] : memref<1000000x32xf32, #tpu.memory_space<hbm>> -> memref<1000000x32xf32, #tpu.memory_space<hbm>>
    tpu.enqueue_indirect_dma source(%dma_start3A_242 : memref<1000000x32xf32, #tpu.memory_space<hbm>>) target(%dma_start3A_237 : memref<64x32xf32, #tpu.memory_space<vmem>>) offsets(%dma_start3A_239 : memref<64xi32, #tpu.memory_space<vmem>>) semaphore(%arg10 : memref<!tpu.dma_semaphore, #tpu.memory_space<semaphore_mem>>)
    %dma_start3A_243 = arith.constant 384 : i32
    %dma_start3A_244 = arith.constant 0 : i32
    %dma_start3A_245 = tpu.memref_slice %arg6[%dma_start3A_243, %dma_start3A_244] : memref<512x32xf32, #tpu.memory_space<vmem>> -> memref<64x32xf32, #tpu.memory_space<vmem>>
    %dma_start3A_246 = arith.constant 384 : i32
    %dma_start3A_247 = tpu.memref_slice %arg5[%dma_start3A_246] : memref<25600xi32, #tpu.memory_space<vmem>> -> memref<64xi32, #tpu.memory_space<vmem>>
    %dma_start3A_248 = arith.constant 0 : i32
    %dma_start3A_249 = arith.constant 0 : i32
    %dma_start3A_250 = tpu.memref_slice %arg3[%dma_start3A_248, %dma_start3A_249] : memref<1000000x32xf32, #tpu.memory_space<hbm>> -> memref<1000000x32xf32, #tpu.memory_space<hbm>>
    tpu.enqueue_indirect_dma source(%dma_start3A_250 : memref<1000000x32xf32, #tpu.memory_space<hbm>>) target(%dma_start3A_245 : memref<64x32xf32, #tpu.memory_space<vmem>>) offsets(%dma_start3A_247 : memref<64xi32, #tpu.memory_space<vmem>>) semaphore(%arg10 : memref<!tpu.dma_semaphore, #tpu.memory_space<semaphore_mem>>)
    %dma_start3A_251 = arith.constant 448 : i32
    %dma_start3A_252 = arith.constant 0 : i32
    %dma_start3A_253 = tpu.memref_slice %arg6[%dma_start3A_251, %dma_start3A_252] : memref<512x32xf32, #tpu.memory_space<vmem>> -> memref<64x32xf32, #tpu.memory_space<vmem>>
    %dma_start3A_254 = arith.constant 448 : i32
    %dma_start3A_255 = tpu.memref_slice %arg5[%dma_start3A_254] : memref<25600xi32, #tpu.memory_space<vmem>> -> memref<64xi32, #tpu.memory_space<vmem>>
    %dma_start3A_256 = arith.constant 0 : i32
    %dma_start3A_257 = arith.constant 0 : i32
    %dma_start3A_258 = tpu.memref_slice %arg3[%dma_start3A_256, %dma_start3A_257] : memref<1000000x32xf32, #tpu.memory_space<hbm>> -> memref<1000000x32xf32, #tpu.memory_space<hbm>>
    tpu.enqueue_indirect_dma source(%dma_start3A_258 : memref<1000000x32xf32, #tpu.memory_space<hbm>>) target(%dma_start3A_253 : memref<64x32xf32, #tpu.memory_space<vmem>>) offsets(%dma_start3A_255 : memref<64xi32, #tpu.memory_space<vmem>>) semaphore(%arg10 : memref<!tpu.dma_semaphore, #tpu.memory_space<semaphore_mem>>)
    %scan3A = arith.constant 0 : i32
    %scan3A_259 = arith.constant 0 : i32
    %scan3A_260 = arith.constant 25 : i32
    %scan3A_261 = arith.addi %scan3A_259, %scan3A_260 : i32
    %scan3A_262 = arith.constant 1 : i32
    scf.for %scan3A_330 = %scan3A_259 to %scan3A_261 step %scan3A_262  : i32 {
      %mul3A_331 = arith.constant 2 : i32
      %mul3A_332 = arith.muli %mul3A_331, %scan3A_330 : i32
      %add3A_333 = arith.constant 0 : i32
      %add3A_334 = arith.addi %mul3A_332, %add3A_333 : i32
      %add3A_335 = arith.constant 1 : i32
      %add3A_336 = arith.addi %add3A_334, %add3A_335 : i32
      %mul3A_337 = arith.constant 512 : i32
      %mul3A_338 = arith.muli %add3A_336, %mul3A_337 : i32
      %add3A_339 = arith.constant 0 : i32
      %add3A_340 = arith.addi %mul3A_338, %add3A_339 : i32
      %mul3A_341 = arith.constant 512 : i32
      %mul3A_342 = arith.muli %add3A_336, %mul3A_341 : i32
      %add3A_343 = arith.constant 64 : i32
      %add3A_344 = arith.addi %mul3A_342, %add3A_343 : i32
      %mul3A_345 = arith.constant 512 : i32
      %mul3A_346 = arith.muli %add3A_336, %mul3A_345 : i32
      %add3A_347 = arith.constant 128 : i32
      %add3A_348 = arith.addi %mul3A_346, %add3A_347 : i32
      %mul3A_349 = arith.constant 512 : i32
      %mul3A_350 = arith.muli %add3A_336, %mul3A_349 : i32
      %add3A_351 = arith.constant 192 : i32
      %add3A_352 = arith.addi %mul3A_350, %add3A_351 : i32
      %mul3A_353 = arith.constant 512 : i32
      %mul3A_354 = arith.muli %add3A_336, %mul3A_353 : i32
      %add3A_355 = arith.constant 256 : i32
      %add3A_356 = arith.addi %mul3A_354, %add3A_355 : i32
      %mul3A_357 = arith.constant 512 : i32
      %mul3A_358 = arith.muli %add3A_336, %mul3A_357 : i32
      %add3A_359 = arith.constant 320 : i32
      %add3A_360 = arith.addi %mul3A_358, %add3A_359 : i32
      %mul3A_361 = arith.constant 512 : i32
      %mul3A_362 = arith.muli %add3A_336, %mul3A_361 : i32
      %add3A_363 = arith.constant 384 : i32
      %add3A_364 = arith.addi %mul3A_362, %add3A_363 : i32
      %mul3A_365 = arith.constant 512 : i32
      %mul3A_366 = arith.muli %add3A_336, %mul3A_365 : i32
      %add3A_367 = arith.constant 448 : i32
      %add3A_368 = arith.addi %mul3A_366, %add3A_367 : i32
      %dma_start3A_369 = arith.constant 0 : i32
      %dma_start3A_370 = arith.constant 0 : i32
      %dma_start3A_371 = tpu.memref_slice %arg7[%dma_start3A_369, %dma_start3A_370] : memref<512x32xf32, #tpu.memory_space<vmem>> -> memref<64x32xf32, #tpu.memory_space<vmem>>
      %dma_start3A_372 = tpu.memref_slice %arg5[%add3A_340] : memref<25600xi32, #tpu.memory_space<vmem>> -> memref<64xi32, #tpu.memory_space<vmem>>
      %dma_start3A_373 = arith.constant 0 : i32
      %dma_start3A_374 = arith.constant 0 : i32
      %dma_start3A_375 = tpu.memref_slice %arg3[%dma_start3A_373, %dma_start3A_374] : memref<1000000x32xf32, #tpu.memory_space<hbm>> -> memref<1000000x32xf32, #tpu.memory_space<hbm>>
      tpu.enqueue_indirect_dma source(%dma_start3A_375 : memref<1000000x32xf32, #tpu.memory_space<hbm>>) target(%dma_start3A_371 : memref<64x32xf32, #tpu.memory_space<vmem>>) offsets(%dma_start3A_372 : memref<64xi32, #tpu.memory_space<vmem>>) semaphore(%arg11 : memref<!tpu.dma_semaphore, #tpu.memory_space<semaphore_mem>>)
      %dma_start3A_376 = arith.constant 64 : i32
      %dma_start3A_377 = arith.constant 0 : i32
      %dma_start3A_378 = tpu.memref_slice %arg7[%dma_start3A_376, %dma_start3A_377] : memref<512x32xf32, #tpu.memory_space<vmem>> -> memref<64x32xf32, #tpu.memory_space<vmem>>
      %dma_start3A_379 = tpu.memref_slice %arg5[%add3A_344] : memref<25600xi32, #tpu.memory_space<vmem>> -> memref<64xi32, #tpu.memory_space<vmem>>
      %dma_start3A_380 = arith.constant 0 : i32
      %dma_start3A_381 = arith.constant 0 : i32
      %dma_start3A_382 = tpu.memref_slice %arg3[%dma_start3A_380, %dma_start3A_381] : memref<1000000x32xf32, #tpu.memory_space<hbm>> -> memref<1000000x32xf32, #tpu.memory_space<hbm>>
      tpu.enqueue_indirect_dma source(%dma_start3A_382 : memref<1000000x32xf32, #tpu.memory_space<hbm>>) target(%dma_start3A_378 : memref<64x32xf32, #tpu.memory_space<vmem>>) offsets(%dma_start3A_379 : memref<64xi32, #tpu.memory_space<vmem>>) semaphore(%arg11 : memref<!tpu.dma_semaphore, #tpu.memory_space<semaphore_mem>>)
      %dma_start3A_383 = arith.constant 128 : i32
      %dma_start3A_384 = arith.constant 0 : i32
      %dma_start3A_385 = tpu.memref_slice %arg7[%dma_start3A_383, %dma_start3A_384] : memref<512x32xf32, #tpu.memory_space<vmem>> -> memref<64x32xf32, #tpu.memory_space<vmem>>
      %dma_start3A_386 = tpu.memref_slice %arg5[%add3A_348] : memref<25600xi32, #tpu.memory_space<vmem>> -> memref<64xi32, #tpu.memory_space<vmem>>
      %dma_start3A_387 = arith.constant 0 : i32
      %dma_start3A_388 = arith.constant 0 : i32
      %dma_start3A_389 = tpu.memref_slice %arg3[%dma_start3A_387, %dma_start3A_388] : memref<1000000x32xf32, #tpu.memory_space<hbm>> -> memref<1000000x32xf32, #tpu.memory_space<hbm>>
      tpu.enqueue_indirect_dma source(%dma_start3A_389 : memref<1000000x32xf32, #tpu.memory_space<hbm>>) target(%dma_start3A_385 : memref<64x32xf32, #tpu.memory_space<vmem>>) offsets(%dma_start3A_386 : memref<64xi32, #tpu.memory_space<vmem>>) semaphore(%arg11 : memref<!tpu.dma_semaphore, #tpu.memory_space<semaphore_mem>>)
      %dma_start3A_390 = arith.constant 192 : i32
      %dma_start3A_391 = arith.constant 0 : i32
      %dma_start3A_392 = tpu.memref_slice %arg7[%dma_start3A_390, %dma_start3A_391] : memref<512x32xf32, #tpu.memory_space<vmem>> -> memref<64x32xf32, #tpu.memory_space<vmem>>
      %dma_start3A_393 = tpu.memref_slice %arg5[%add3A_352] : memref<25600xi32, #tpu.memory_space<vmem>> -> memref<64xi32, #tpu.memory_space<vmem>>
      %dma_start3A_394 = arith.constant 0 : i32
      %dma_start3A_395 = arith.constant 0 : i32
      %dma_start3A_396 = tpu.memref_slice %arg3[%dma_start3A_394, %dma_start3A_395] : memref<1000000x32xf32, #tpu.memory_space<hbm>> -> memref<1000000x32xf32, #tpu.memory_space<hbm>>
      tpu.enqueue_indirect_dma source(%dma_start3A_396 : memref<1000000x32xf32, #tpu.memory_space<hbm>>) target(%dma_start3A_392 : memref<64x32xf32, #tpu.memory_space<vmem>>) offsets(%dma_start3A_393 : memref<64xi32, #tpu.memory_space<vmem>>) semaphore(%arg11 : memref<!tpu.dma_semaphore, #tpu.memory_space<semaphore_mem>>)
      %dma_start3A_397 = arith.constant 256 : i32
      %dma_start3A_398 = arith.constant 0 : i32
      %dma_start3A_399 = tpu.memref_slice %arg7[%dma_start3A_397, %dma_start3A_398] : memref<512x32xf32, #tpu.memory_space<vmem>> -> memref<64x32xf32, #tpu.memory_space<vmem>>
      %dma_start3A_400 = tpu.memref_slice %arg5[%add3A_356] : memref<25600xi32, #tpu.memory_space<vmem>> -> memref<64xi32, #tpu.memory_space<vmem>>
      %dma_start3A_401 = arith.constant 0 : i32
      %dma_start3A_402 = arith.constant 0 : i32
      %dma_start3A_403 = tpu.memref_slice %arg3[%dma_start3A_401, %dma_start3A_402] : memref<1000000x32xf32, #tpu.memory_space<hbm>> -> memref<1000000x32xf32, #tpu.memory_space<hbm>>
      tpu.enqueue_indirect_dma source(%dma_start3A_403 : memref<1000000x32xf32, #tpu.memory_space<hbm>>) target(%dma_start3A_399 : memref<64x32xf32, #tpu.memory_space<vmem>>) offsets(%dma_start3A_400 : memref<64xi32, #tpu.memory_space<vmem>>) semaphore(%arg11 : memref<!tpu.dma_semaphore, #tpu.memory_space<semaphore_mem>>)
      %dma_start3A_404 = arith.constant 320 : i32
      %dma_start3A_405 = arith.constant 0 : i32
      %dma_start3A_406 = tpu.memref_slice %arg7[%dma_start3A_404, %dma_start3A_405] : memref<512x32xf32, #tpu.memory_space<vmem>> -> memref<64x32xf32, #tpu.memory_space<vmem>>
      %dma_start3A_407 = tpu.memref_slice %arg5[%add3A_360] : memref<25600xi32, #tpu.memory_space<vmem>> -> memref<64xi32, #tpu.memory_space<vmem>>
      %dma_start3A_408 = arith.constant 0 : i32
      %dma_start3A_409 = arith.constant 0 : i32
      %dma_start3A_410 = tpu.memref_slice %arg3[%dma_start3A_408, %dma_start3A_409] : memref<1000000x32xf32, #tpu.memory_space<hbm>> -> memref<1000000x32xf32, #tpu.memory_space<hbm>>
      tpu.enqueue_indirect_dma source(%dma_start3A_410 : memref<1000000x32xf32, #tpu.memory_space<hbm>>) target(%dma_start3A_406 : memref<64x32xf32, #tpu.memory_space<vmem>>) offsets(%dma_start3A_407 : memref<64xi32, #tpu.memory_space<vmem>>) semaphore(%arg11 : memref<!tpu.dma_semaphore, #tpu.memory_space<semaphore_mem>>)
      %dma_start3A_411 = arith.constant 384 : i32
      %dma_start3A_412 = arith.constant 0 : i32
      %dma_start3A_413 = tpu.memref_slice %arg7[%dma_start3A_411, %dma_start3A_412] : memref<512x32xf32, #tpu.memory_space<vmem>> -> memref<64x32xf32, #tpu.memory_space<vmem>>
      %dma_start3A_414 = tpu.memref_slice %arg5[%add3A_364] : memref<25600xi32, #tpu.memory_space<vmem>> -> memref<64xi32, #tpu.memory_space<vmem>>
      %dma_start3A_415 = arith.constant 0 : i32
      %dma_start3A_416 = arith.constant 0 : i32
      %dma_start3A_417 = tpu.memref_slice %arg3[%dma_start3A_415, %dma_start3A_416] : memref<1000000x32xf32, #tpu.memory_space<hbm>> -> memref<1000000x32xf32, #tpu.memory_space<hbm>>
      tpu.enqueue_indirect_dma source(%dma_start3A_417 : memref<1000000x32xf32, #tpu.memory_space<hbm>>) target(%dma_start3A_413 : memref<64x32xf32, #tpu.memory_space<vmem>>) offsets(%dma_start3A_414 : memref<64xi32, #tpu.memory_space<vmem>>) semaphore(%arg11 : memref<!tpu.dma_semaphore, #tpu.memory_space<semaphore_mem>>)
      %dma_start3A_418 = arith.constant 448 : i32
      %dma_start3A_419 = arith.constant 0 : i32
      %dma_start3A_420 = tpu.memref_slice %arg7[%dma_start3A_418, %dma_start3A_419] : memref<512x32xf32, #tpu.memory_space<vmem>> -> memref<64x32xf32, #tpu.memory_space<vmem>>
      %dma_start3A_421 = tpu.memref_slice %arg5[%add3A_368] : memref<25600xi32, #tpu.memory_space<vmem>> -> memref<64xi32, #tpu.memory_space<vmem>>
      %dma_start3A_422 = arith.constant 0 : i32
      %dma_start3A_423 = arith.constant 0 : i32
      %dma_start3A_424 = tpu.memref_slice %arg3[%dma_start3A_422, %dma_start3A_423] : memref<1000000x32xf32, #tpu.memory_space<hbm>> -> memref<1000000x32xf32, #tpu.memory_space<hbm>>
      tpu.enqueue_indirect_dma source(%dma_start3A_424 : memref<1000000x32xf32, #tpu.memory_space<hbm>>) target(%dma_start3A_420 : memref<64x32xf32, #tpu.memory_space<vmem>>) offsets(%dma_start3A_421 : memref<64xi32, #tpu.memory_space<vmem>>) semaphore(%arg11 : memref<!tpu.dma_semaphore, #tpu.memory_space<semaphore_mem>>)
      %mul3A_425 = arith.constant 512 : i32
      %mul3A_426 = arith.muli %add3A_334, %mul3A_425 : i32
      %add3A_427 = arith.constant 0 : i32
      %add3A_428 = arith.addi %mul3A_426, %add3A_427 : i32
      %mul3A_429 = arith.constant 512 : i32
      %mul3A_430 = arith.muli %add3A_334, %mul3A_429 : i32
      %add3A_431 = arith.constant 64 : i32
      %add3A_432 = arith.addi %mul3A_430, %add3A_431 : i32
      %mul3A_433 = arith.constant 512 : i32
      %mul3A_434 = arith.muli %add3A_334, %mul3A_433 : i32
      %add3A_435 = arith.constant 128 : i32
      %add3A_436 = arith.addi %mul3A_434, %add3A_435 : i32
      %mul3A_437 = arith.constant 512 : i32
      %mul3A_438 = arith.muli %add3A_334, %mul3A_437 : i32
      %add3A_439 = arith.constant 192 : i32
      %add3A_440 = arith.addi %mul3A_438, %add3A_439 : i32
      %mul3A_441 = arith.constant 512 : i32
      %mul3A_442 = arith.muli %add3A_334, %mul3A_441 : i32
      %add3A_443 = arith.constant 256 : i32
      %add3A_444 = arith.addi %mul3A_442, %add3A_443 : i32
      %mul3A_445 = arith.constant 512 : i32
      %mul3A_446 = arith.muli %add3A_334, %mul3A_445 : i32
      %add3A_447 = arith.constant 320 : i32
      %add3A_448 = arith.addi %mul3A_446, %add3A_447 : i32
      %mul3A_449 = arith.constant 512 : i32
      %mul3A_450 = arith.muli %add3A_334, %mul3A_449 : i32
      %add3A_451 = arith.constant 384 : i32
      %add3A_452 = arith.addi %mul3A_450, %add3A_451 : i32
      %mul3A_453 = arith.constant 512 : i32
      %mul3A_454 = arith.muli %add3A_334, %mul3A_453 : i32
      %add3A_455 = arith.constant 448 : i32
      %add3A_456 = arith.addi %mul3A_454, %add3A_455 : i32
      %dma_wait3A_457 = arith.constant 0 : i32
      %dma_wait3A_458 = arith.constant 0 : i32
      %dma_wait3A_459 = tpu.memref_slice %arg6[%dma_wait3A_457, %dma_wait3A_458] : memref<512x32xf32, #tpu.memory_space<vmem>> -> memref<64x32xf32, #tpu.memory_space<vmem>>
      %dma_wait3A_460 = tpu.memref_slice %arg5[%add3A_428] : memref<25600xi32, #tpu.memory_space<vmem>> -> memref<64xi32, #tpu.memory_space<vmem>>
      %dma_wait3A_461 = arith.constant 0 : i32
      %dma_wait3A_462 = arith.constant 0 : i32
      %dma_wait3A_463 = tpu.memref_slice %arg3[%dma_wait3A_461, %dma_wait3A_462] : memref<1000000x32xf32, #tpu.memory_space<hbm>> -> memref<1000000x32xf32, #tpu.memory_space<hbm>>
      tpu.wait_indirect_dma semaphore(%arg10 : memref<!tpu.dma_semaphore, #tpu.memory_space<semaphore_mem>>) src(%dma_wait3A_463 : memref<1000000x32xf32, #tpu.memory_space<hbm>>) dst(%dma_wait3A_459 : memref<64x32xf32, #tpu.memory_space<vmem>>)
      %dma_wait3A_464 = arith.constant 64 : i32
      %dma_wait3A_465 = arith.constant 0 : i32
      %dma_wait3A_466 = tpu.memref_slice %arg6[%dma_wait3A_464, %dma_wait3A_465] : memref<512x32xf32, #tpu.memory_space<vmem>> -> memref<64x32xf32, #tpu.memory_space<vmem>>
      %dma_wait3A_467 = tpu.memref_slice %arg5[%add3A_432] : memref<25600xi32, #tpu.memory_space<vmem>> -> memref<64xi32, #tpu.memory_space<vmem>>
      %dma_wait3A_468 = arith.constant 0 : i32
      %dma_wait3A_469 = arith.constant 0 : i32
      %dma_wait3A_470 = tpu.memref_slice %arg3[%dma_wait3A_468, %dma_wait3A_469] : memref<1000000x32xf32, #tpu.memory_space<hbm>> -> memref<1000000x32xf32, #tpu.memory_space<hbm>>
      tpu.wait_indirect_dma semaphore(%arg10 : memref<!tpu.dma_semaphore, #tpu.memory_space<semaphore_mem>>) src(%dma_wait3A_470 : memref<1000000x32xf32, #tpu.memory_space<hbm>>) dst(%dma_wait3A_466 : memref<64x32xf32, #tpu.memory_space<vmem>>)
      %dma_wait3A_471 = arith.constant 128 : i32
      %dma_wait3A_472 = arith.constant 0 : i32
      %dma_wait3A_473 = tpu.memref_slice %arg6[%dma_wait3A_471, %dma_wait3A_472] : memref<512x32xf32, #tpu.memory_space<vmem>> -> memref<64x32xf32, #tpu.memory_space<vmem>>
      %dma_wait3A_474 = tpu.memref_slice %arg5[%add3A_436] : memref<25600xi32, #tpu.memory_space<vmem>> -> memref<64xi32, #tpu.memory_space<vmem>>
      %dma_wait3A_475 = arith.constant 0 : i32
      %dma_wait3A_476 = arith.constant 0 : i32
      %dma_wait3A_477 = tpu.memref_slice %arg3[%dma_wait3A_475, %dma_wait3A_476] : memref<1000000x32xf32, #tpu.memory_space<hbm>> -> memref<1000000x32xf32, #tpu.memory_space<hbm>>
      tpu.wait_indirect_dma semaphore(%arg10 : memref<!tpu.dma_semaphore, #tpu.memory_space<semaphore_mem>>) src(%dma_wait3A_477 : memref<1000000x32xf32, #tpu.memory_space<hbm>>) dst(%dma_wait3A_473 : memref<64x32xf32, #tpu.memory_space<vmem>>)
      %dma_wait3A_478 = arith.constant 192 : i32
      %dma_wait3A_479 = arith.constant 0 : i32
      %dma_wait3A_480 = tpu.memref_slice %arg6[%dma_wait3A_478, %dma_wait3A_479] : memref<512x32xf32, #tpu.memory_space<vmem>> -> memref<64x32xf32, #tpu.memory_space<vmem>>
      %dma_wait3A_481 = tpu.memref_slice %arg5[%add3A_440] : memref<25600xi32, #tpu.memory_space<vmem>> -> memref<64xi32, #tpu.memory_space<vmem>>
      %dma_wait3A_482 = arith.constant 0 : i32
      %dma_wait3A_483 = arith.constant 0 : i32
      %dma_wait3A_484 = tpu.memref_slice %arg3[%dma_wait3A_482, %dma_wait3A_483] : memref<1000000x32xf32, #tpu.memory_space<hbm>> -> memref<1000000x32xf32, #tpu.memory_space<hbm>>
      tpu.wait_indirect_dma semaphore(%arg10 : memref<!tpu.dma_semaphore, #tpu.memory_space<semaphore_mem>>) src(%dma_wait3A_484 : memref<1000000x32xf32, #tpu.memory_space<hbm>>) dst(%dma_wait3A_480 : memref<64x32xf32, #tpu.memory_space<vmem>>)
      %dma_wait3A_485 = arith.constant 256 : i32
      %dma_wait3A_486 = arith.constant 0 : i32
      %dma_wait3A_487 = tpu.memref_slice %arg6[%dma_wait3A_485, %dma_wait3A_486] : memref<512x32xf32, #tpu.memory_space<vmem>> -> memref<64x32xf32, #tpu.memory_space<vmem>>
      %dma_wait3A_488 = tpu.memref_slice %arg5[%add3A_444] : memref<25600xi32, #tpu.memory_space<vmem>> -> memref<64xi32, #tpu.memory_space<vmem>>
      %dma_wait3A_489 = arith.constant 0 : i32
      %dma_wait3A_490 = arith.constant 0 : i32
      %dma_wait3A_491 = tpu.memref_slice %arg3[%dma_wait3A_489, %dma_wait3A_490] : memref<1000000x32xf32, #tpu.memory_space<hbm>> -> memref<1000000x32xf32, #tpu.memory_space<hbm>>
      tpu.wait_indirect_dma semaphore(%arg10 : memref<!tpu.dma_semaphore, #tpu.memory_space<semaphore_mem>>) src(%dma_wait3A_491 : memref<1000000x32xf32, #tpu.memory_space<hbm>>) dst(%dma_wait3A_487 : memref<64x32xf32, #tpu.memory_space<vmem>>)
      %dma_wait3A_492 = arith.constant 320 : i32
      %dma_wait3A_493 = arith.constant 0 : i32
      %dma_wait3A_494 = tpu.memref_slice %arg6[%dma_wait3A_492, %dma_wait3A_493] : memref<512x32xf32, #tpu.memory_space<vmem>> -> memref<64x32xf32, #tpu.memory_space<vmem>>
      %dma_wait3A_495 = tpu.memref_slice %arg5[%add3A_448] : memref<25600xi32, #tpu.memory_space<vmem>> -> memref<64xi32, #tpu.memory_space<vmem>>
      %dma_wait3A_496 = arith.constant 0 : i32
      %dma_wait3A_497 = arith.constant 0 : i32
      %dma_wait3A_498 = tpu.memref_slice %arg3[%dma_wait3A_496, %dma_wait3A_497] : memref<1000000x32xf32, #tpu.memory_space<hbm>> -> memref<1000000x32xf32, #tpu.memory_space<hbm>>
      tpu.wait_indirect_dma semaphore(%arg10 : memref<!tpu.dma_semaphore, #tpu.memory_space<semaphore_mem>>) src(%dma_wait3A_498 : memref<1000000x32xf32, #tpu.memory_space<hbm>>) dst(%dma_wait3A_494 : memref<64x32xf32, #tpu.memory_space<vmem>>)
      %dma_wait3A_499 = arith.constant 384 : i32
      %dma_wait3A_500 = arith.constant 0 : i32
      %dma_wait3A_501 = tpu.memref_slice %arg6[%dma_wait3A_499, %dma_wait3A_500] : memref<512x32xf32, #tpu.memory_space<vmem>> -> memref<64x32xf32, #tpu.memory_space<vmem>>
      %dma_wait3A_502 = tpu.memref_slice %arg5[%add3A_452] : memref<25600xi32, #tpu.memory_space<vmem>> -> memref<64xi32, #tpu.memory_space<vmem>>
      %dma_wait3A_503 = arith.constant 0 : i32
      %dma_wait3A_504 = arith.constant 0 : i32
      %dma_wait3A_505 = tpu.memref_slice %arg3[%dma_wait3A_503, %dma_wait3A_504] : memref<1000000x32xf32, #tpu.memory_space<hbm>> -> memref<1000000x32xf32, #tpu.memory_space<hbm>>
      tpu.wait_indirect_dma semaphore(%arg10 : memref<!tpu.dma_semaphore, #tpu.memory_space<semaphore_mem>>) src(%dma_wait3A_505 : memref<1000000x32xf32, #tpu.memory_space<hbm>>) dst(%dma_wait3A_501 : memref<64x32xf32, #tpu.memory_space<vmem>>)
      %dma_wait3A_506 = arith.constant 448 : i32
      %dma_wait3A_507 = arith.constant 0 : i32
      %dma_wait3A_508 = tpu.memref_slice %arg6[%dma_wait3A_506, %dma_wait3A_507] : memref<512x32xf32, #tpu.memory_space<vmem>> -> memref<64x32xf32, #tpu.memory_space<vmem>>
      %dma_wait3A_509 = tpu.memref_slice %arg5[%add3A_456] : memref<25600xi32, #tpu.memory_space<vmem>> -> memref<64xi32, #tpu.memory_space<vmem>>
      %dma_wait3A_510 = arith.constant 0 : i32
      %dma_wait3A_511 = arith.constant 0 : i32
      %dma_wait3A_512 = tpu.memref_slice %arg3[%dma_wait3A_510, %dma_wait3A_511] : memref<1000000x32xf32, #tpu.memory_space<hbm>> -> memref<1000000x32xf32, #tpu.memory_space<hbm>>
      tpu.wait_indirect_dma semaphore(%arg10 : memref<!tpu.dma_semaphore, #tpu.memory_space<semaphore_mem>>) src(%dma_wait3A_512 : memref<1000000x32xf32, #tpu.memory_space<hbm>>) dst(%dma_wait3A_508 : memref<64x32xf32, #tpu.memory_space<vmem>>)
      %scan3A_513 = arith.constant 0 : i32
      %scan3A_514 = arith.constant 0 : i32
      %scan3A_515 = arith.constant 32 : i32
      %scan3A_516 = arith.addi %scan3A_514, %scan3A_515 : i32
      %scan3A_517 = arith.constant 2 : i32
      scf.for %scan3A_700 = %scan3A_514 to %scan3A_516 step %scan3A_517  : i32 {
        %mul3A_701 = arith.constant 16 : i32
        %mul3A_702 = arith.muli %scan3A_700, %mul3A_701 : i32
        %add3A_703 = vector.broadcast %mul3A_702 : i32 to vector<16xi32>
        %add3A_704 = arith.addi %add3A_703, %iota3A : vector<16xi32>
        %gather3A = tpu.vector_load_idx %arg6[%add3A_704, %and3A_9] : memref<512x32xf32, #tpu.memory_space<vmem>>[vector<16xi32>, vector<16xi32>], vector<16xf32>,
        %mul3A_705 = arith.constant 5.65685415 : f32
        %mul3A_706 = vector.broadcast %mul3A_705 : f32 to vector<16xf32>
        %mul3A_707 = arith.mulf %gather3A, %mul3A_706 : vector<16xf32>
        tpu.vector_store_idx %arg8[%and3A_9, %add3A_704], %mul3A_707 : memref<32x512xf32, #tpu.memory_space<vmem>>[vector<16xi32>, vector<16xi32>], vector<16xf32>,
        %gather3A_708 = tpu.vector_load_idx %arg6[%add3A_704, %and3A_15] : memref<512x32xf32, #tpu.memory_space<vmem>>[vector<16xi32>, vector<16xi32>], vector<16xf32>,
        %mul3A_709 = arith.constant 5.65685415 : f32
        %mul3A_710 = vector.broadcast %mul3A_709 : f32 to vector<16xf32>
        %mul3A_711 = arith.mulf %gather3A_708, %mul3A_710 : vector<16xf32>
        tpu.vector_store_idx %arg8[%and3A_15, %add3A_704], %mul3A_711 : memref<32x512xf32, #tpu.memory_space<vmem>>[vector<16xi32>, vector<16xi32>], vector<16xf32>,
        %gather3A_712 = tpu.vector_load_idx %arg6[%add3A_704, %and3A_21] : memref<512x32xf32, #tpu.memory_space<vmem>>[vector<16xi32>, vector<16xi32>], vector<16xf32>,
        %mul3A_713 = arith.constant 5.65685415 : f32
        %mul3A_714 = vector.broadcast %mul3A_713 : f32 to vector<16xf32>
        %mul3A_715 = arith.mulf %gather3A_712, %mul3A_714 : vector<16xf32>
        tpu.vector_store_idx %arg8[%and3A_21, %add3A_704], %mul3A_715 : memref<32x512xf32, #tpu.memory_space<vmem>>[vector<16xi32>, vector<16xi32>], vector<16xf32>,
        %gather3A_716 = tpu.vector_load_idx %arg6[%add3A_704, %and3A_27] : memref<512x32xf32, #tpu.memory_space<vmem>>[vector<16xi32>, vector<16xi32>], vector<16xf32>,
        %mul3A_717 = arith.constant 5.65685415 : f32
        %mul3A_718 = vector.broadcast %mul3A_717 : f32 to vector<16xf32>
        %mul3A_719 = arith.mulf %gather3A_716, %mul3A_718 : vector<16xf32>
        tpu.vector_store_idx %arg8[%and3A_27, %add3A_704], %mul3A_719 : memref<32x512xf32, #tpu.memory_space<vmem>>[vector<16xi32>, vector<16xi32>], vector<16xf32>,
        %gather3A_720 = tpu.vector_load_idx %arg6[%add3A_704, %and3A_33] : memref<512x32xf32, #tpu.memory_space<vmem>>[vector<16xi32>, vector<16xi32>], vector<16xf32>,
        %mul3A_721 = arith.constant 5.65685415 : f32
        %mul3A_722 = vector.broadcast %mul3A_721 : f32 to vector<16xf32>
        %mul3A_723 = arith.mulf %gather3A_720, %mul3A_722 : vector<16xf32>
        tpu.vector_store_idx %arg8[%and3A_33, %add3A_704], %mul3A_723 : memref<32x512xf32, #tpu.memory_space<vmem>>[vector<16xi32>, vector<16xi32>], vector<16xf32>,
        %gather3A_724 = tpu.vector_load_idx %arg6[%add3A_704, %and3A_39] : memref<512x32xf32, #tpu.memory_space<vmem>>[vector<16xi32>, vector<16xi32>], vector<16xf32>,
        %mul3A_725 = arith.constant 5.65685415 : f32
        %mul3A_726 = vector.broadcast %mul3A_725 : f32 to vector<16xf32>
        %mul3A_727 = arith.mulf %gather3A_724, %mul3A_726 : vector<16xf32>
        tpu.vector_store_idx %arg8[%and3A_39, %add3A_704], %mul3A_727 : memref<32x512xf32, #tpu.memory_space<vmem>>[vector<16xi32>, vector<16xi32>], vector<16xf32>,
        %gather3A_728 = tpu.vector_load_idx %arg6[%add3A_704, %and3A_45] : memref<512x32xf32, #tpu.memory_space<vmem>>[vector<16xi32>, vector<16xi32>], vector<16xf32>,
        %mul3A_729 = arith.constant 5.65685415 : f32
        %mul3A_730 = vector.broadcast %mul3A_729 : f32 to vector<16xf32>
        %mul3A_731 = arith.mulf %gather3A_728, %mul3A_730 : vector<16xf32>
        tpu.vector_store_idx %arg8[%and3A_45, %add3A_704], %mul3A_731 : memref<32x512xf32, #tpu.memory_space<vmem>>[vector<16xi32>, vector<16xi32>], vector<16xf32>,
        %gather3A_732 = tpu.vector_load_idx %arg6[%add3A_704, %and3A_51] : memref<512x32xf32, #tpu.memory_space<vmem>>[vector<16xi32>, vector<16xi32>], vector<16xf32>,
        %mul3A_733 = arith.constant 5.65685415 : f32
        %mul3A_734 = vector.broadcast %mul3A_733 : f32 to vector<16xf32>
        %mul3A_735 = arith.mulf %gather3A_732, %mul3A_734 : vector<16xf32>
        tpu.vector_store_idx %arg8[%and3A_51, %add3A_704], %mul3A_735 : memref<32x512xf32, #tpu.memory_space<vmem>>[vector<16xi32>, vector<16xi32>], vector<16xf32>,
        %gather3A_736 = tpu.vector_load_idx %arg6[%add3A_704, %and3A_57] : memref<512x32xf32, #tpu.memory_space<vmem>>[vector<16xi32>, vector<16xi32>], vector<16xf32>,
        %mul3A_737 = arith.constant 5.65685415 : f32
        %mul3A_738 = vector.broadcast %mul3A_737 : f32 to vector<16xf32>
        %mul3A_739 = arith.mulf %gather3A_736, %mul3A_738 : vector<16xf32>
        tpu.vector_store_idx %arg8[%and3A_57, %add3A_704], %mul3A_739 : memref<32x512xf32, #tpu.memory_space<vmem>>[vector<16xi32>, vector<16xi32>], vector<16xf32>,
        %gather3A_740 = tpu.vector_load_idx %arg6[%add3A_704, %and3A_63] : memref<512x32xf32, #tpu.memory_space<vmem>>[vector<16xi32>, vector<16xi32>], vector<16xf32>,
        %mul3A_741 = arith.constant 5.65685415 : f32
        %mul3A_742 = vector.broadcast %mul3A_741 : f32 to vector<16xf32>
        %mul3A_743 = arith.mulf %gather3A_740, %mul3A_742 : vector<16xf32>
        tpu.vector_store_idx %arg8[%and3A_63, %add3A_704], %mul3A_743 : memref<32x512xf32, #tpu.memory_space<vmem>>[vector<16xi32>, vector<16xi32>], vector<16xf32>,
        %gather3A_744 = tpu.vector_load_idx %arg6[%add3A_704, %and3A_69] : memref<512x32xf32, #tpu.memory_space<vmem>>[vector<16xi32>, vector<16xi32>], vector<16xf32>,
        %mul3A_745 = arith.constant 5.65685415 : f32
        %mul3A_746 = vector.broadcast %mul3A_745 : f32 to vector<16xf32>
        %mul3A_747 = arith.mulf %gather3A_744, %mul3A_746 : vector<16xf32>
        tpu.vector_store_idx %arg8[%and3A_69, %add3A_704], %mul3A_747 : memref<32x512xf32, #tpu.memory_space<vmem>>[vector<16xi32>, vector<16xi32>], vector<16xf32>,
        %gather3A_748 = tpu.vector_load_idx %arg6[%add3A_704, %and3A_75] : memref<512x32xf32, #tpu.memory_space<vmem>>[vector<16xi32>, vector<16xi32>], vector<16xf32>,
        %mul3A_749 = arith.constant 5.65685415 : f32
        %mul3A_750 = vector.broadcast %mul3A_749 : f32 to vector<16xf32>
        %mul3A_751 = arith.mulf %gather3A_748, %mul3A_750 : vector<16xf32>
        tpu.vector_store_idx %arg8[%and3A_75, %add3A_704], %mul3A_751 : memref<32x512xf32, #tpu.memory_space<vmem>>[vector<16xi32>, vector<16xi32>], vector<16xf32>,
        %gather3A_752 = tpu.vector_load_idx %arg6[%add3A_704, %and3A_81] : memref<512x32xf32, #tpu.memory_space<vmem>>[vector<16xi32>, vector<16xi32>], vector<16xf32>,
        %mul3A_753 = arith.constant 5.65685415 : f32
        %mul3A_754 = vector.broadcast %mul3A_753 : f32 to vector<16xf32>
        %mul3A_755 = arith.mulf %gather3A_752, %mul3A_754 : vector<16xf32>
        tpu.vector_store_idx %arg8[%and3A_81, %add3A_704], %mul3A_755 : memref<32x512xf32, #tpu.memory_space<vmem>>[vector<16xi32>, vector<16xi32>], vector<16xf32>,
        %gather3A_756 = tpu.vector_load_idx %arg6[%add3A_704, %and3A_87] : memref<512x32xf32, #tpu.memory_space<vmem>>[vector<16xi32>, vector<16xi32>], vector<16xf32>,
        %mul3A_757 = arith.constant 5.65685415 : f32
        %mul3A_758 = vector.broadcast %mul3A_757 : f32 to vector<16xf32>
        %mul3A_759 = arith.mulf %gather3A_756, %mul3A_758 : vector<16xf32>
        tpu.vector_store_idx %arg8[%and3A_87, %add3A_704], %mul3A_759 : memref<32x512xf32, #tpu.memory_space<vmem>>[vector<16xi32>, vector<16xi32>], vector<16xf32>,
        %gather3A_760 = tpu.vector_load_idx %arg6[%add3A_704, %and3A_93] : memref<512x32xf32, #tpu.memory_space<vmem>>[vector<16xi32>, vector<16xi32>], vector<16xf32>,
        %mul3A_761 = arith.constant 5.65685415 : f32
        %mul3A_762 = vector.broadcast %mul3A_761 : f32 to vector<16xf32>
        %mul3A_763 = arith.mulf %gather3A_760, %mul3A_762 : vector<16xf32>
        tpu.vector_store_idx %arg8[%and3A_93, %add3A_704], %mul3A_763 : memref<32x512xf32, #tpu.memory_space<vmem>>[vector<16xi32>, vector<16xi32>], vector<16xf32>,
        %gather3A_764 = tpu.vector_load_idx %arg6[%add3A_704, %and3A_99] : memref<512x32xf32, #tpu.memory_space<vmem>>[vector<16xi32>, vector<16xi32>], vector<16xf32>,
        %mul3A_765 = arith.constant 5.65685415 : f32
        %mul3A_766 = vector.broadcast %mul3A_765 : f32 to vector<16xf32>
        %mul3A_767 = arith.mulf %gather3A_764, %mul3A_766 : vector<16xf32>
        tpu.vector_store_idx %arg8[%and3A_99, %add3A_704], %mul3A_767 : memref<32x512xf32, #tpu.memory_space<vmem>>[vector<16xi32>, vector<16xi32>], vector<16xf32>,
        %gather3A_768 = tpu.vector_load_idx %arg6[%add3A_704, %and3A_105] : memref<512x32xf32, #tpu.memory_space<vmem>>[vector<16xi32>, vector<16xi32>], vector<16xf32>,
        %mul3A_769 = arith.constant 5.65685415 : f32
        %mul3A_770 = vector.broadcast %mul3A_769 : f32 to vector<16xf32>
        %mul3A_771 = arith.mulf %gather3A_768, %mul3A_770 : vector<16xf32>
        tpu.vector_store_idx %arg8[%and3A_105, %add3A_704], %mul3A_771 : memref<32x512xf32, #tpu.memory_space<vmem>>[vector<16xi32>, vector<16xi32>], vector<16xf32>,
        %gather3A_772 = tpu.vector_load_idx %arg6[%add3A_704, %and3A_111] : memref<512x32xf32, #tpu.memory_space<vmem>>[vector<16xi32>, vector<16xi32>], vector<16xf32>,
        %mul3A_773 = arith.constant 5.65685415 : f32
        %mul3A_774 = vector.broadcast %mul3A_773 : f32 to vector<16xf32>
        %mul3A_775 = arith.mulf %gather3A_772, %mul3A_774 : vector<16xf32>
        tpu.vector_store_idx %arg8[%and3A_111, %add3A_704], %mul3A_775 : memref<32x512xf32, #tpu.memory_space<vmem>>[vector<16xi32>, vector<16xi32>], vector<16xf32>,
        %gather3A_776 = tpu.vector_load_idx %arg6[%add3A_704, %and3A_117] : memref<512x32xf32, #tpu.memory_space<vmem>>[vector<16xi32>, vector<16xi32>], vector<16xf32>,
        %mul3A_777 = arith.constant 5.65685415 : f32
        %mul3A_778 = vector.broadcast %mul3A_777 : f32 to vector<16xf32>
        %mul3A_779 = arith.mulf %gather3A_776, %mul3A_778 : vector<16xf32>
        tpu.vector_store_idx %arg8[%and3A_117, %add3A_704], %mul3A_779 : memref<32x512xf32, #tpu.memory_space<vmem>>[vector<16xi32>, vector<16xi32>], vector<16xf32>,
        %gather3A_780 = tpu.vector_load_idx %arg6[%add3A_704, %and3A_123] : memref<512x32xf32, #tpu.memory_space<vmem>>[vector<16xi32>, vector<16xi32>], vector<16xf32>,
        %mul3A_781 = arith.constant 5.65685415 : f32
        %mul3A_782 = vector.broadcast %mul3A_781 : f32 to vector<16xf32>
        %mul3A_783 = arith.mulf %gather3A_780, %mul3A_782 : vector<16xf32>
        tpu.vector_store_idx %arg8[%and3A_123, %add3A_704], %mul3A_783 : memref<32x512xf32, #tpu.memory_space<vmem>>[vector<16xi32>, vector<16xi32>], vector<16xf32>,
        %gather3A_784 = tpu.vector_load_idx %arg6[%add3A_704, %and3A_129] : memref<512x32xf32, #tpu.memory_space<vmem>>[vector<16xi32>, vector<16xi32>], vector<16xf32>,
        %mul3A_785 = arith.constant 5.65685415 : f32
        %mul3A_786 = vector.broadcast %mul3A_785 : f32 to vector<16xf32>
        %mul3A_787 = arith.mulf %gather3A_784, %mul3A_786 : vector<16xf32>
        tpu.vector_store_idx %arg8[%and3A_129, %add3A_704], %mul3A_787 : memref<32x512xf32, #tpu.memory_space<vmem>>[vector<16xi32>, vector<16xi32>], vector<16xf32>,
        %gather3A_788 = tpu.vector_load_idx %arg6[%add3A_704, %and3A_135] : memref<512x32xf32, #tpu.memory_space<vmem>>[vector<16xi32>, vector<16xi32>], vector<16xf32>,
        %mul3A_789 = arith.constant 5.65685415 : f32
        %mul3A_790 = vector.broadcast %mul3A_789 : f32 to vector<16xf32>
        %mul3A_791 = arith.mulf %gather3A_788, %mul3A_790 : vector<16xf32>
        tpu.vector_store_idx %arg8[%and3A_135, %add3A_704], %mul3A_791 : memref<32x512xf32, #tpu.memory_space<vmem>>[vector<16xi32>, vector<16xi32>], vector<16xf32>,
        %gather3A_792 = tpu.vector_load_idx %arg6[%add3A_704, %and3A_141] : memref<512x32xf32, #tpu.memory_space<vmem>>[vector<16xi32>, vector<16xi32>], vector<16xf32>,
        %mul3A_793 = arith.constant 5.65685415 : f32
        %mul3A_794 = vector.broadcast %mul3A_793 : f32 to vector<16xf32>
        %mul3A_795 = arith.mulf %gather3A_792, %mul3A_794 : vector<16xf32>
        tpu.vector_store_idx %arg8[%and3A_141, %add3A_704], %mul3A_795 : memref<32x512xf32, #tpu.memory_space<vmem>>[vector<16xi32>, vector<16xi32>], vector<16xf32>,
        %gather3A_796 = tpu.vector_load_idx %arg6[%add3A_704, %and3A_147] : memref<512x32xf32, #tpu.memory_space<vmem>>[vector<16xi32>, vector<16xi32>], vector<16xf32>,
        %mul3A_797 = arith.constant 5.65685415 : f32
        %mul3A_798 = vector.broadcast %mul3A_797 : f32 to vector<16xf32>
        %mul3A_799 = arith.mulf %gather3A_796, %mul3A_798 : vector<16xf32>
        tpu.vector_store_idx %arg8[%and3A_147, %add3A_704], %mul3A_799 : memref<32x512xf32, #tpu.memory_space<vmem>>[vector<16xi32>, vector<16xi32>], vector<16xf32>,
        %gather3A_800 = tpu.vector_load_idx %arg6[%add3A_704, %and3A_153] : memref<512x32xf32, #tpu.memory_space<vmem>>[vector<16xi32>, vector<16xi32>], vector<16xf32>,
        %mul3A_801 = arith.constant 5.65685415 : f32
        %mul3A_802 = vector.broadcast %mul3A_801 : f32 to vector<16xf32>
        %mul3A_803 = arith.mulf %gather3A_800, %mul3A_802 : vector<16xf32>
        tpu.vector_store_idx %arg8[%and3A_153, %add3A_704], %mul3A_803 : memref<32x512xf32, #tpu.memory_space<vmem>>[vector<16xi32>, vector<16xi32>], vector<16xf32>,
        %gather3A_804 = tpu.vector_load_idx %arg6[%add3A_704, %and3A_159] : memref<512x32xf32, #tpu.memory_space<vmem>>[vector<16xi32>, vector<16xi32>], vector<16xf32>,
        %mul3A_805 = arith.constant 5.65685415 : f32
        %mul3A_806 = vector.broadcast %mul3A_805 : f32 to vector<16xf32>
        %mul3A_807 = arith.mulf %gather3A_804, %mul3A_806 : vector<16xf32>
        tpu.vector_store_idx %arg8[%and3A_159, %add3A_704], %mul3A_807 : memref<32x512xf32, #tpu.memory_space<vmem>>[vector<16xi32>, vector<16xi32>], vector<16xf32>,
        %gather3A_808 = tpu.vector_load_idx %arg6[%add3A_704, %and3A_165] : memref<512x32xf32, #tpu.memory_space<vmem>>[vector<16xi32>, vector<16xi32>], vector<16xf32>,
        %mul3A_809 = arith.constant 5.65685415 : f32
        %mul3A_810 = vector.broadcast %mul3A_809 : f32 to vector<16xf32>
        %mul3A_811 = arith.mulf %gather3A_808, %mul3A_810 : vector<16xf32>
        tpu.vector_store_idx %arg8[%and3A_165, %add3A_704], %mul3A_811 : memref<32x512xf32, #tpu.memory_space<vmem>>[vector<16xi32>, vector<16xi32>], vector<16xf32>,
        %gather3A_812 = tpu.vector_load_idx %arg6[%add3A_704, %and3A_171] : memref<512x32xf32, #tpu.memory_space<vmem>>[vector<16xi32>, vector<16xi32>], vector<16xf32>,
        %mul3A_813 = arith.constant 5.65685415 : f32
        %mul3A_814 = vector.broadcast %mul3A_813 : f32 to vector<16xf32>
        %mul3A_815 = arith.mulf %gather3A_812, %mul3A_814 : vector<16xf32>
        tpu.vector_store_idx %arg8[%and3A_171, %add3A_704], %mul3A_815 : memref<32x512xf32, #tpu.memory_space<vmem>>[vector<16xi32>, vector<16xi32>], vector<16xf32>,
        %gather3A_816 = tpu.vector_load_idx %arg6[%add3A_704, %and3A_177] : memref<512x32xf32, #tpu.memory_space<vmem>>[vector<16xi32>, vector<16xi32>], vector<16xf32>,
        %mul3A_817 = arith.constant 5.65685415 : f32
        %mul3A_818 = vector.broadcast %mul3A_817 : f32 to vector<16xf32>
        %mul3A_819 = arith.mulf %gather3A_816, %mul3A_818 : vector<16xf32>
        tpu.vector_store_idx %arg8[%and3A_177, %add3A_704], %mul3A_819 : memref<32x512xf32, #tpu.memory_space<vmem>>[vector<16xi32>, vector<16xi32>], vector<16xf32>,
        %gather3A_820 = tpu.vector_load_idx %arg6[%add3A_704, %and3A_183] : memref<512x32xf32, #tpu.memory_space<vmem>>[vector<16xi32>, vector<16xi32>], vector<16xf32>,
        %mul3A_821 = arith.constant 5.65685415 : f32
        %mul3A_822 = vector.broadcast %mul3A_821 : f32 to vector<16xf32>
        %mul3A_823 = arith.mulf %gather3A_820, %mul3A_822 : vector<16xf32>
        tpu.vector_store_idx %arg8[%and3A_183, %add3A_704], %mul3A_823 : memref<32x512xf32, #tpu.memory_space<vmem>>[vector<16xi32>, vector<16xi32>], vector<16xf32>,
        %gather3A_824 = tpu.vector_load_idx %arg6[%add3A_704, %and3A_189] : memref<512x32xf32, #tpu.memory_space<vmem>>[vector<16xi32>, vector<16xi32>], vector<16xf32>,
        %mul3A_825 = arith.constant 5.65685415 : f32
        %mul3A_826 = vector.broadcast %mul3A_825 : f32 to vector<16xf32>
        %mul3A_827 = arith.mulf %gather3A_824, %mul3A_826 : vector<16xf32>
        tpu.vector_store_idx %arg8[%and3A_189, %add3A_704], %mul3A_827 : memref<32x512xf32, #tpu.memory_space<vmem>>[vector<16xi32>, vector<16xi32>], vector<16xf32>,
        %gather3A_828 = tpu.vector_load_idx %arg6[%add3A_704, %and3A_195] : memref<512x32xf32, #tpu.memory_space<vmem>>[vector<16xi32>, vector<16xi32>], vector<16xf32>,
        %mul3A_829 = arith.constant 5.65685415 : f32
        %mul3A_830 = vector.broadcast %mul3A_829 : f32 to vector<16xf32>
        %mul3A_831 = arith.mulf %gather3A_828, %mul3A_830 : vector<16xf32>
        tpu.vector_store_idx %arg8[%and3A_195, %add3A_704], %mul3A_831 : memref<32x512xf32, #tpu.memory_space<vmem>>[vector<16xi32>, vector<16xi32>], vector<16xf32>,
        %scan3A_832 = arith.constant 1 : i32
        %scan3A_833 = arith.addi %scan3A_700, %scan3A_832 : i32
        %mul3A_834 = arith.constant 16 : i32
        %mul3A_835 = arith.muli %scan3A_833, %mul3A_834 : i32
        %add3A_836 = vector.broadcast %mul3A_835 : i32 to vector<16xi32>
        %add3A_837 = arith.addi %add3A_836, %iota3A : vector<16xi32>
        %gather3A_838 = tpu.vector_load_idx %arg6[%add3A_837, %and3A_9] : memref<512x32xf32, #tpu.memory_space<vmem>>[vector<16xi32>, vector<16xi32>], vector<16xf32>,
        %mul3A_839 = arith.constant 5.65685415 : f32
        %mul3A_840 = vector.broadcast %mul3A_839 : f32 to vector<16xf32>
        %mul3A_841 = arith.mulf %gather3A_838, %mul3A_840 : vector<16xf32>
        tpu.vector_store_idx %arg8[%and3A_9, %add3A_837], %mul3A_841 : memref<32x512xf32, #tpu.memory_space<vmem>>[vector<16xi32>, vector<16xi32>], vector<16xf32>,
        %gather3A_842 = tpu.vector_load_idx %arg6[%add3A_837, %and3A_15] : memref<512x32xf32, #tpu.memory_space<vmem>>[vector<16xi32>, vector<16xi32>], vector<16xf32>,
        %mul3A_843 = arith.constant 5.65685415 : f32
        %mul3A_844 = vector.broadcast %mul3A_843 : f32 to vector<16xf32>
        %mul3A_845 = arith.mulf %gather3A_842, %mul3A_844 : vector<16xf32>
        tpu.vector_store_idx %arg8[%and3A_15, %add3A_837], %mul3A_845 : memref<32x512xf32, #tpu.memory_space<vmem>>[vector<16xi32>, vector<16xi32>], vector<16xf32>,
        %gather3A_846 = tpu.vector_load_idx %arg6[%add3A_837, %and3A_21] : memref<512x32xf32, #tpu.memory_space<vmem>>[vector<16xi32>, vector<16xi32>], vector<16xf32>,
        %mul3A_847 = arith.constant 5.65685415 : f32
        %mul3A_848 = vector.broadcast %mul3A_847 : f32 to vector<16xf32>
        %mul3A_849 = arith.mulf %gather3A_846, %mul3A_848 : vector<16xf32>
        tpu.vector_store_idx %arg8[%and3A_21, %add3A_837], %mul3A_849 : memref<32x512xf32, #tpu.memory_space<vmem>>[vector<16xi32>, vector<16xi32>], vector<16xf32>,
        %gather3A_850 = tpu.vector_load_idx %arg6[%add3A_837, %and3A_27] : memref<512x32xf32, #tpu.memory_space<vmem>>[vector<16xi32>, vector<16xi32>], vector<16xf32>,
        %mul3A_851 = arith.constant 5.65685415 : f32
        %mul3A_852 = vector.broadcast %mul3A_851 : f32 to vector<16xf32>
        %mul3A_853 = arith.mulf %gather3A_850, %mul3A_852 : vector<16xf32>
        tpu.vector_store_idx %arg8[%and3A_27, %add3A_837], %mul3A_853 : memref<32x512xf32, #tpu.memory_space<vmem>>[vector<16xi32>, vector<16xi32>], vector<16xf32>,
        %gather3A_854 = tpu.vector_load_idx %arg6[%add3A_837, %and3A_33] : memref<512x32xf32, #tpu.memory_space<vmem>>[vector<16xi32>, vector<16xi32>], vector<16xf32>,
        %mul3A_855 = arith.constant 5.65685415 : f32
        %mul3A_856 = vector.broadcast %mul3A_855 : f32 to vector<16xf32>
        %mul3A_857 = arith.mulf %gather3A_854, %mul3A_856 : vector<16xf32>
        tpu.vector_store_idx %arg8[%and3A_33, %add3A_837], %mul3A_857 : memref<32x512xf32, #tpu.memory_space<vmem>>[vector<16xi32>, vector<16xi32>], vector<16xf32>,
        %gather3A_858 = tpu.vector_load_idx %arg6[%add3A_837, %and3A_39] : memref<512x32xf32, #tpu.memory_space<vmem>>[vector<16xi32>, vector<16xi32>], vector<16xf32>,
        %mul3A_859 = arith.constant 5.65685415 : f32
        %mul3A_860 = vector.broadcast %mul3A_859 : f32 to vector<16xf32>
        %mul3A_861 = arith.mulf %gather3A_858, %mul3A_860 : vector<16xf32>
        tpu.vector_store_idx %arg8[%and3A_39, %add3A_837], %mul3A_861 : memref<32x512xf32, #tpu.memory_space<vmem>>[vector<16xi32>, vector<16xi32>], vector<16xf32>,
        %gather3A_862 = tpu.vector_load_idx %arg6[%add3A_837, %and3A_45] : memref<512x32xf32, #tpu.memory_space<vmem>>[vector<16xi32>, vector<16xi32>], vector<16xf32>,
        %mul3A_863 = arith.constant 5.65685415 : f32
        %mul3A_864 = vector.broadcast %mul3A_863 : f32 to vector<16xf32>
        %mul3A_865 = arith.mulf %gather3A_862, %mul3A_864 : vector<16xf32>
        tpu.vector_store_idx %arg8[%and3A_45, %add3A_837], %mul3A_865 : memref<32x512xf32, #tpu.memory_space<vmem>>[vector<16xi32>, vector<16xi32>], vector<16xf32>,
        %gather3A_866 = tpu.vector_load_idx %arg6[%add3A_837, %and3A_51] : memref<512x32xf32, #tpu.memory_space<vmem>>[vector<16xi32>, vector<16xi32>], vector<16xf32>,
        %mul3A_867 = arith.constant 5.65685415 : f32
        %mul3A_868 = vector.broadcast %mul3A_867 : f32 to vector<16xf32>
        %mul3A_869 = arith.mulf %gather3A_866, %mul3A_868 : vector<16xf32>
        tpu.vector_store_idx %arg8[%and3A_51, %add3A_837], %mul3A_869 : memref<32x512xf32, #tpu.memory_space<vmem>>[vector<16xi32>, vector<16xi32>], vector<16xf32>,
        %gather3A_870 = tpu.vector_load_idx %arg6[%add3A_837, %and3A_57] : memref<512x32xf32, #tpu.memory_space<vmem>>[vector<16xi32>, vector<16xi32>], vector<16xf32>,
        %mul3A_871 = arith.constant 5.65685415 : f32
        %mul3A_872 = vector.broadcast %mul3A_871 : f32 to vector<16xf32>
        %mul3A_873 = arith.mulf %gather3A_870, %mul3A_872 : vector<16xf32>
        tpu.vector_store_idx %arg8[%and3A_57, %add3A_837], %mul3A_873 : memref<32x512xf32, #tpu.memory_space<vmem>>[vector<16xi32>, vector<16xi32>], vector<16xf32>,
        %gather3A_874 = tpu.vector_load_idx %arg6[%add3A_837, %and3A_63] : memref<512x32xf32, #tpu.memory_space<vmem>>[vector<16xi32>, vector<16xi32>], vector<16xf32>,
        %mul3A_875 = arith.constant 5.65685415 : f32
        %mul3A_876 = vector.broadcast %mul3A_875 : f32 to vector<16xf32>
        %mul3A_877 = arith.mulf %gather3A_874, %mul3A_876 : vector<16xf32>
        tpu.vector_store_idx %arg8[%and3A_63, %add3A_837], %mul3A_877 : memref<32x512xf32, #tpu.memory_space<vmem>>[vector<16xi32>, vector<16xi32>], vector<16xf32>,
        %gather3A_878 = tpu.vector_load_idx %arg6[%add3A_837, %and3A_69] : memref<512x32xf32, #tpu.memory_space<vmem>>[vector<16xi32>, vector<16xi32>], vector<16xf32>,
        %mul3A_879 = arith.constant 5.65685415 : f32
        %mul3A_880 = vector.broadcast %mul3A_879 : f32 to vector<16xf32>
        %mul3A_881 = arith.mulf %gather3A_878, %mul3A_880 : vector<16xf32>
        tpu.vector_store_idx %arg8[%and3A_69, %add3A_837], %mul3A_881 : memref<32x512xf32, #tpu.memory_space<vmem>>[vector<16xi32>, vector<16xi32>], vector<16xf32>,
        %gather3A_882 = tpu.vector_load_idx %arg6[%add3A_837, %and3A_75] : memref<512x32xf32, #tpu.memory_space<vmem>>[vector<16xi32>, vector<16xi32>], vector<16xf32>,
        %mul3A_883 = arith.constant 5.65685415 : f32
        %mul3A_884 = vector.broadcast %mul3A_883 : f32 to vector<16xf32>
        %mul3A_885 = arith.mulf %gather3A_882, %mul3A_884 : vector<16xf32>
        tpu.vector_store_idx %arg8[%and3A_75, %add3A_837], %mul3A_885 : memref<32x512xf32, #tpu.memory_space<vmem>>[vector<16xi32>, vector<16xi32>], vector<16xf32>,
        %gather3A_886 = tpu.vector_load_idx %arg6[%add3A_837, %and3A_81] : memref<512x32xf32, #tpu.memory_space<vmem>>[vector<16xi32>, vector<16xi32>], vector<16xf32>,
        %mul3A_887 = arith.constant 5.65685415 : f32
        %mul3A_888 = vector.broadcast %mul3A_887 : f32 to vector<16xf32>
        %mul3A_889 = arith.mulf %gather3A_886, %mul3A_888 : vector<16xf32>
        tpu.vector_store_idx %arg8[%and3A_81, %add3A_837], %mul3A_889 : memref<32x512xf32, #tpu.memory_space<vmem>>[vector<16xi32>, vector<16xi32>], vector<16xf32>,
        %gather3A_890 = tpu.vector_load_idx %arg6[%add3A_837, %and3A_87] : memref<512x32xf32, #tpu.memory_space<vmem>>[vector<16xi32>, vector<16xi32>], vector<16xf32>,
        %mul3A_891 = arith.constant 5.65685415 : f32
        %mul3A_892 = vector.broadcast %mul3A_891 : f32 to vector<16xf32>
        %mul3A_893 = arith.mulf %gather3A_890, %mul3A_892 : vector<16xf32>
        tpu.vector_store_idx %arg8[%and3A_87, %add3A_837], %mul3A_893 : memref<32x512xf32, #tpu.memory_space<vmem>>[vector<16xi32>, vector<16xi32>], vector<16xf32>,
        %gather3A_894 = tpu.vector_load_idx %arg6[%add3A_837, %and3A_93] : memref<512x32xf32, #tpu.memory_space<vmem>>[vector<16xi32>, vector<16xi32>], vector<16xf32>,
        %mul3A_895 = arith.constant 5.65685415 : f32
        %mul3A_896 = vector.broadcast %mul3A_895 : f32 to vector<16xf32>
        %mul3A_897 = arith.mulf %gather3A_894, %mul3A_896 : vector<16xf32>
        tpu.vector_store_idx %arg8[%and3A_93, %add3A_837], %mul3A_897 : memref<32x512xf32, #tpu.memory_space<vmem>>[vector<16xi32>, vector<16xi32>], vector<16xf32>,
        %gather3A_898 = tpu.vector_load_idx %arg6[%add3A_837, %and3A_99] : memref<512x32xf32, #tpu.memory_space<vmem>>[vector<16xi32>, vector<16xi32>], vector<16xf32>,
        %mul3A_899 = arith.constant 5.65685415 : f32
        %mul3A_900 = vector.broadcast %mul3A_899 : f32 to vector<16xf32>
        %mul3A_901 = arith.mulf %gather3A_898, %mul3A_900 : vector<16xf32>
        tpu.vector_store_idx %arg8[%and3A_99, %add3A_837], %mul3A_901 : memref<32x512xf32, #tpu.memory_space<vmem>>[vector<16xi32>, vector<16xi32>], vector<16xf32>,
        %gather3A_902 = tpu.vector_load_idx %arg6[%add3A_837, %and3A_105] : memref<512x32xf32, #tpu.memory_space<vmem>>[vector<16xi32>, vector<16xi32>], vector<16xf32>,
        %mul3A_903 = arith.constant 5.65685415 : f32
        %mul3A_904 = vector.broadcast %mul3A_903 : f32 to vector<16xf32>
        %mul3A_905 = arith.mulf %gather3A_902, %mul3A_904 : vector<16xf32>
        tpu.vector_store_idx %arg8[%and3A_105, %add3A_837], %mul3A_905 : memref<32x512xf32, #tpu.memory_space<vmem>>[vector<16xi32>, vector<16xi32>], vector<16xf32>,
        %gather3A_906 = tpu.vector_load_idx %arg6[%add3A_837, %and3A_111] : memref<512x32xf32, #tpu.memory_space<vmem>>[vector<16xi32>, vector<16xi32>], vector<16xf32>,
        %mul3A_907 = arith.constant 5.65685415 : f32
        %mul3A_908 = vector.broadcast %mul3A_907 : f32 to vector<16xf32>
        %mul3A_909 = arith.mulf %gather3A_906, %mul3A_908 : vector<16xf32>
        tpu.vector_store_idx %arg8[%and3A_111, %add3A_837], %mul3A_909 : memref<32x512xf32, #tpu.memory_space<vmem>>[vector<16xi32>, vector<16xi32>], vector<16xf32>,
        %gather3A_910 = tpu.vector_load_idx %arg6[%add3A_837, %and3A_117] : memref<512x32xf32, #tpu.memory_space<vmem>>[vector<16xi32>, vector<16xi32>], vector<16xf32>,
        %mul3A_911 = arith.constant 5.65685415 : f32
        %mul3A_912 = vector.broadcast %mul3A_911 : f32 to vector<16xf32>
        %mul3A_913 = arith.mulf %gather3A_910, %mul3A_912 : vector<16xf32>
        tpu.vector_store_idx %arg8[%and3A_117, %add3A_837], %mul3A_913 : memref<32x512xf32, #tpu.memory_space<vmem>>[vector<16xi32>, vector<16xi32>], vector<16xf32>,
        %gather3A_914 = tpu.vector_load_idx %arg6[%add3A_837, %and3A_123] : memref<512x32xf32, #tpu.memory_space<vmem>>[vector<16xi32>, vector<16xi32>], vector<16xf32>,
        %mul3A_915 = arith.constant 5.65685415 : f32
        %mul3A_916 = vector.broadcast %mul3A_915 : f32 to vector<16xf32>
        %mul3A_917 = arith.mulf %gather3A_914, %mul3A_916 : vector<16xf32>
        tpu.vector_store_idx %arg8[%and3A_123, %add3A_837], %mul3A_917 : memref<32x512xf32, #tpu.memory_space<vmem>>[vector<16xi32>, vector<16xi32>], vector<16xf32>,
        %gather3A_918 = tpu.vector_load_idx %arg6[%add3A_837, %and3A_129] : memref<512x32xf32, #tpu.memory_space<vmem>>[vector<16xi32>, vector<16xi32>], vector<16xf32>,
        %mul3A_919 = arith.constant 5.65685415 : f32
        %mul3A_920 = vector.broadcast %mul3A_919 : f32 to vector<16xf32>
        %mul3A_921 = arith.mulf %gather3A_918, %mul3A_920 : vector<16xf32>
        tpu.vector_store_idx %arg8[%and3A_129, %add3A_837], %mul3A_921 : memref<32x512xf32, #tpu.memory_space<vmem>>[vector<16xi32>, vector<16xi32>], vector<16xf32>,
        %gather3A_922 = tpu.vector_load_idx %arg6[%add3A_837, %and3A_135] : memref<512x32xf32, #tpu.memory_space<vmem>>[vector<16xi32>, vector<16xi32>], vector<16xf32>,
        %mul3A_923 = arith.constant 5.65685415 : f32
        %mul3A_924 = vector.broadcast %mul3A_923 : f32 to vector<16xf32>
        %mul3A_925 = arith.mulf %gather3A_922, %mul3A_924 : vector<16xf32>
        tpu.vector_store_idx %arg8[%and3A_135, %add3A_837], %mul3A_925 : memref<32x512xf32, #tpu.memory_space<vmem>>[vector<16xi32>, vector<16xi32>], vector<16xf32>,
        %gather3A_926 = tpu.vector_load_idx %arg6[%add3A_837, %and3A_141] : memref<512x32xf32, #tpu.memory_space<vmem>>[vector<16xi32>, vector<16xi32>], vector<16xf32>,
        %mul3A_927 = arith.constant 5.65685415 : f32
        %mul3A_928 = vector.broadcast %mul3A_927 : f32 to vector<16xf32>
        %mul3A_929 = arith.mulf %gather3A_926, %mul3A_928 : vector<16xf32>
        tpu.vector_store_idx %arg8[%and3A_141, %add3A_837], %mul3A_929 : memref<32x512xf32, #tpu.memory_space<vmem>>[vector<16xi32>, vector<16xi32>], vector<16xf32>,
        %gather3A_930 = tpu.vector_load_idx %arg6[%add3A_837, %and3A_147] : memref<512x32xf32, #tpu.memory_space<vmem>>[vector<16xi32>, vector<16xi32>], vector<16xf32>,
        %mul3A_931 = arith.constant 5.65685415 : f32
        %mul3A_932 = vector.broadcast %mul3A_931 : f32 to vector<16xf32>
        %mul3A_933 = arith.mulf %gather3A_930, %mul3A_932 : vector<16xf32>
        tpu.vector_store_idx %arg8[%and3A_147, %add3A_837], %mul3A_933 : memref<32x512xf32, #tpu.memory_space<vmem>>[vector<16xi32>, vector<16xi32>], vector<16xf32>,
        %gather3A_934 = tpu.vector_load_idx %arg6[%add3A_837, %and3A_153] : memref<512x32xf32, #tpu.memory_space<vmem>>[vector<16xi32>, vector<16xi32>], vector<16xf32>,
        %mul3A_935 = arith.constant 5.65685415 : f32
        %mul3A_936 = vector.broadcast %mul3A_935 : f32 to vector<16xf32>
        %mul3A_937 = arith.mulf %gather3A_934, %mul3A_936 : vector<16xf32>
        tpu.vector_store_idx %arg8[%and3A_153, %add3A_837], %mul3A_937 : memref<32x512xf32, #tpu.memory_space<vmem>>[vector<16xi32>, vector<16xi32>], vector<16xf32>,
        %gather3A_938 = tpu.vector_load_idx %arg6[%add3A_837, %and3A_159] : memref<512x32xf32, #tpu.memory_space<vmem>>[vector<16xi32>, vector<16xi32>], vector<16xf32>,
        %mul3A_939 = arith.constant 5.65685415 : f32
        %mul3A_940 = vector.broadcast %mul3A_939 : f32 to vector<16xf32>
        %mul3A_941 = arith.mulf %gather3A_938, %mul3A_940 : vector<16xf32>
        tpu.vector_store_idx %arg8[%and3A_159, %add3A_837], %mul3A_941 : memref<32x512xf32, #tpu.memory_space<vmem>>[vector<16xi32>, vector<16xi32>], vector<16xf32>,
        %gather3A_942 = tpu.vector_load_idx %arg6[%add3A_837, %and3A_165] : memref<512x32xf32, #tpu.memory_space<vmem>>[vector<16xi32>, vector<16xi32>], vector<16xf32>,
        %mul3A_943 = arith.constant 5.65685415 : f32
        %mul3A_944 = vector.broadcast %mul3A_943 : f32 to vector<16xf32>
        %mul3A_945 = arith.mulf %gather3A_942, %mul3A_944 : vector<16xf32>
        tpu.vector_store_idx %arg8[%and3A_165, %add3A_837], %mul3A_945 : memref<32x512xf32, #tpu.memory_space<vmem>>[vector<16xi32>, vector<16xi32>], vector<16xf32>,
        %gather3A_946 = tpu.vector_load_idx %arg6[%add3A_837, %and3A_171] : memref<512x32xf32, #tpu.memory_space<vmem>>[vector<16xi32>, vector<16xi32>], vector<16xf32>,
        %mul3A_947 = arith.constant 5.65685415 : f32
        %mul3A_948 = vector.broadcast %mul3A_947 : f32 to vector<16xf32>
        %mul3A_949 = arith.mulf %gather3A_946, %mul3A_948 : vector<16xf32>
        tpu.vector_store_idx %arg8[%and3A_171, %add3A_837], %mul3A_949 : memref<32x512xf32, #tpu.memory_space<vmem>>[vector<16xi32>, vector<16xi32>], vector<16xf32>,
        %gather3A_950 = tpu.vector_load_idx %arg6[%add3A_837, %and3A_177] : memref<512x32xf32, #tpu.memory_space<vmem>>[vector<16xi32>, vector<16xi32>], vector<16xf32>,
        %mul3A_951 = arith.constant 5.65685415 : f32
        %mul3A_952 = vector.broadcast %mul3A_951 : f32 to vector<16xf32>
        %mul3A_953 = arith.mulf %gather3A_950, %mul3A_952 : vector<16xf32>
        tpu.vector_store_idx %arg8[%and3A_177, %add3A_837], %mul3A_953 : memref<32x512xf32, #tpu.memory_space<vmem>>[vector<16xi32>, vector<16xi32>], vector<16xf32>,
        %gather3A_954 = tpu.vector_load_idx %arg6[%add3A_837, %and3A_183] : memref<512x32xf32, #tpu.memory_space<vmem>>[vector<16xi32>, vector<16xi32>], vector<16xf32>,
        %mul3A_955 = arith.constant 5.65685415 : f32
        %mul3A_956 = vector.broadcast %mul3A_955 : f32 to vector<16xf32>
        %mul3A_957 = arith.mulf %gather3A_954, %mul3A_956 : vector<16xf32>
        tpu.vector_store_idx %arg8[%and3A_183, %add3A_837], %mul3A_957 : memref<32x512xf32, #tpu.memory_space<vmem>>[vector<16xi32>, vector<16xi32>], vector<16xf32>,
        %gather3A_958 = tpu.vector_load_idx %arg6[%add3A_837, %and3A_189] : memref<512x32xf32, #tpu.memory_space<vmem>>[vector<16xi32>, vector<16xi32>], vector<16xf32>,
        %mul3A_959 = arith.constant 5.65685415 : f32
        %mul3A_960 = vector.broadcast %mul3A_959 : f32 to vector<16xf32>
        %mul3A_961 = arith.mulf %gather3A_958, %mul3A_960 : vector<16xf32>
        tpu.vector_store_idx %arg8[%and3A_189, %add3A_837], %mul3A_961 : memref<32x512xf32, #tpu.memory_space<vmem>>[vector<16xi32>, vector<16xi32>], vector<16xf32>,
        %gather3A_962 = tpu.vector_load_idx %arg6[%add3A_837, %and3A_195] : memref<512x32xf32, #tpu.memory_space<vmem>>[vector<16xi32>, vector<16xi32>], vector<16xf32>,
        %mul3A_963 = arith.constant 5.65685415 : f32
        %mul3A_964 = vector.broadcast %mul3A_963 : f32 to vector<16xf32>
        %mul3A_965 = arith.mulf %gather3A_962, %mul3A_964 : vector<16xf32>
        tpu.vector_store_idx %arg8[%and3A_195, %add3A_837], %mul3A_965 : memref<32x512xf32, #tpu.memory_space<vmem>>[vector<16xi32>, vector<16xi32>], vector<16xf32>,
      }
      %scan3A_518 = arith.constant 32 : i32
      %ge3A = arith.constant 1 : i32
      %ge3A_519 = arith.cmpi sge, %scan3A_330, %ge3A : i32
      %convert_element_type3A = arith.extui %ge3A_519 : i1 to i32
      %cond3A = arith.constant 0 : i32
      %cond3A_520 = arith.cmpi ne, %convert_element_type3A, %cond3A : i32
      scf.if %cond3A_520 {
        %sub3A_700 = arith.constant 2 : i32
        %sub3A_701 = arith.subi %add3A_334, %sub3A_700 : i32
        %add3A_702 = arith.addi %mul3A_2, %sub3A_701 : i32
        %jit3A_703 = arith.constant 32 : i32
        %div3A_704 = arith.divsi %add3A_702, %jit3A_703 : i32
        %sign3A_705 = arith.constant 0 : i32
        %sign3A_706 = arith.cmpi sgt, %add3A_702, %sign3A_705 : i32
        %sign3A_707 = arith.extui %sign3A_706 : i1 to i32
        %sign3A_708 = arith.constant 0 : i32
        %sign3A_709 = arith.cmpi slt, %add3A_702, %sign3A_708 : i32
        %sign3A_710 = arith.extui %sign3A_709 : i1 to i32
        %sign3A_711 = arith.subi %sign3A_707, %sign3A_710 : i32
        %sign3A_712 = arith.constant 0 : i32
        %sign3A_713 = arith.cmpi sgt, %jit3A_703, %sign3A_712 : i32
        %sign3A_714 = arith.extui %sign3A_713 : i1 to i32
        %sign3A_715 = arith.constant 0 : i32
        %sign3A_716 = arith.cmpi slt, %jit3A_703, %sign3A_715 : i32
        %sign3A_717 = arith.extui %sign3A_716 : i1 to i32
        %sign3A_718 = arith.subi %sign3A_714, %sign3A_717 : i32
        %ne3A_719 = arith.cmpi ne, %sign3A_711, %sign3A_718 : i32
        %rem3A_720 = arith.remsi %add3A_702, %jit3A_703 : i32
        %ne3A_721 = arith.constant 0 : i32
        %ne3A_722 = arith.cmpi ne, %rem3A_720, %ne3A_721 : i32
        %and3A_723 = arith.andi %ne3A_719, %ne3A_722 : i1
        %sub3A_724 = arith.constant 1 : i32
        %sub3A_725 = arith.subi %div3A_704, %sub3A_724 : i32
        %select_n3A_726 = arith.select %and3A_723, %sub3A_725, %div3A_704 : i32
        %mul3A_727 = arith.constant 32 : i32
        %mul3A_728 = arith.muli %select_n3A_726, %mul3A_727 : i32
        %sub3A_729 = arith.subi %add3A_702, %mul3A_728 : i32
        %mul3A_730 = arith.constant 512 : i32
        %mul3A_731 = arith.muli %sub3A_729, %mul3A_730 : i32
        %dma_wait3A_732 = arith.constant 0 : i32
        %dma_wait3A_733 = tpu.memref_slice %arg4[%select_n3A_726, %dma_wait3A_732, %mul3A_731] : memref<50x32x16384xf32, #tpu.memory_space<hbm>> -> memref<1x32x512xf32, #tpu.memory_space<hbm>>
        %dma_wait3A_734 = tpu.memref_squeeze %dma_wait3A_733 : memref<1x32x512xf32, #tpu.memory_space<hbm>> -> memref<32x512xf32, #tpu.memory_space<hbm>>
        %dma_wait3A_735 = arith.constant 0 : i32
        %dma_wait3A_736 = tpu.memref_slice %arg4[%select_n3A_726, %dma_wait3A_735, %mul3A_731] : memref<50x32x16384xf32, #tpu.memory_space<hbm>> -> memref<1x32x512xf32, #tpu.memory_space<hbm>>
        %dma_wait3A_737 = tpu.memref_squeeze %dma_wait3A_736 : memref<1x32x512xf32, #tpu.memory_space<hbm>> -> memref<32x512xf32, #tpu.memory_space<hbm>>
        tpu.wait_dma2 semaphore(%arg12 : memref<!tpu.dma_semaphore, #tpu.memory_space<semaphore_mem>>) src(%arg8 : memref<32x512xf32, #tpu.memory_space<vmem>>) dst(%dma_wait3A_737 : memref<32x512xf32, #tpu.memory_space<hbm>>)
      } else {
      }
      %add3A_521 = arith.addi %mul3A_2, %add3A_334 : i32
      %jit3A_522 = arith.constant 32 : i32
      %div3A_523 = arith.divsi %add3A_521, %jit3A_522 : i32
      %sign3A_524 = arith.constant 0 : i32
      %sign3A_525 = arith.cmpi sgt, %add3A_521, %sign3A_524 : i32
      %sign3A_526 = arith.extui %sign3A_525 : i1 to i32
      %sign3A_527 = arith.constant 0 : i32
      %sign3A_528 = arith.cmpi slt, %add3A_521, %sign3A_527 : i32
      %sign3A_529 = arith.extui %sign3A_528 : i1 to i32
      %sign3A_530 = arith.subi %sign3A_526, %sign3A_529 : i32
      %sign3A_531 = arith.constant 0 : i32
      %sign3A_532 = arith.cmpi sgt, %jit3A_522, %sign3A_531 : i32
      %sign3A_533 = arith.extui %sign3A_532 : i1 to i32
      %sign3A_534 = arith.constant 0 : i32
      %sign3A_535 = arith.cmpi slt, %jit3A_522, %sign3A_534 : i32
      %sign3A_536 = arith.extui %sign3A_535 : i1 to i32
      %sign3A_537 = arith.subi %sign3A_533, %sign3A_536 : i32
      %ne3A_538 = arith.cmpi ne, %sign3A_530, %sign3A_537 : i32
      %rem3A_539 = arith.remsi %add3A_521, %jit3A_522 : i32
      %ne3A_540 = arith.constant 0 : i32
      %ne3A_541 = arith.cmpi ne, %rem3A_539, %ne3A_540 : i32
      %and3A_542 = arith.andi %ne3A_538, %ne3A_541 : i1
      %sub3A_543 = arith.constant 1 : i32
      %sub3A_544 = arith.subi %div3A_523, %sub3A_543 : i32
      %select_n3A_545 = arith.select %and3A_542, %sub3A_544, %div3A_523 : i32
      %mul3A_546 = arith.constant 32 : i32
      %mul3A_547 = arith.muli %select_n3A_545, %mul3A_546 : i32
      %sub3A_548 = arith.subi %add3A_521, %mul3A_547 : i32
      %mul3A_549 = arith.constant 512 : i32
      %mul3A_550 = arith.muli %sub3A_548, %mul3A_549 : i32
      %dma_start3A_551 = arith.constant 0 : i32
      %dma_start3A_552 = tpu.memref_slice %arg4[%select_n3A_545, %dma_start3A_551, %mul3A_550] : memref<50x32x16384xf32, #tpu.memory_space<hbm>> -> memref<1x32x512xf32, #tpu.memory_space<hbm>>
      %dma_start3A_553 = tpu.memref_squeeze %dma_start3A_552 : memref<1x32x512xf32, #tpu.memory_space<hbm>> -> memref<32x512xf32, #tpu.memory_space<hbm>>
      %dma_start3A_554 = arith.constant 0 : i32
      %dma_start3A_555 = tpu.memref_slice %arg4[%select_n3A_545, %dma_start3A_554, %mul3A_550] : memref<50x32x16384xf32, #tpu.memory_space<hbm>> -> memref<1x32x512xf32, #tpu.memory_space<hbm>>
      %dma_start3A_556 = tpu.memref_squeeze %dma_start3A_555 : memref<1x32x512xf32, #tpu.memory_space<hbm>> -> memref<32x512xf32, #tpu.memory_space<hbm>>
      tpu.enqueue_dma source(%arg8 : memref<32x512xf32, #tpu.memory_space<vmem>>) target(%dma_start3A_556 : memref<32x512xf32, #tpu.memory_space<hbm>>) target_semaphore(%arg12 : memref<!tpu.dma_semaphore, #tpu.memory_space<semaphore_mem>>)
      %mul3A_557 = arith.constant 2 : i32
      %mul3A_558 = arith.muli %mul3A_557, %scan3A_330 : i32
      %add3A_559 = arith.constant 1 : i32
      %add3A_560 = arith.addi %mul3A_558, %add3A_559 : i32
      %lt3A = arith.constant 24 : i32
      %lt3A_561 = arith.cmpi slt, %scan3A_330, %lt3A : i32
      %convert_element_type3A_562 = arith.extui %lt3A_561 : i1 to i32
      %cond3A_563 = arith.constant 0 : i32
      %cond3A_564 = arith.cmpi ne, %convert_element_type3A_562, %cond3A_563 : i32
      scf.if %cond3A_564 {
        %add3A_700 = arith.constant 1 : i32
        %add3A_701 = arith.addi %add3A_560, %add3A_700 : i32
        %mul3A_702 = arith.constant 512 : i32
        %mul3A_703 = arith.muli %add3A_701, %mul3A_702 : i32
        %add3A_704 = arith.constant 0 : i32
        %add3A_705 = arith.addi %mul3A_703, %add3A_704 : i32
        %mul3A_706 = arith.constant 512 : i32
        %mul3A_707 = arith.muli %add3A_701, %mul3A_706 : i32
        %add3A_708 = arith.constant 64 : i32
        %add3A_709 = arith.addi %mul3A_707, %add3A_708 : i32
        %mul3A_710 = arith.constant 512 : i32
        %mul3A_711 = arith.muli %add3A_701, %mul3A_710 : i32
        %add3A_712 = arith.constant 128 : i32
        %add3A_713 = arith.addi %mul3A_711, %add3A_712 : i32
        %mul3A_714 = arith.constant 512 : i32
        %mul3A_715 = arith.muli %add3A_701, %mul3A_714 : i32
        %add3A_716 = arith.constant 192 : i32
        %add3A_717 = arith.addi %mul3A_715, %add3A_716 : i32
        %mul3A_718 = arith.constant 512 : i32
        %mul3A_719 = arith.muli %add3A_701, %mul3A_718 : i32
        %add3A_720 = arith.constant 256 : i32
        %add3A_721 = arith.addi %mul3A_719, %add3A_720 : i32
        %mul3A_722 = arith.constant 512 : i32
        %mul3A_723 = arith.muli %add3A_701, %mul3A_722 : i32
        %add3A_724 = arith.constant 320 : i32
        %add3A_725 = arith.addi %mul3A_723, %add3A_724 : i32
        %mul3A_726 = arith.constant 512 : i32
        %mul3A_727 = arith.muli %add3A_701, %mul3A_726 : i32
        %add3A_728 = arith.constant 384 : i32
        %add3A_729 = arith.addi %mul3A_727, %add3A_728 : i32
        %mul3A_730 = arith.constant 512 : i32
        %mul3A_731 = arith.muli %add3A_701, %mul3A_730 : i32
        %add3A_732 = arith.constant 448 : i32
        %add3A_733 = arith.addi %mul3A_731, %add3A_732 : i32
        %dma_start3A_734 = arith.constant 0 : i32
        %dma_start3A_735 = arith.constant 0 : i32
        %dma_start3A_736 = tpu.memref_slice %arg6[%dma_start3A_734, %dma_start3A_735] : memref<512x32xf32, #tpu.memory_space<vmem>> -> memref<64x32xf32, #tpu.memory_space<vmem>>
        %dma_start3A_737 = tpu.memref_slice %arg5[%add3A_705] : memref<25600xi32, #tpu.memory_space<vmem>> -> memref<64xi32, #tpu.memory_space<vmem>>
        %dma_start3A_738 = arith.constant 0 : i32
        %dma_start3A_739 = arith.constant 0 : i32
        %dma_start3A_740 = tpu.memref_slice %arg3[%dma_start3A_738, %dma_start3A_739] : memref<1000000x32xf32, #tpu.memory_space<hbm>> -> memref<1000000x32xf32, #tpu.memory_space<hbm>>
        tpu.enqueue_indirect_dma source(%dma_start3A_740 : memref<1000000x32xf32, #tpu.memory_space<hbm>>) target(%dma_start3A_736 : memref<64x32xf32, #tpu.memory_space<vmem>>) offsets(%dma_start3A_737 : memref<64xi32, #tpu.memory_space<vmem>>) semaphore(%arg10 : memref<!tpu.dma_semaphore, #tpu.memory_space<semaphore_mem>>)
        %dma_start3A_741 = arith.constant 64 : i32
        %dma_start3A_742 = arith.constant 0 : i32
        %dma_start3A_743 = tpu.memref_slice %arg6[%dma_start3A_741, %dma_start3A_742] : memref<512x32xf32, #tpu.memory_space<vmem>> -> memref<64x32xf32, #tpu.memory_space<vmem>>
        %dma_start3A_744 = tpu.memref_slice %arg5[%add3A_709] : memref<25600xi32, #tpu.memory_space<vmem>> -> memref<64xi32, #tpu.memory_space<vmem>>
        %dma_start3A_745 = arith.constant 0 : i32
        %dma_start3A_746 = arith.constant 0 : i32
        %dma_start3A_747 = tpu.memref_slice %arg3[%dma_start3A_745, %dma_start3A_746] : memref<1000000x32xf32, #tpu.memory_space<hbm>> -> memref<1000000x32xf32, #tpu.memory_space<hbm>>
        tpu.enqueue_indirect_dma source(%dma_start3A_747 : memref<1000000x32xf32, #tpu.memory_space<hbm>>) target(%dma_start3A_743 : memref<64x32xf32, #tpu.memory_space<vmem>>) offsets(%dma_start3A_744 : memref<64xi32, #tpu.memory_space<vmem>>) semaphore(%arg10 : memref<!tpu.dma_semaphore, #tpu.memory_space<semaphore_mem>>)
        %dma_start3A_748 = arith.constant 128 : i32
        %dma_start3A_749 = arith.constant 0 : i32
        %dma_start3A_750 = tpu.memref_slice %arg6[%dma_start3A_748, %dma_start3A_749] : memref<512x32xf32, #tpu.memory_space<vmem>> -> memref<64x32xf32, #tpu.memory_space<vmem>>
        %dma_start3A_751 = tpu.memref_slice %arg5[%add3A_713] : memref<25600xi32, #tpu.memory_space<vmem>> -> memref<64xi32, #tpu.memory_space<vmem>>
        %dma_start3A_752 = arith.constant 0 : i32
        %dma_start3A_753 = arith.constant 0 : i32
        %dma_start3A_754 = tpu.memref_slice %arg3[%dma_start3A_752, %dma_start3A_753] : memref<1000000x32xf32, #tpu.memory_space<hbm>> -> memref<1000000x32xf32, #tpu.memory_space<hbm>>
        tpu.enqueue_indirect_dma source(%dma_start3A_754 : memref<1000000x32xf32, #tpu.memory_space<hbm>>) target(%dma_start3A_750 : memref<64x32xf32, #tpu.memory_space<vmem>>) offsets(%dma_start3A_751 : memref<64xi32, #tpu.memory_space<vmem>>) semaphore(%arg10 : memref<!tpu.dma_semaphore, #tpu.memory_space<semaphore_mem>>)
        %dma_start3A_755 = arith.constant 192 : i32
        %dma_start3A_756 = arith.constant 0 : i32
        %dma_start3A_757 = tpu.memref_slice %arg6[%dma_start3A_755, %dma_start3A_756] : memref<512x32xf32, #tpu.memory_space<vmem>> -> memref<64x32xf32, #tpu.memory_space<vmem>>
        %dma_start3A_758 = tpu.memref_slice %arg5[%add3A_717] : memref<25600xi32, #tpu.memory_space<vmem>> -> memref<64xi32, #tpu.memory_space<vmem>>
        %dma_start3A_759 = arith.constant 0 : i32
        %dma_start3A_760 = arith.constant 0 : i32
        %dma_start3A_761 = tpu.memref_slice %arg3[%dma_start3A_759, %dma_start3A_760] : memref<1000000x32xf32, #tpu.memory_space<hbm>> -> memref<1000000x32xf32, #tpu.memory_space<hbm>>
        tpu.enqueue_indirect_dma source(%dma_start3A_761 : memref<1000000x32xf32, #tpu.memory_space<hbm>>) target(%dma_start3A_757 : memref<64x32xf32, #tpu.memory_space<vmem>>) offsets(%dma_start3A_758 : memref<64xi32, #tpu.memory_space<vmem>>) semaphore(%arg10 : memref<!tpu.dma_semaphore, #tpu.memory_space<semaphore_mem>>)
        %dma_start3A_762 = arith.constant 256 : i32
        %dma_start3A_763 = arith.constant 0 : i32
        %dma_start3A_764 = tpu.memref_slice %arg6[%dma_start3A_762, %dma_start3A_763] : memref<512x32xf32, #tpu.memory_space<vmem>> -> memref<64x32xf32, #tpu.memory_space<vmem>>
        %dma_start3A_765 = tpu.memref_slice %arg5[%add3A_721] : memref<25600xi32, #tpu.memory_space<vmem>> -> memref<64xi32, #tpu.memory_space<vmem>>
        %dma_start3A_766 = arith.constant 0 : i32
        %dma_start3A_767 = arith.constant 0 : i32
        %dma_start3A_768 = tpu.memref_slice %arg3[%dma_start3A_766, %dma_start3A_767] : memref<1000000x32xf32, #tpu.memory_space<hbm>> -> memref<1000000x32xf32, #tpu.memory_space<hbm>>
        tpu.enqueue_indirect_dma source(%dma_start3A_768 : memref<1000000x32xf32, #tpu.memory_space<hbm>>) target(%dma_start3A_764 : memref<64x32xf32, #tpu.memory_space<vmem>>) offsets(%dma_start3A_765 : memref<64xi32, #tpu.memory_space<vmem>>) semaphore(%arg10 : memref<!tpu.dma_semaphore, #tpu.memory_space<semaphore_mem>>)
        %dma_start3A_769 = arith.constant 320 : i32
        %dma_start3A_770 = arith.constant 0 : i32
        %dma_start3A_771 = tpu.memref_slice %arg6[%dma_start3A_769, %dma_start3A_770] : memref<512x32xf32, #tpu.memory_space<vmem>> -> memref<64x32xf32, #tpu.memory_space<vmem>>
        %dma_start3A_772 = tpu.memref_slice %arg5[%add3A_725] : memref<25600xi32, #tpu.memory_space<vmem>> -> memref<64xi32, #tpu.memory_space<vmem>>
        %dma_start3A_773 = arith.constant 0 : i32
        %dma_start3A_774 = arith.constant 0 : i32
        %dma_start3A_775 = tpu.memref_slice %arg3[%dma_start3A_773, %dma_start3A_774] : memref<1000000x32xf32, #tpu.memory_space<hbm>> -> memref<1000000x32xf32, #tpu.memory_space<hbm>>
        tpu.enqueue_indirect_dma source(%dma_start3A_775 : memref<1000000x32xf32, #tpu.memory_space<hbm>>) target(%dma_start3A_771 : memref<64x32xf32, #tpu.memory_space<vmem>>) offsets(%dma_start3A_772 : memref<64xi32, #tpu.memory_space<vmem>>) semaphore(%arg10 : memref<!tpu.dma_semaphore, #tpu.memory_space<semaphore_mem>>)
        %dma_start3A_776 = arith.constant 384 : i32
        %dma_start3A_777 = arith.constant 0 : i32
        %dma_start3A_778 = tpu.memref_slice %arg6[%dma_start3A_776, %dma_start3A_777] : memref<512x32xf32, #tpu.memory_space<vmem>> -> memref<64x32xf32, #tpu.memory_space<vmem>>
        %dma_start3A_779 = tpu.memref_slice %arg5[%add3A_729] : memref<25600xi32, #tpu.memory_space<vmem>> -> memref<64xi32, #tpu.memory_space<vmem>>
        %dma_start3A_780 = arith.constant 0 : i32
        %dma_start3A_781 = arith.constant 0 : i32
        %dma_start3A_782 = tpu.memref_slice %arg3[%dma_start3A_780, %dma_start3A_781] : memref<1000000x32xf32, #tpu.memory_space<hbm>> -> memref<1000000x32xf32, #tpu.memory_space<hbm>>
        tpu.enqueue_indirect_dma source(%dma_start3A_782 : memref<1000000x32xf32, #tpu.memory_space<hbm>>) target(%dma_start3A_778 : memref<64x32xf32, #tpu.memory_space<vmem>>) offsets(%dma_start3A_779 : memref<64xi32, #tpu.memory_space<vmem>>) semaphore(%arg10 : memref<!tpu.dma_semaphore, #tpu.memory_space<semaphore_mem>>)
        %dma_start3A_783 = arith.constant 448 : i32
        %dma_start3A_784 = arith.constant 0 : i32
        %dma_start3A_785 = tpu.memref_slice %arg6[%dma_start3A_783, %dma_start3A_784] : memref<512x32xf32, #tpu.memory_space<vmem>> -> memref<64x32xf32, #tpu.memory_space<vmem>>
        %dma_start3A_786 = tpu.memref_slice %arg5[%add3A_733] : memref<25600xi32, #tpu.memory_space<vmem>> -> memref<64xi32, #tpu.memory_space<vmem>>
        %dma_start3A_787 = arith.constant 0 : i32
        %dma_start3A_788 = arith.constant 0 : i32
        %dma_start3A_789 = tpu.memref_slice %arg3[%dma_start3A_787, %dma_start3A_788] : memref<1000000x32xf32, #tpu.memory_space<hbm>> -> memref<1000000x32xf32, #tpu.memory_space<hbm>>
        tpu.enqueue_indirect_dma source(%dma_start3A_789 : memref<1000000x32xf32, #tpu.memory_space<hbm>>) target(%dma_start3A_785 : memref<64x32xf32, #tpu.memory_space<vmem>>) offsets(%dma_start3A_786 : memref<64xi32, #tpu.memory_space<vmem>>) semaphore(%arg10 : memref<!tpu.dma_semaphore, #tpu.memory_space<semaphore_mem>>)
      } else {
      }
      %mul3A_565 = arith.constant 512 : i32
      %mul3A_566 = arith.muli %add3A_560, %mul3A_565 : i32
      %add3A_567 = arith.constant 0 : i32
      %add3A_568 = arith.addi %mul3A_566, %add3A_567 : i32
      %mul3A_569 = arith.constant 512 : i32
      %mul3A_570 = arith.muli %add3A_560, %mul3A_569 : i32
      %add3A_571 = arith.constant 64 : i32
      %add3A_572 = arith.addi %mul3A_570, %add3A_571 : i32
      %mul3A_573 = arith.constant 512 : i32
      %mul3A_574 = arith.muli %add3A_560, %mul3A_573 : i32
      %add3A_575 = arith.constant 128 : i32
      %add3A_576 = arith.addi %mul3A_574, %add3A_575 : i32
      %mul3A_577 = arith.constant 512 : i32
      %mul3A_578 = arith.muli %add3A_560, %mul3A_577 : i32
      %add3A_579 = arith.constant 192 : i32
      %add3A_580 = arith.addi %mul3A_578, %add3A_579 : i32
      %mul3A_581 = arith.constant 512 : i32
      %mul3A_582 = arith.muli %add3A_560, %mul3A_581 : i32
      %add3A_583 = arith.constant 256 : i32
      %add3A_584 = arith.addi %mul3A_582, %add3A_583 : i32
      %mul3A_585 = arith.constant 512 : i32
      %mul3A_586 = arith.muli %add3A_560, %mul3A_585 : i32
      %add3A_587 = arith.constant 320 : i32
      %add3A_588 = arith.addi %mul3A_586, %add3A_587 : i32
      %mul3A_589 = arith.constant 512 : i32
      %mul3A_590 = arith.muli %add3A_560, %mul3A_589 : i32
      %add3A_591 = arith.constant 384 : i32
      %add3A_592 = arith.addi %mul3A_590, %add3A_591 : i32
      %mul3A_593 = arith.constant 512 : i32
      %mul3A_594 = arith.muli %add3A_560, %mul3A_593 : i32
      %add3A_595 = arith.constant 448 : i32
      %add3A_596 = arith.addi %mul3A_594, %add3A_595 : i32
      %dma_wait3A_597 = arith.constant 0 : i32
      %dma_wait3A_598 = arith.constant 0 : i32
      %dma_wait3A_599 = tpu.memref_slice %arg7[%dma_wait3A_597, %dma_wait3A_598] : memref<512x32xf32, #tpu.memory_space<vmem>> -> memref<64x32xf32, #tpu.memory_space<vmem>>
      %dma_wait3A_600 = tpu.memref_slice %arg5[%add3A_568] : memref<25600xi32, #tpu.memory_space<vmem>> -> memref<64xi32, #tpu.memory_space<vmem>>
      %dma_wait3A_601 = arith.constant 0 : i32
      %dma_wait3A_602 = arith.constant 0 : i32
      %dma_wait3A_603 = tpu.memref_slice %arg3[%dma_wait3A_601, %dma_wait3A_602] : memref<1000000x32xf32, #tpu.memory_space<hbm>> -> memref<1000000x32xf32, #tpu.memory_space<hbm>>
      tpu.wait_indirect_dma semaphore(%arg11 : memref<!tpu.dma_semaphore, #tpu.memory_space<semaphore_mem>>) src(%dma_wait3A_603 : memref<1000000x32xf32, #tpu.memory_space<hbm>>) dst(%dma_wait3A_599 : memref<64x32xf32, #tpu.memory_space<vmem>>)
      %dma_wait3A_604 = arith.constant 64 : i32
      %dma_wait3A_605 = arith.constant 0 : i32
      %dma_wait3A_606 = tpu.memref_slice %arg7[%dma_wait3A_604, %dma_wait3A_605] : memref<512x32xf32, #tpu.memory_space<vmem>> -> memref<64x32xf32, #tpu.memory_space<vmem>>
      %dma_wait3A_607 = tpu.memref_slice %arg5[%add3A_572] : memref<25600xi32, #tpu.memory_space<vmem>> -> memref<64xi32, #tpu.memory_space<vmem>>
      %dma_wait3A_608 = arith.constant 0 : i32
      %dma_wait3A_609 = arith.constant 0 : i32
      %dma_wait3A_610 = tpu.memref_slice %arg3[%dma_wait3A_608, %dma_wait3A_609] : memref<1000000x32xf32, #tpu.memory_space<hbm>> -> memref<1000000x32xf32, #tpu.memory_space<hbm>>
      tpu.wait_indirect_dma semaphore(%arg11 : memref<!tpu.dma_semaphore, #tpu.memory_space<semaphore_mem>>) src(%dma_wait3A_610 : memref<1000000x32xf32, #tpu.memory_space<hbm>>) dst(%dma_wait3A_606 : memref<64x32xf32, #tpu.memory_space<vmem>>)
      %dma_wait3A_611 = arith.constant 128 : i32
      %dma_wait3A_612 = arith.constant 0 : i32
      %dma_wait3A_613 = tpu.memref_slice %arg7[%dma_wait3A_611, %dma_wait3A_612] : memref<512x32xf32, #tpu.memory_space<vmem>> -> memref<64x32xf32, #tpu.memory_space<vmem>>
      %dma_wait3A_614 = tpu.memref_slice %arg5[%add3A_576] : memref<25600xi32, #tpu.memory_space<vmem>> -> memref<64xi32, #tpu.memory_space<vmem>>
      %dma_wait3A_615 = arith.constant 0 : i32
      %dma_wait3A_616 = arith.constant 0 : i32
      %dma_wait3A_617 = tpu.memref_slice %arg3[%dma_wait3A_615, %dma_wait3A_616] : memref<1000000x32xf32, #tpu.memory_space<hbm>> -> memref<1000000x32xf32, #tpu.memory_space<hbm>>
      tpu.wait_indirect_dma semaphore(%arg11 : memref<!tpu.dma_semaphore, #tpu.memory_space<semaphore_mem>>) src(%dma_wait3A_617 : memref<1000000x32xf32, #tpu.memory_space<hbm>>) dst(%dma_wait3A_613 : memref<64x32xf32, #tpu.memory_space<vmem>>)
      %dma_wait3A_618 = arith.constant 192 : i32
      %dma_wait3A_619 = arith.constant 0 : i32
      %dma_wait3A_620 = tpu.memref_slice %arg7[%dma_wait3A_618, %dma_wait3A_619] : memref<512x32xf32, #tpu.memory_space<vmem>> -> memref<64x32xf32, #tpu.memory_space<vmem>>
      %dma_wait3A_621 = tpu.memref_slice %arg5[%add3A_580] : memref<25600xi32, #tpu.memory_space<vmem>> -> memref<64xi32, #tpu.memory_space<vmem>>
      %dma_wait3A_622 = arith.constant 0 : i32
      %dma_wait3A_623 = arith.constant 0 : i32
      %dma_wait3A_624 = tpu.memref_slice %arg3[%dma_wait3A_622, %dma_wait3A_623] : memref<1000000x32xf32, #tpu.memory_space<hbm>> -> memref<1000000x32xf32, #tpu.memory_space<hbm>>
      tpu.wait_indirect_dma semaphore(%arg11 : memref<!tpu.dma_semaphore, #tpu.memory_space<semaphore_mem>>) src(%dma_wait3A_624 : memref<1000000x32xf32, #tpu.memory_space<hbm>>) dst(%dma_wait3A_620 : memref<64x32xf32, #tpu.memory_space<vmem>>)
      %dma_wait3A_625 = arith.constant 256 : i32
      %dma_wait3A_626 = arith.constant 0 : i32
      %dma_wait3A_627 = tpu.memref_slice %arg7[%dma_wait3A_625, %dma_wait3A_626] : memref<512x32xf32, #tpu.memory_space<vmem>> -> memref<64x32xf32, #tpu.memory_space<vmem>>
      %dma_wait3A_628 = tpu.memref_slice %arg5[%add3A_584] : memref<25600xi32, #tpu.memory_space<vmem>> -> memref<64xi32, #tpu.memory_space<vmem>>
      %dma_wait3A_629 = arith.constant 0 : i32
      %dma_wait3A_630 = arith.constant 0 : i32
      %dma_wait3A_631 = tpu.memref_slice %arg3[%dma_wait3A_629, %dma_wait3A_630] : memref<1000000x32xf32, #tpu.memory_space<hbm>> -> memref<1000000x32xf32, #tpu.memory_space<hbm>>
      tpu.wait_indirect_dma semaphore(%arg11 : memref<!tpu.dma_semaphore, #tpu.memory_space<semaphore_mem>>) src(%dma_wait3A_631 : memref<1000000x32xf32, #tpu.memory_space<hbm>>) dst(%dma_wait3A_627 : memref<64x32xf32, #tpu.memory_space<vmem>>)
      %dma_wait3A_632 = arith.constant 320 : i32
      %dma_wait3A_633 = arith.constant 0 : i32
      %dma_wait3A_634 = tpu.memref_slice %arg7[%dma_wait3A_632, %dma_wait3A_633] : memref<512x32xf32, #tpu.memory_space<vmem>> -> memref<64x32xf32, #tpu.memory_space<vmem>>
      %dma_wait3A_635 = tpu.memref_slice %arg5[%add3A_588] : memref<25600xi32, #tpu.memory_space<vmem>> -> memref<64xi32, #tpu.memory_space<vmem>>
      %dma_wait3A_636 = arith.constant 0 : i32
      %dma_wait3A_637 = arith.constant 0 : i32
      %dma_wait3A_638 = tpu.memref_slice %arg3[%dma_wait3A_636, %dma_wait3A_637] : memref<1000000x32xf32, #tpu.memory_space<hbm>> -> memref<1000000x32xf32, #tpu.memory_space<hbm>>
      tpu.wait_indirect_dma semaphore(%arg11 : memref<!tpu.dma_semaphore, #tpu.memory_space<semaphore_mem>>) src(%dma_wait3A_638 : memref<1000000x32xf32, #tpu.memory_space<hbm>>) dst(%dma_wait3A_634 : memref<64x32xf32, #tpu.memory_space<vmem>>)
      %dma_wait3A_639 = arith.constant 384 : i32
      %dma_wait3A_640 = arith.constant 0 : i32
      %dma_wait3A_641 = tpu.memref_slice %arg7[%dma_wait3A_639, %dma_wait3A_640] : memref<512x32xf32, #tpu.memory_space<vmem>> -> memref<64x32xf32, #tpu.memory_space<vmem>>
      %dma_wait3A_642 = tpu.memref_slice %arg5[%add3A_592] : memref<25600xi32, #tpu.memory_space<vmem>> -> memref<64xi32, #tpu.memory_space<vmem>>
      %dma_wait3A_643 = arith.constant 0 : i32
      %dma_wait3A_644 = arith.constant 0 : i32
      %dma_wait3A_645 = tpu.memref_slice %arg3[%dma_wait3A_643, %dma_wait3A_644] : memref<1000000x32xf32, #tpu.memory_space<hbm>> -> memref<1000000x32xf32, #tpu.memory_space<hbm>>
      tpu.wait_indirect_dma semaphore(%arg11 : memref<!tpu.dma_semaphore, #tpu.memory_space<semaphore_mem>>) src(%dma_wait3A_645 : memref<1000000x32xf32, #tpu.memory_space<hbm>>) dst(%dma_wait3A_641 : memref<64x32xf32, #tpu.memory_space<vmem>>)
      %dma_wait3A_646 = arith.constant 448 : i32
      %dma_wait3A_647 = arith.constant 0 : i32
      %dma_wait3A_648 = tpu.memref_slice %arg7[%dma_wait3A_646, %dma_wait3A_647] : memref<512x32xf32, #tpu.memory_space<vmem>> -> memref<64x32xf32, #tpu.memory_space<vmem>>
      %dma_wait3A_649 = tpu.memref_slice %arg5[%add3A_596] : memref<25600xi32, #tpu.memory_space<vmem>> -> memref<64xi32, #tpu.memory_space<vmem>>
      %dma_wait3A_650 = arith.constant 0 : i32
      %dma_wait3A_651 = arith.constant 0 : i32
      %dma_wait3A_652 = tpu.memref_slice %arg3[%dma_wait3A_650, %dma_wait3A_651] : memref<1000000x32xf32, #tpu.memory_space<hbm>> -> memref<1000000x32xf32, #tpu.memory_space<hbm>>
      tpu.wait_indirect_dma semaphore(%arg11 : memref<!tpu.dma_semaphore, #tpu.memory_space<semaphore_mem>>) src(%dma_wait3A_652 : memref<1000000x32xf32, #tpu.memory_space<hbm>>) dst(%dma_wait3A_648 : memref<64x32xf32, #tpu.memory_space<vmem>>)
      %scan3A_653 = arith.constant 0 : i32
      %scan3A_654 = arith.constant 0 : i32
      %scan3A_655 = arith.constant 32 : i32
      %scan3A_656 = arith.addi %scan3A_654, %scan3A_655 : i32
      %scan3A_657 = arith.constant 2 : i32
      scf.for %scan3A_700 = %scan3A_654 to %scan3A_656 step %scan3A_657  : i32 {
        %mul3A_701 = arith.constant 16 : i32
        %mul3A_702 = arith.muli %scan3A_700, %mul3A_701 : i32
        %add3A_703 = vector.broadcast %mul3A_702 : i32 to vector<16xi32>
        %add3A_704 = arith.addi %add3A_703, %iota3A : vector<16xi32>
        %gather3A = tpu.vector_load_idx %arg7[%add3A_704, %and3A_9] : memref<512x32xf32, #tpu.memory_space<vmem>>[vector<16xi32>, vector<16xi32>], vector<16xf32>,
        %mul3A_705 = arith.constant 5.65685415 : f32
        %mul3A_706 = vector.broadcast %mul3A_705 : f32 to vector<16xf32>
        %mul3A_707 = arith.mulf %gather3A, %mul3A_706 : vector<16xf32>
        tpu.vector_store_idx %arg9[%and3A_9, %add3A_704], %mul3A_707 : memref<32x512xf32, #tpu.memory_space<vmem>>[vector<16xi32>, vector<16xi32>], vector<16xf32>,
        %gather3A_708 = tpu.vector_load_idx %arg7[%add3A_704, %and3A_15] : memref<512x32xf32, #tpu.memory_space<vmem>>[vector<16xi32>, vector<16xi32>], vector<16xf32>,
        %mul3A_709 = arith.constant 5.65685415 : f32
        %mul3A_710 = vector.broadcast %mul3A_709 : f32 to vector<16xf32>
        %mul3A_711 = arith.mulf %gather3A_708, %mul3A_710 : vector<16xf32>
        tpu.vector_store_idx %arg9[%and3A_15, %add3A_704], %mul3A_711 : memref<32x512xf32, #tpu.memory_space<vmem>>[vector<16xi32>, vector<16xi32>], vector<16xf32>,
        %gather3A_712 = tpu.vector_load_idx %arg7[%add3A_704, %and3A_21] : memref<512x32xf32, #tpu.memory_space<vmem>>[vector<16xi32>, vector<16xi32>], vector<16xf32>,
        %mul3A_713 = arith.constant 5.65685415 : f32
        %mul3A_714 = vector.broadcast %mul3A_713 : f32 to vector<16xf32>
        %mul3A_715 = arith.mulf %gather3A_712, %mul3A_714 : vector<16xf32>
        tpu.vector_store_idx %arg9[%and3A_21, %add3A_704], %mul3A_715 : memref<32x512xf32, #tpu.memory_space<vmem>>[vector<16xi32>, vector<16xi32>], vector<16xf32>,
        %gather3A_716 = tpu.vector_load_idx %arg7[%add3A_704, %and3A_27] : memref<512x32xf32, #tpu.memory_space<vmem>>[vector<16xi32>, vector<16xi32>], vector<16xf32>,
        %mul3A_717 = arith.constant 5.65685415 : f32
        %mul3A_718 = vector.broadcast %mul3A_717 : f32 to vector<16xf32>
        %mul3A_719 = arith.mulf %gather3A_716, %mul3A_718 : vector<16xf32>
        tpu.vector_store_idx %arg9[%and3A_27, %add3A_704], %mul3A_719 : memref<32x512xf32, #tpu.memory_space<vmem>>[vector<16xi32>, vector<16xi32>], vector<16xf32>,
        %gather3A_720 = tpu.vector_load_idx %arg7[%add3A_704, %and3A_33] : memref<512x32xf32, #tpu.memory_space<vmem>>[vector<16xi32>, vector<16xi32>], vector<16xf32>,
        %mul3A_721 = arith.constant 5.65685415 : f32
        %mul3A_722 = vector.broadcast %mul3A_721 : f32 to vector<16xf32>
        %mul3A_723 = arith.mulf %gather3A_720, %mul3A_722 : vector<16xf32>
        tpu.vector_store_idx %arg9[%and3A_33, %add3A_704], %mul3A_723 : memref<32x512xf32, #tpu.memory_space<vmem>>[vector<16xi32>, vector<16xi32>], vector<16xf32>,
        %gather3A_724 = tpu.vector_load_idx %arg7[%add3A_704, %and3A_39] : memref<512x32xf32, #tpu.memory_space<vmem>>[vector<16xi32>, vector<16xi32>], vector<16xf32>,
        %mul3A_725 = arith.constant 5.65685415 : f32
        %mul3A_726 = vector.broadcast %mul3A_725 : f32 to vector<16xf32>
        %mul3A_727 = arith.mulf %gather3A_724, %mul3A_726 : vector<16xf32>
        tpu.vector_store_idx %arg9[%and3A_39, %add3A_704], %mul3A_727 : memref<32x512xf32, #tpu.memory_space<vmem>>[vector<16xi32>, vector<16xi32>], vector<16xf32>,
        %gather3A_728 = tpu.vector_load_idx %arg7[%add3A_704, %and3A_45] : memref<512x32xf32, #tpu.memory_space<vmem>>[vector<16xi32>, vector<16xi32>], vector<16xf32>,
        %mul3A_729 = arith.constant 5.65685415 : f32
        %mul3A_730 = vector.broadcast %mul3A_729 : f32 to vector<16xf32>
        %mul3A_731 = arith.mulf %gather3A_728, %mul3A_730 : vector<16xf32>
        tpu.vector_store_idx %arg9[%and3A_45, %add3A_704], %mul3A_731 : memref<32x512xf32, #tpu.memory_space<vmem>>[vector<16xi32>, vector<16xi32>], vector<16xf32>,
        %gather3A_732 = tpu.vector_load_idx %arg7[%add3A_704, %and3A_51] : memref<512x32xf32, #tpu.memory_space<vmem>>[vector<16xi32>, vector<16xi32>], vector<16xf32>,
        %mul3A_733 = arith.constant 5.65685415 : f32
        %mul3A_734 = vector.broadcast %mul3A_733 : f32 to vector<16xf32>
        %mul3A_735 = arith.mulf %gather3A_732, %mul3A_734 : vector<16xf32>
        tpu.vector_store_idx %arg9[%and3A_51, %add3A_704], %mul3A_735 : memref<32x512xf32, #tpu.memory_space<vmem>>[vector<16xi32>, vector<16xi32>], vector<16xf32>,
        %gather3A_736 = tpu.vector_load_idx %arg7[%add3A_704, %and3A_57] : memref<512x32xf32, #tpu.memory_space<vmem>>[vector<16xi32>, vector<16xi32>], vector<16xf32>,
        %mul3A_737 = arith.constant 5.65685415 : f32
        %mul3A_738 = vector.broadcast %mul3A_737 : f32 to vector<16xf32>
        %mul3A_739 = arith.mulf %gather3A_736, %mul3A_738 : vector<16xf32>
        tpu.vector_store_idx %arg9[%and3A_57, %add3A_704], %mul3A_739 : memref<32x512xf32, #tpu.memory_space<vmem>>[vector<16xi32>, vector<16xi32>], vector<16xf32>,
        %gather3A_740 = tpu.vector_load_idx %arg7[%add3A_704, %and3A_63] : memref<512x32xf32, #tpu.memory_space<vmem>>[vector<16xi32>, vector<16xi32>], vector<16xf32>,
        %mul3A_741 = arith.constant 5.65685415 : f32
        %mul3A_742 = vector.broadcast %mul3A_741 : f32 to vector<16xf32>
        %mul3A_743 = arith.mulf %gather3A_740, %mul3A_742 : vector<16xf32>
        tpu.vector_store_idx %arg9[%and3A_63, %add3A_704], %mul3A_743 : memref<32x512xf32, #tpu.memory_space<vmem>>[vector<16xi32>, vector<16xi32>], vector<16xf32>,
        %gather3A_744 = tpu.vector_load_idx %arg7[%add3A_704, %and3A_69] : memref<512x32xf32, #tpu.memory_space<vmem>>[vector<16xi32>, vector<16xi32>], vector<16xf32>,
        %mul3A_745 = arith.constant 5.65685415 : f32
        %mul3A_746 = vector.broadcast %mul3A_745 : f32 to vector<16xf32>
        %mul3A_747 = arith.mulf %gather3A_744, %mul3A_746 : vector<16xf32>
        tpu.vector_store_idx %arg9[%and3A_69, %add3A_704], %mul3A_747 : memref<32x512xf32, #tpu.memory_space<vmem>>[vector<16xi32>, vector<16xi32>], vector<16xf32>,
        %gather3A_748 = tpu.vector_load_idx %arg7[%add3A_704, %and3A_75] : memref<512x32xf32, #tpu.memory_space<vmem>>[vector<16xi32>, vector<16xi32>], vector<16xf32>,
        %mul3A_749 = arith.constant 5.65685415 : f32
        %mul3A_750 = vector.broadcast %mul3A_749 : f32 to vector<16xf32>
        %mul3A_751 = arith.mulf %gather3A_748, %mul3A_750 : vector<16xf32>
        tpu.vector_store_idx %arg9[%and3A_75, %add3A_704], %mul3A_751 : memref<32x512xf32, #tpu.memory_space<vmem>>[vector<16xi32>, vector<16xi32>], vector<16xf32>,
        %gather3A_752 = tpu.vector_load_idx %arg7[%add3A_704, %and3A_81] : memref<512x32xf32, #tpu.memory_space<vmem>>[vector<16xi32>, vector<16xi32>], vector<16xf32>,
        %mul3A_753 = arith.constant 5.65685415 : f32
        %mul3A_754 = vector.broadcast %mul3A_753 : f32 to vector<16xf32>
        %mul3A_755 = arith.mulf %gather3A_752, %mul3A_754 : vector<16xf32>
        tpu.vector_store_idx %arg9[%and3A_81, %add3A_704], %mul3A_755 : memref<32x512xf32, #tpu.memory_space<vmem>>[vector<16xi32>, vector<16xi32>], vector<16xf32>,
        %gather3A_756 = tpu.vector_load_idx %arg7[%add3A_704, %and3A_87] : memref<512x32xf32, #tpu.memory_space<vmem>>[vector<16xi32>, vector<16xi32>], vector<16xf32>,
        %mul3A_757 = arith.constant 5.65685415 : f32
        %mul3A_758 = vector.broadcast %mul3A_757 : f32 to vector<16xf32>
        %mul3A_759 = arith.mulf %gather3A_756, %mul3A_758 : vector<16xf32>
        tpu.vector_store_idx %arg9[%and3A_87, %add3A_704], %mul3A_759 : memref<32x512xf32, #tpu.memory_space<vmem>>[vector<16xi32>, vector<16xi32>], vector<16xf32>,
        %gather3A_760 = tpu.vector_load_idx %arg7[%add3A_704, %and3A_93] : memref<512x32xf32, #tpu.memory_space<vmem>>[vector<16xi32>, vector<16xi32>], vector<16xf32>,
        %mul3A_761 = arith.constant 5.65685415 : f32
        %mul3A_762 = vector.broadcast %mul3A_761 : f32 to vector<16xf32>
        %mul3A_763 = arith.mulf %gather3A_760, %mul3A_762 : vector<16xf32>
        tpu.vector_store_idx %arg9[%and3A_93, %add3A_704], %mul3A_763 : memref<32x512xf32, #tpu.memory_space<vmem>>[vector<16xi32>, vector<16xi32>], vector<16xf32>,
        %gather3A_764 = tpu.vector_load_idx %arg7[%add3A_704, %and3A_99] : memref<512x32xf32, #tpu.memory_space<vmem>>[vector<16xi32>, vector<16xi32>], vector<16xf32>,
        %mul3A_765 = arith.constant 5.65685415 : f32
        %mul3A_766 = vector.broadcast %mul3A_765 : f32 to vector<16xf32>
        %mul3A_767 = arith.mulf %gather3A_764, %mul3A_766 : vector<16xf32>
        tpu.vector_store_idx %arg9[%and3A_99, %add3A_704], %mul3A_767 : memref<32x512xf32, #tpu.memory_space<vmem>>[vector<16xi32>, vector<16xi32>], vector<16xf32>,
        %gather3A_768 = tpu.vector_load_idx %arg7[%add3A_704, %and3A_105] : memref<512x32xf32, #tpu.memory_space<vmem>>[vector<16xi32>, vector<16xi32>], vector<16xf32>,
        %mul3A_769 = arith.constant 5.65685415 : f32
        %mul3A_770 = vector.broadcast %mul3A_769 : f32 to vector<16xf32>
        %mul3A_771 = arith.mulf %gather3A_768, %mul3A_770 : vector<16xf32>
        tpu.vector_store_idx %arg9[%and3A_105, %add3A_704], %mul3A_771 : memref<32x512xf32, #tpu.memory_space<vmem>>[vector<16xi32>, vector<16xi32>], vector<16xf32>,
        %gather3A_772 = tpu.vector_load_idx %arg7[%add3A_704, %and3A_111] : memref<512x32xf32, #tpu.memory_space<vmem>>[vector<16xi32>, vector<16xi32>], vector<16xf32>,
        %mul3A_773 = arith.constant 5.65685415 : f32
        %mul3A_774 = vector.broadcast %mul3A_773 : f32 to vector<16xf32>
        %mul3A_775 = arith.mulf %gather3A_772, %mul3A_774 : vector<16xf32>
        tpu.vector_store_idx %arg9[%and3A_111, %add3A_704], %mul3A_775 : memref<32x512xf32, #tpu.memory_space<vmem>>[vector<16xi32>, vector<16xi32>], vector<16xf32>,
        %gather3A_776 = tpu.vector_load_idx %arg7[%add3A_704, %and3A_117] : memref<512x32xf32, #tpu.memory_space<vmem>>[vector<16xi32>, vector<16xi32>], vector<16xf32>,
        %mul3A_777 = arith.constant 5.65685415 : f32
        %mul3A_778 = vector.broadcast %mul3A_777 : f32 to vector<16xf32>
        %mul3A_779 = arith.mulf %gather3A_776, %mul3A_778 : vector<16xf32>
        tpu.vector_store_idx %arg9[%and3A_117, %add3A_704], %mul3A_779 : memref<32x512xf32, #tpu.memory_space<vmem>>[vector<16xi32>, vector<16xi32>], vector<16xf32>,
        %gather3A_780 = tpu.vector_load_idx %arg7[%add3A_704, %and3A_123] : memref<512x32xf32, #tpu.memory_space<vmem>>[vector<16xi32>, vector<16xi32>], vector<16xf32>,
        %mul3A_781 = arith.constant 5.65685415 : f32
        %mul3A_782 = vector.broadcast %mul3A_781 : f32 to vector<16xf32>
        %mul3A_783 = arith.mulf %gather3A_780, %mul3A_782 : vector<16xf32>
        tpu.vector_store_idx %arg9[%and3A_123, %add3A_704], %mul3A_783 : memref<32x512xf32, #tpu.memory_space<vmem>>[vector<16xi32>, vector<16xi32>], vector<16xf32>,
        %gather3A_784 = tpu.vector_load_idx %arg7[%add3A_704, %and3A_129] : memref<512x32xf32, #tpu.memory_space<vmem>>[vector<16xi32>, vector<16xi32>], vector<16xf32>,
        %mul3A_785 = arith.constant 5.65685415 : f32
        %mul3A_786 = vector.broadcast %mul3A_785 : f32 to vector<16xf32>
        %mul3A_787 = arith.mulf %gather3A_784, %mul3A_786 : vector<16xf32>
        tpu.vector_store_idx %arg9[%and3A_129, %add3A_704], %mul3A_787 : memref<32x512xf32, #tpu.memory_space<vmem>>[vector<16xi32>, vector<16xi32>], vector<16xf32>,
        %gather3A_788 = tpu.vector_load_idx %arg7[%add3A_704, %and3A_135] : memref<512x32xf32, #tpu.memory_space<vmem>>[vector<16xi32>, vector<16xi32>], vector<16xf32>,
        %mul3A_789 = arith.constant 5.65685415 : f32
        %mul3A_790 = vector.broadcast %mul3A_789 : f32 to vector<16xf32>
        %mul3A_791 = arith.mulf %gather3A_788, %mul3A_790 : vector<16xf32>
        tpu.vector_store_idx %arg9[%and3A_135, %add3A_704], %mul3A_791 : memref<32x512xf32, #tpu.memory_space<vmem>>[vector<16xi32>, vector<16xi32>], vector<16xf32>,
        %gather3A_792 = tpu.vector_load_idx %arg7[%add3A_704, %and3A_141] : memref<512x32xf32, #tpu.memory_space<vmem>>[vector<16xi32>, vector<16xi32>], vector<16xf32>,
        %mul3A_793 = arith.constant 5.65685415 : f32
        %mul3A_794 = vector.broadcast %mul3A_793 : f32 to vector<16xf32>
        %mul3A_795 = arith.mulf %gather3A_792, %mul3A_794 : vector<16xf32>
        tpu.vector_store_idx %arg9[%and3A_141, %add3A_704], %mul3A_795 : memref<32x512xf32, #tpu.memory_space<vmem>>[vector<16xi32>, vector<16xi32>], vector<16xf32>,
        %gather3A_796 = tpu.vector_load_idx %arg7[%add3A_704, %and3A_147] : memref<512x32xf32, #tpu.memory_space<vmem>>[vector<16xi32>, vector<16xi32>], vector<16xf32>,
        %mul3A_797 = arith.constant 5.65685415 : f32
        %mul3A_798 = vector.broadcast %mul3A_797 : f32 to vector<16xf32>
        %mul3A_799 = arith.mulf %gather3A_796, %mul3A_798 : vector<16xf32>
        tpu.vector_store_idx %arg9[%and3A_147, %add3A_704], %mul3A_799 : memref<32x512xf32, #tpu.memory_space<vmem>>[vector<16xi32>, vector<16xi32>], vector<16xf32>,
        %gather3A_800 = tpu.vector_load_idx %arg7[%add3A_704, %and3A_153] : memref<512x32xf32, #tpu.memory_space<vmem>>[vector<16xi32>, vector<16xi32>], vector<16xf32>,
        %mul3A_801 = arith.constant 5.65685415 : f32
        %mul3A_802 = vector.broadcast %mul3A_801 : f32 to vector<16xf32>
        %mul3A_803 = arith.mulf %gather3A_800, %mul3A_802 : vector<16xf32>
        tpu.vector_store_idx %arg9[%and3A_153, %add3A_704], %mul3A_803 : memref<32x512xf32, #tpu.memory_space<vmem>>[vector<16xi32>, vector<16xi32>], vector<16xf32>,
        %gather3A_804 = tpu.vector_load_idx %arg7[%add3A_704, %and3A_159] : memref<512x32xf32, #tpu.memory_space<vmem>>[vector<16xi32>, vector<16xi32>], vector<16xf32>,
        %mul3A_805 = arith.constant 5.65685415 : f32
        %mul3A_806 = vector.broadcast %mul3A_805 : f32 to vector<16xf32>
        %mul3A_807 = arith.mulf %gather3A_804, %mul3A_806 : vector<16xf32>
        tpu.vector_store_idx %arg9[%and3A_159, %add3A_704], %mul3A_807 : memref<32x512xf32, #tpu.memory_space<vmem>>[vector<16xi32>, vector<16xi32>], vector<16xf32>,
        %gather3A_808 = tpu.vector_load_idx %arg7[%add3A_704, %and3A_165] : memref<512x32xf32, #tpu.memory_space<vmem>>[vector<16xi32>, vector<16xi32>], vector<16xf32>,
        %mul3A_809 = arith.constant 5.65685415 : f32
        %mul3A_810 = vector.broadcast %mul3A_809 : f32 to vector<16xf32>
        %mul3A_811 = arith.mulf %gather3A_808, %mul3A_810 : vector<16xf32>
        tpu.vector_store_idx %arg9[%and3A_165, %add3A_704], %mul3A_811 : memref<32x512xf32, #tpu.memory_space<vmem>>[vector<16xi32>, vector<16xi32>], vector<16xf32>,
        %gather3A_812 = tpu.vector_load_idx %arg7[%add3A_704, %and3A_171] : memref<512x32xf32, #tpu.memory_space<vmem>>[vector<16xi32>, vector<16xi32>], vector<16xf32>,
        %mul3A_813 = arith.constant 5.65685415 : f32
        %mul3A_814 = vector.broadcast %mul3A_813 : f32 to vector<16xf32>
        %mul3A_815 = arith.mulf %gather3A_812, %mul3A_814 : vector<16xf32>
        tpu.vector_store_idx %arg9[%and3A_171, %add3A_704], %mul3A_815 : memref<32x512xf32, #tpu.memory_space<vmem>>[vector<16xi32>, vector<16xi32>], vector<16xf32>,
        %gather3A_816 = tpu.vector_load_idx %arg7[%add3A_704, %and3A_177] : memref<512x32xf32, #tpu.memory_space<vmem>>[vector<16xi32>, vector<16xi32>], vector<16xf32>,
        %mul3A_817 = arith.constant 5.65685415 : f32
        %mul3A_818 = vector.broadcast %mul3A_817 : f32 to vector<16xf32>
        %mul3A_819 = arith.mulf %gather3A_816, %mul3A_818 : vector<16xf32>
        tpu.vector_store_idx %arg9[%and3A_177, %add3A_704], %mul3A_819 : memref<32x512xf32, #tpu.memory_space<vmem>>[vector<16xi32>, vector<16xi32>], vector<16xf32>,
        %gather3A_820 = tpu.vector_load_idx %arg7[%add3A_704, %and3A_183] : memref<512x32xf32, #tpu.memory_space<vmem>>[vector<16xi32>, vector<16xi32>], vector<16xf32>,
        %mul3A_821 = arith.constant 5.65685415 : f32
        %mul3A_822 = vector.broadcast %mul3A_821 : f32 to vector<16xf32>
        %mul3A_823 = arith.mulf %gather3A_820, %mul3A_822 : vector<16xf32>
        tpu.vector_store_idx %arg9[%and3A_183, %add3A_704], %mul3A_823 : memref<32x512xf32, #tpu.memory_space<vmem>>[vector<16xi32>, vector<16xi32>], vector<16xf32>,
        %gather3A_824 = tpu.vector_load_idx %arg7[%add3A_704, %and3A_189] : memref<512x32xf32, #tpu.memory_space<vmem>>[vector<16xi32>, vector<16xi32>], vector<16xf32>,
        %mul3A_825 = arith.constant 5.65685415 : f32
        %mul3A_826 = vector.broadcast %mul3A_825 : f32 to vector<16xf32>
        %mul3A_827 = arith.mulf %gather3A_824, %mul3A_826 : vector<16xf32>
        tpu.vector_store_idx %arg9[%and3A_189, %add3A_704], %mul3A_827 : memref<32x512xf32, #tpu.memory_space<vmem>>[vector<16xi32>, vector<16xi32>], vector<16xf32>,
        %gather3A_828 = tpu.vector_load_idx %arg7[%add3A_704, %and3A_195] : memref<512x32xf32, #tpu.memory_space<vmem>>[vector<16xi32>, vector<16xi32>], vector<16xf32>,
        %mul3A_829 = arith.constant 5.65685415 : f32
        %mul3A_830 = vector.broadcast %mul3A_829 : f32 to vector<16xf32>
        %mul3A_831 = arith.mulf %gather3A_828, %mul3A_830 : vector<16xf32>
        tpu.vector_store_idx %arg9[%and3A_195, %add3A_704], %mul3A_831 : memref<32x512xf32, #tpu.memory_space<vmem>>[vector<16xi32>, vector<16xi32>], vector<16xf32>,
        %scan3A_832 = arith.constant 1 : i32
        %scan3A_833 = arith.addi %scan3A_700, %scan3A_832 : i32
        %mul3A_834 = arith.constant 16 : i32
        %mul3A_835 = arith.muli %scan3A_833, %mul3A_834 : i32
        %add3A_836 = vector.broadcast %mul3A_835 : i32 to vector<16xi32>
        %add3A_837 = arith.addi %add3A_836, %iota3A : vector<16xi32>
        %gather3A_838 = tpu.vector_load_idx %arg7[%add3A_837, %and3A_9] : memref<512x32xf32, #tpu.memory_space<vmem>>[vector<16xi32>, vector<16xi32>], vector<16xf32>,
        %mul3A_839 = arith.constant 5.65685415 : f32
        %mul3A_840 = vector.broadcast %mul3A_839 : f32 to vector<16xf32>
        %mul3A_841 = arith.mulf %gather3A_838, %mul3A_840 : vector<16xf32>
        tpu.vector_store_idx %arg9[%and3A_9, %add3A_837], %mul3A_841 : memref<32x512xf32, #tpu.memory_space<vmem>>[vector<16xi32>, vector<16xi32>], vector<16xf32>,
        %gather3A_842 = tpu.vector_load_idx %arg7[%add3A_837, %and3A_15] : memref<512x32xf32, #tpu.memory_space<vmem>>[vector<16xi32>, vector<16xi32>], vector<16xf32>,
        %mul3A_843 = arith.constant 5.65685415 : f32
        %mul3A_844 = vector.broadcast %mul3A_843 : f32 to vector<16xf32>
        %mul3A_845 = arith.mulf %gather3A_842, %mul3A_844 : vector<16xf32>
        tpu.vector_store_idx %arg9[%and3A_15, %add3A_837], %mul3A_845 : memref<32x512xf32, #tpu.memory_space<vmem>>[vector<16xi32>, vector<16xi32>], vector<16xf32>,
        %gather3A_846 = tpu.vector_load_idx %arg7[%add3A_837, %and3A_21] : memref<512x32xf32, #tpu.memory_space<vmem>>[vector<16xi32>, vector<16xi32>], vector<16xf32>,
        %mul3A_847 = arith.constant 5.65685415 : f32
        %mul3A_848 = vector.broadcast %mul3A_847 : f32 to vector<16xf32>
        %mul3A_849 = arith.mulf %gather3A_846, %mul3A_848 : vector<16xf32>
        tpu.vector_store_idx %arg9[%and3A_21, %add3A_837], %mul3A_849 : memref<32x512xf32, #tpu.memory_space<vmem>>[vector<16xi32>, vector<16xi32>], vector<16xf32>,
        %gather3A_850 = tpu.vector_load_idx %arg7[%add3A_837, %and3A_27] : memref<512x32xf32, #tpu.memory_space<vmem>>[vector<16xi32>, vector<16xi32>], vector<16xf32>,
        %mul3A_851 = arith.constant 5.65685415 : f32
        %mul3A_852 = vector.broadcast %mul3A_851 : f32 to vector<16xf32>
        %mul3A_853 = arith.mulf %gather3A_850, %mul3A_852 : vector<16xf32>
        tpu.vector_store_idx %arg9[%and3A_27, %add3A_837], %mul3A_853 : memref<32x512xf32, #tpu.memory_space<vmem>>[vector<16xi32>, vector<16xi32>], vector<16xf32>,
        %gather3A_854 = tpu.vector_load_idx %arg7[%add3A_837, %and3A_33] : memref<512x32xf32, #tpu.memory_space<vmem>>[vector<16xi32>, vector<16xi32>], vector<16xf32>,
        %mul3A_855 = arith.constant 5.65685415 : f32
        %mul3A_856 = vector.broadcast %mul3A_855 : f32 to vector<16xf32>
        %mul3A_857 = arith.mulf %gather3A_854, %mul3A_856 : vector<16xf32>
        tpu.vector_store_idx %arg9[%and3A_33, %add3A_837], %mul3A_857 : memref<32x512xf32, #tpu.memory_space<vmem>>[vector<16xi32>, vector<16xi32>], vector<16xf32>,
        %gather3A_858 = tpu.vector_load_idx %arg7[%add3A_837, %and3A_39] : memref<512x32xf32, #tpu.memory_space<vmem>>[vector<16xi32>, vector<16xi32>], vector<16xf32>,
        %mul3A_859 = arith.constant 5.65685415 : f32
        %mul3A_860 = vector.broadcast %mul3A_859 : f32 to vector<16xf32>
        %mul3A_861 = arith.mulf %gather3A_858, %mul3A_860 : vector<16xf32>
        tpu.vector_store_idx %arg9[%and3A_39, %add3A_837], %mul3A_861 : memref<32x512xf32, #tpu.memory_space<vmem>>[vector<16xi32>, vector<16xi32>], vector<16xf32>,
        %gather3A_862 = tpu.vector_load_idx %arg7[%add3A_837, %and3A_45] : memref<512x32xf32, #tpu.memory_space<vmem>>[vector<16xi32>, vector<16xi32>], vector<16xf32>,
        %mul3A_863 = arith.constant 5.65685415 : f32
        %mul3A_864 = vector.broadcast %mul3A_863 : f32 to vector<16xf32>
        %mul3A_865 = arith.mulf %gather3A_862, %mul3A_864 : vector<16xf32>
        tpu.vector_store_idx %arg9[%and3A_45, %add3A_837], %mul3A_865 : memref<32x512xf32, #tpu.memory_space<vmem>>[vector<16xi32>, vector<16xi32>], vector<16xf32>,
        %gather3A_866 = tpu.vector_load_idx %arg7[%add3A_837, %and3A_51] : memref<512x32xf32, #tpu.memory_space<vmem>>[vector<16xi32>, vector<16xi32>], vector<16xf32>,
        %mul3A_867 = arith.constant 5.65685415 : f32
        %mul3A_868 = vector.broadcast %mul3A_867 : f32 to vector<16xf32>
        %mul3A_869 = arith.mulf %gather3A_866, %mul3A_868 : vector<16xf32>
        tpu.vector_store_idx %arg9[%and3A_51, %add3A_837], %mul3A_869 : memref<32x512xf32, #tpu.memory_space<vmem>>[vector<16xi32>, vector<16xi32>], vector<16xf32>,
        %gather3A_870 = tpu.vector_load_idx %arg7[%add3A_837, %and3A_57] : memref<512x32xf32, #tpu.memory_space<vmem>>[vector<16xi32>, vector<16xi32>], vector<16xf32>,
        %mul3A_871 = arith.constant 5.65685415 : f32
        %mul3A_872 = vector.broadcast %mul3A_871 : f32 to vector<16xf32>
        %mul3A_873 = arith.mulf %gather3A_870, %mul3A_872 : vector<16xf32>
        tpu.vector_store_idx %arg9[%and3A_57, %add3A_837], %mul3A_873 : memref<32x512xf32, #tpu.memory_space<vmem>>[vector<16xi32>, vector<16xi32>], vector<16xf32>,
        %gather3A_874 = tpu.vector_load_idx %arg7[%add3A_837, %and3A_63] : memref<512x32xf32, #tpu.memory_space<vmem>>[vector<16xi32>, vector<16xi32>], vector<16xf32>,
        %mul3A_875 = arith.constant 5.65685415 : f32
        %mul3A_876 = vector.broadcast %mul3A_875 : f32 to vector<16xf32>
        %mul3A_877 = arith.mulf %gather3A_874, %mul3A_876 : vector<16xf32>
        tpu.vector_store_idx %arg9[%and3A_63, %add3A_837], %mul3A_877 : memref<32x512xf32, #tpu.memory_space<vmem>>[vector<16xi32>, vector<16xi32>], vector<16xf32>,
        %gather3A_878 = tpu.vector_load_idx %arg7[%add3A_837, %and3A_69] : memref<512x32xf32, #tpu.memory_space<vmem>>[vector<16xi32>, vector<16xi32>], vector<16xf32>,
        %mul3A_879 = arith.constant 5.65685415 : f32
        %mul3A_880 = vector.broadcast %mul3A_879 : f32 to vector<16xf32>
        %mul3A_881 = arith.mulf %gather3A_878, %mul3A_880 : vector<16xf32>
        tpu.vector_store_idx %arg9[%and3A_69, %add3A_837], %mul3A_881 : memref<32x512xf32, #tpu.memory_space<vmem>>[vector<16xi32>, vector<16xi32>], vector<16xf32>,
        %gather3A_882 = tpu.vector_load_idx %arg7[%add3A_837, %and3A_75] : memref<512x32xf32, #tpu.memory_space<vmem>>[vector<16xi32>, vector<16xi32>], vector<16xf32>,
        %mul3A_883 = arith.constant 5.65685415 : f32
        %mul3A_884 = vector.broadcast %mul3A_883 : f32 to vector<16xf32>
        %mul3A_885 = arith.mulf %gather3A_882, %mul3A_884 : vector<16xf32>
        tpu.vector_store_idx %arg9[%and3A_75, %add3A_837], %mul3A_885 : memref<32x512xf32, #tpu.memory_space<vmem>>[vector<16xi32>, vector<16xi32>], vector<16xf32>,
        %gather3A_886 = tpu.vector_load_idx %arg7[%add3A_837, %and3A_81] : memref<512x32xf32, #tpu.memory_space<vmem>>[vector<16xi32>, vector<16xi32>], vector<16xf32>,
        %mul3A_887 = arith.constant 5.65685415 : f32
        %mul3A_888 = vector.broadcast %mul3A_887 : f32 to vector<16xf32>
        %mul3A_889 = arith.mulf %gather3A_886, %mul3A_888 : vector<16xf32>
        tpu.vector_store_idx %arg9[%and3A_81, %add3A_837], %mul3A_889 : memref<32x512xf32, #tpu.memory_space<vmem>>[vector<16xi32>, vector<16xi32>], vector<16xf32>,
        %gather3A_890 = tpu.vector_load_idx %arg7[%add3A_837, %and3A_87] : memref<512x32xf32, #tpu.memory_space<vmem>>[vector<16xi32>, vector<16xi32>], vector<16xf32>,
        %mul3A_891 = arith.constant 5.65685415 : f32
        %mul3A_892 = vector.broadcast %mul3A_891 : f32 to vector<16xf32>
        %mul3A_893 = arith.mulf %gather3A_890, %mul3A_892 : vector<16xf32>
        tpu.vector_store_idx %arg9[%and3A_87, %add3A_837], %mul3A_893 : memref<32x512xf32, #tpu.memory_space<vmem>>[vector<16xi32>, vector<16xi32>], vector<16xf32>,
        %gather3A_894 = tpu.vector_load_idx %arg7[%add3A_837, %and3A_93] : memref<512x32xf32, #tpu.memory_space<vmem>>[vector<16xi32>, vector<16xi32>], vector<16xf32>,
        %mul3A_895 = arith.constant 5.65685415 : f32
        %mul3A_896 = vector.broadcast %mul3A_895 : f32 to vector<16xf32>
        %mul3A_897 = arith.mulf %gather3A_894, %mul3A_896 : vector<16xf32>
        tpu.vector_store_idx %arg9[%and3A_93, %add3A_837], %mul3A_897 : memref<32x512xf32, #tpu.memory_space<vmem>>[vector<16xi32>, vector<16xi32>], vector<16xf32>,
        %gather3A_898 = tpu.vector_load_idx %arg7[%add3A_837, %and3A_99] : memref<512x32xf32, #tpu.memory_space<vmem>>[vector<16xi32>, vector<16xi32>], vector<16xf32>,
        %mul3A_899 = arith.constant 5.65685415 : f32
        %mul3A_900 = vector.broadcast %mul3A_899 : f32 to vector<16xf32>
        %mul3A_901 = arith.mulf %gather3A_898, %mul3A_900 : vector<16xf32>
        tpu.vector_store_idx %arg9[%and3A_99, %add3A_837], %mul3A_901 : memref<32x512xf32, #tpu.memory_space<vmem>>[vector<16xi32>, vector<16xi32>], vector<16xf32>,
        %gather3A_902 = tpu.vector_load_idx %arg7[%add3A_837, %and3A_105] : memref<512x32xf32, #tpu.memory_space<vmem>>[vector<16xi32>, vector<16xi32>], vector<16xf32>,
        %mul3A_903 = arith.constant 5.65685415 : f32
        %mul3A_904 = vector.broadcast %mul3A_903 : f32 to vector<16xf32>
        %mul3A_905 = arith.mulf %gather3A_902, %mul3A_904 : vector<16xf32>
        tpu.vector_store_idx %arg9[%and3A_105, %add3A_837], %mul3A_905 : memref<32x512xf32, #tpu.memory_space<vmem>>[vector<16xi32>, vector<16xi32>], vector<16xf32>,
        %gather3A_906 = tpu.vector_load_idx %arg7[%add3A_837, %and3A_111] : memref<512x32xf32, #tpu.memory_space<vmem>>[vector<16xi32>, vector<16xi32>], vector<16xf32>,
        %mul3A_907 = arith.constant 5.65685415 : f32
        %mul3A_908 = vector.broadcast %mul3A_907 : f32 to vector<16xf32>
        %mul3A_909 = arith.mulf %gather3A_906, %mul3A_908 : vector<16xf32>
        tpu.vector_store_idx %arg9[%and3A_111, %add3A_837], %mul3A_909 : memref<32x512xf32, #tpu.memory_space<vmem>>[vector<16xi32>, vector<16xi32>], vector<16xf32>,
        %gather3A_910 = tpu.vector_load_idx %arg7[%add3A_837, %and3A_117] : memref<512x32xf32, #tpu.memory_space<vmem>>[vector<16xi32>, vector<16xi32>], vector<16xf32>,
        %mul3A_911 = arith.constant 5.65685415 : f32
        %mul3A_912 = vector.broadcast %mul3A_911 : f32 to vector<16xf32>
        %mul3A_913 = arith.mulf %gather3A_910, %mul3A_912 : vector<16xf32>
        tpu.vector_store_idx %arg9[%and3A_117, %add3A_837], %mul3A_913 : memref<32x512xf32, #tpu.memory_space<vmem>>[vector<16xi32>, vector<16xi32>], vector<16xf32>,
        %gather3A_914 = tpu.vector_load_idx %arg7[%add3A_837, %and3A_123] : memref<512x32xf32, #tpu.memory_space<vmem>>[vector<16xi32>, vector<16xi32>], vector<16xf32>,
        %mul3A_915 = arith.constant 5.65685415 : f32
        %mul3A_916 = vector.broadcast %mul3A_915 : f32 to vector<16xf32>
        %mul3A_917 = arith.mulf %gather3A_914, %mul3A_916 : vector<16xf32>
        tpu.vector_store_idx %arg9[%and3A_123, %add3A_837], %mul3A_917 : memref<32x512xf32, #tpu.memory_space<vmem>>[vector<16xi32>, vector<16xi32>], vector<16xf32>,
        %gather3A_918 = tpu.vector_load_idx %arg7[%add3A_837, %and3A_129] : memref<512x32xf32, #tpu.memory_space<vmem>>[vector<16xi32>, vector<16xi32>], vector<16xf32>,
        %mul3A_919 = arith.constant 5.65685415 : f32
        %mul3A_920 = vector.broadcast %mul3A_919 : f32 to vector<16xf32>
        %mul3A_921 = arith.mulf %gather3A_918, %mul3A_920 : vector<16xf32>
        tpu.vector_store_idx %arg9[%and3A_129, %add3A_837], %mul3A_921 : memref<32x512xf32, #tpu.memory_space<vmem>>[vector<16xi32>, vector<16xi32>], vector<16xf32>,
        %gather3A_922 = tpu.vector_load_idx %arg7[%add3A_837, %and3A_135] : memref<512x32xf32, #tpu.memory_space<vmem>>[vector<16xi32>, vector<16xi32>], vector<16xf32>,
        %mul3A_923 = arith.constant 5.65685415 : f32
        %mul3A_924 = vector.broadcast %mul3A_923 : f32 to vector<16xf32>
        %mul3A_925 = arith.mulf %gather3A_922, %mul3A_924 : vector<16xf32>
        tpu.vector_store_idx %arg9[%and3A_135, %add3A_837], %mul3A_925 : memref<32x512xf32, #tpu.memory_space<vmem>>[vector<16xi32>, vector<16xi32>], vector<16xf32>,
        %gather3A_926 = tpu.vector_load_idx %arg7[%add3A_837, %and3A_141] : memref<512x32xf32, #tpu.memory_space<vmem>>[vector<16xi32>, vector<16xi32>], vector<16xf32>,
        %mul3A_927 = arith.constant 5.65685415 : f32
        %mul3A_928 = vector.broadcast %mul3A_927 : f32 to vector<16xf32>
        %mul3A_929 = arith.mulf %gather3A_926, %mul3A_928 : vector<16xf32>
        tpu.vector_store_idx %arg9[%and3A_141, %add3A_837], %mul3A_929 : memref<32x512xf32, #tpu.memory_space<vmem>>[vector<16xi32>, vector<16xi32>], vector<16xf32>,
        %gather3A_930 = tpu.vector_load_idx %arg7[%add3A_837, %and3A_147] : memref<512x32xf32, #tpu.memory_space<vmem>>[vector<16xi32>, vector<16xi32>], vector<16xf32>,
        %mul3A_931 = arith.constant 5.65685415 : f32
        %mul3A_932 = vector.broadcast %mul3A_931 : f32 to vector<16xf32>
        %mul3A_933 = arith.mulf %gather3A_930, %mul3A_932 : vector<16xf32>
        tpu.vector_store_idx %arg9[%and3A_147, %add3A_837], %mul3A_933 : memref<32x512xf32, #tpu.memory_space<vmem>>[vector<16xi32>, vector<16xi32>], vector<16xf32>,
        %gather3A_934 = tpu.vector_load_idx %arg7[%add3A_837, %and3A_153] : memref<512x32xf32, #tpu.memory_space<vmem>>[vector<16xi32>, vector<16xi32>], vector<16xf32>,
        %mul3A_935 = arith.constant 5.65685415 : f32
        %mul3A_936 = vector.broadcast %mul3A_935 : f32 to vector<16xf32>
        %mul3A_937 = arith.mulf %gather3A_934, %mul3A_936 : vector<16xf32>
        tpu.vector_store_idx %arg9[%and3A_153, %add3A_837], %mul3A_937 : memref<32x512xf32, #tpu.memory_space<vmem>>[vector<16xi32>, vector<16xi32>], vector<16xf32>,
        %gather3A_938 = tpu.vector_load_idx %arg7[%add3A_837, %and3A_159] : memref<512x32xf32, #tpu.memory_space<vmem>>[vector<16xi32>, vector<16xi32>], vector<16xf32>,
        %mul3A_939 = arith.constant 5.65685415 : f32
        %mul3A_940 = vector.broadcast %mul3A_939 : f32 to vector<16xf32>
        %mul3A_941 = arith.mulf %gather3A_938, %mul3A_940 : vector<16xf32>
        tpu.vector_store_idx %arg9[%and3A_159, %add3A_837], %mul3A_941 : memref<32x512xf32, #tpu.memory_space<vmem>>[vector<16xi32>, vector<16xi32>], vector<16xf32>,
        %gather3A_942 = tpu.vector_load_idx %arg7[%add3A_837, %and3A_165] : memref<512x32xf32, #tpu.memory_space<vmem>>[vector<16xi32>, vector<16xi32>], vector<16xf32>,
        %mul3A_943 = arith.constant 5.65685415 : f32
        %mul3A_944 = vector.broadcast %mul3A_943 : f32 to vector<16xf32>
        %mul3A_945 = arith.mulf %gather3A_942, %mul3A_944 : vector<16xf32>
        tpu.vector_store_idx %arg9[%and3A_165, %add3A_837], %mul3A_945 : memref<32x512xf32, #tpu.memory_space<vmem>>[vector<16xi32>, vector<16xi32>], vector<16xf32>,
        %gather3A_946 = tpu.vector_load_idx %arg7[%add3A_837, %and3A_171] : memref<512x32xf32, #tpu.memory_space<vmem>>[vector<16xi32>, vector<16xi32>], vector<16xf32>,
        %mul3A_947 = arith.constant 5.65685415 : f32
        %mul3A_948 = vector.broadcast %mul3A_947 : f32 to vector<16xf32>
        %mul3A_949 = arith.mulf %gather3A_946, %mul3A_948 : vector<16xf32>
        tpu.vector_store_idx %arg9[%and3A_171, %add3A_837], %mul3A_949 : memref<32x512xf32, #tpu.memory_space<vmem>>[vector<16xi32>, vector<16xi32>], vector<16xf32>,
        %gather3A_950 = tpu.vector_load_idx %arg7[%add3A_837, %and3A_177] : memref<512x32xf32, #tpu.memory_space<vmem>>[vector<16xi32>, vector<16xi32>], vector<16xf32>,
        %mul3A_951 = arith.constant 5.65685415 : f32
        %mul3A_952 = vector.broadcast %mul3A_951 : f32 to vector<16xf32>
        %mul3A_953 = arith.mulf %gather3A_950, %mul3A_952 : vector<16xf32>
        tpu.vector_store_idx %arg9[%and3A_177, %add3A_837], %mul3A_953 : memref<32x512xf32, #tpu.memory_space<vmem>>[vector<16xi32>, vector<16xi32>], vector<16xf32>,
        %gather3A_954 = tpu.vector_load_idx %arg7[%add3A_837, %and3A_183] : memref<512x32xf32, #tpu.memory_space<vmem>>[vector<16xi32>, vector<16xi32>], vector<16xf32>,
        %mul3A_955 = arith.constant 5.65685415 : f32
        %mul3A_956 = vector.broadcast %mul3A_955 : f32 to vector<16xf32>
        %mul3A_957 = arith.mulf %gather3A_954, %mul3A_956 : vector<16xf32>
        tpu.vector_store_idx %arg9[%and3A_183, %add3A_837], %mul3A_957 : memref<32x512xf32, #tpu.memory_space<vmem>>[vector<16xi32>, vector<16xi32>], vector<16xf32>,
        %gather3A_958 = tpu.vector_load_idx %arg7[%add3A_837, %and3A_189] : memref<512x32xf32, #tpu.memory_space<vmem>>[vector<16xi32>, vector<16xi32>], vector<16xf32>,
        %mul3A_959 = arith.constant 5.65685415 : f32
        %mul3A_960 = vector.broadcast %mul3A_959 : f32 to vector<16xf32>
        %mul3A_961 = arith.mulf %gather3A_958, %mul3A_960 : vector<16xf32>
        tpu.vector_store_idx %arg9[%and3A_189, %add3A_837], %mul3A_961 : memref<32x512xf32, #tpu.memory_space<vmem>>[vector<16xi32>, vector<16xi32>], vector<16xf32>,
        %gather3A_962 = tpu.vector_load_idx %arg7[%add3A_837, %and3A_195] : memref<512x32xf32, #tpu.memory_space<vmem>>[vector<16xi32>, vector<16xi32>], vector<16xf32>,
        %mul3A_963 = arith.constant 5.65685415 : f32
        %mul3A_964 = vector.broadcast %mul3A_963 : f32 to vector<16xf32>
        %mul3A_965 = arith.mulf %gather3A_962, %mul3A_964 : vector<16xf32>
        tpu.vector_store_idx %arg9[%and3A_195, %add3A_837], %mul3A_965 : memref<32x512xf32, #tpu.memory_space<vmem>>[vector<16xi32>, vector<16xi32>], vector<16xf32>,
      }
      %scan3A_658 = arith.constant 32 : i32
      %ge3A_659 = arith.constant 1 : i32
      %ge3A_660 = arith.cmpi sge, %scan3A_330, %ge3A_659 : i32
      %convert_element_type3A_661 = arith.extui %ge3A_660 : i1 to i32
      %cond3A_662 = arith.constant 0 : i32
      %cond3A_663 = arith.cmpi ne, %convert_element_type3A_661, %cond3A_662 : i32
      scf.if %cond3A_663 {
        %sub3A_700 = arith.constant 2 : i32
        %sub3A_701 = arith.subi %add3A_560, %sub3A_700 : i32
        %add3A_702 = arith.addi %mul3A_2, %sub3A_701 : i32
        %jit3A_703 = arith.constant 32 : i32
        %div3A_704 = arith.divsi %add3A_702, %jit3A_703 : i32
        %sign3A_705 = arith.constant 0 : i32
        %sign3A_706 = arith.cmpi sgt, %add3A_702, %sign3A_705 : i32
        %sign3A_707 = arith.extui %sign3A_706 : i1 to i32
        %sign3A_708 = arith.constant 0 : i32
        %sign3A_709 = arith.cmpi slt, %add3A_702, %sign3A_708 : i32
        %sign3A_710 = arith.extui %sign3A_709 : i1 to i32
        %sign3A_711 = arith.subi %sign3A_707, %sign3A_710 : i32
        %sign3A_712 = arith.constant 0 : i32
        %sign3A_713 = arith.cmpi sgt, %jit3A_703, %sign3A_712 : i32
        %sign3A_714 = arith.extui %sign3A_713 : i1 to i32
        %sign3A_715 = arith.constant 0 : i32
        %sign3A_716 = arith.cmpi slt, %jit3A_703, %sign3A_715 : i32
        %sign3A_717 = arith.extui %sign3A_716 : i1 to i32
        %sign3A_718 = arith.subi %sign3A_714, %sign3A_717 : i32
        %ne3A_719 = arith.cmpi ne, %sign3A_711, %sign3A_718 : i32
        %rem3A_720 = arith.remsi %add3A_702, %jit3A_703 : i32
        %ne3A_721 = arith.constant 0 : i32
        %ne3A_722 = arith.cmpi ne, %rem3A_720, %ne3A_721 : i32
        %and3A_723 = arith.andi %ne3A_719, %ne3A_722 : i1
        %sub3A_724 = arith.constant 1 : i32
        %sub3A_725 = arith.subi %div3A_704, %sub3A_724 : i32
        %select_n3A_726 = arith.select %and3A_723, %sub3A_725, %div3A_704 : i32
        %mul3A_727 = arith.constant 32 : i32
        %mul3A_728 = arith.muli %select_n3A_726, %mul3A_727 : i32
        %sub3A_729 = arith.subi %add3A_702, %mul3A_728 : i32
        %mul3A_730 = arith.constant 512 : i32
        %mul3A_731 = arith.muli %sub3A_729, %mul3A_730 : i32
        %dma_wait3A_732 = arith.constant 0 : i32
        %dma_wait3A_733 = tpu.memref_slice %arg4[%select_n3A_726, %dma_wait3A_732, %mul3A_731] : memref<50x32x16384xf32, #tpu.memory_space<hbm>> -> memref<1x32x512xf32, #tpu.memory_space<hbm>>
        %dma_wait3A_734 = tpu.memref_squeeze %dma_wait3A_733 : memref<1x32x512xf32, #tpu.memory_space<hbm>> -> memref<32x512xf32, #tpu.memory_space<hbm>>
        %dma_wait3A_735 = arith.constant 0 : i32
        %dma_wait3A_736 = tpu.memref_slice %arg4[%select_n3A_726, %dma_wait3A_735, %mul3A_731] : memref<50x32x16384xf32, #tpu.memory_space<hbm>> -> memref<1x32x512xf32, #tpu.memory_space<hbm>>
        %dma_wait3A_737 = tpu.memref_squeeze %dma_wait3A_736 : memref<1x32x512xf32, #tpu.memory_space<hbm>> -> memref<32x512xf32, #tpu.memory_space<hbm>>
        tpu.wait_dma2 semaphore(%arg13 : memref<!tpu.dma_semaphore, #tpu.memory_space<semaphore_mem>>) src(%arg9 : memref<32x512xf32, #tpu.memory_space<vmem>>) dst(%dma_wait3A_737 : memref<32x512xf32, #tpu.memory_space<hbm>>)
      } else {
      }
      %add3A_664 = arith.addi %mul3A_2, %add3A_560 : i32
      %jit3A_665 = arith.constant 32 : i32
      %div3A_666 = arith.divsi %add3A_664, %jit3A_665 : i32
      %sign3A_667 = arith.constant 0 : i32
      %sign3A_668 = arith.cmpi sgt, %add3A_664, %sign3A_667 : i32
      %sign3A_669 = arith.extui %sign3A_668 : i1 to i32
      %sign3A_670 = arith.constant 0 : i32
      %sign3A_671 = arith.cmpi slt, %add3A_664, %sign3A_670 : i32
      %sign3A_672 = arith.extui %sign3A_671 : i1 to i32
      %sign3A_673 = arith.subi %sign3A_669, %sign3A_672 : i32
      %sign3A_674 = arith.constant 0 : i32
      %sign3A_675 = arith.cmpi sgt, %jit3A_665, %sign3A_674 : i32
      %sign3A_676 = arith.extui %sign3A_675 : i1 to i32
      %sign3A_677 = arith.constant 0 : i32
      %sign3A_678 = arith.cmpi slt, %jit3A_665, %sign3A_677 : i32
      %sign3A_679 = arith.extui %sign3A_678 : i1 to i32
      %sign3A_680 = arith.subi %sign3A_676, %sign3A_679 : i32
      %ne3A_681 = arith.cmpi ne, %sign3A_673, %sign3A_680 : i32
      %rem3A_682 = arith.remsi %add3A_664, %jit3A_665 : i32
      %ne3A_683 = arith.constant 0 : i32
      %ne3A_684 = arith.cmpi ne, %rem3A_682, %ne3A_683 : i32
      %and3A_685 = arith.andi %ne3A_681, %ne3A_684 : i1
      %sub3A_686 = arith.constant 1 : i32
      %sub3A_687 = arith.subi %div3A_666, %sub3A_686 : i32
      %select_n3A_688 = arith.select %and3A_685, %sub3A_687, %div3A_666 : i32
      %mul3A_689 = arith.constant 32 : i32
      %mul3A_690 = arith.muli %select_n3A_688, %mul3A_689 : i32
      %sub3A_691 = arith.subi %add3A_664, %mul3A_690 : i32
      %mul3A_692 = arith.constant 512 : i32
      %mul3A_693 = arith.muli %sub3A_691, %mul3A_692 : i32
      %dma_start3A_694 = arith.constant 0 : i32
      %dma_start3A_695 = tpu.memref_slice %arg4[%select_n3A_688, %dma_start3A_694, %mul3A_693] : memref<50x32x16384xf32, #tpu.memory_space<hbm>> -> memref<1x32x512xf32, #tpu.memory_space<hbm>>
      %dma_start3A_696 = tpu.memref_squeeze %dma_start3A_695 : memref<1x32x512xf32, #tpu.memory_space<hbm>> -> memref<32x512xf32, #tpu.memory_space<hbm>>
      %dma_start3A_697 = arith.constant 0 : i32
      %dma_start3A_698 = tpu.memref_slice %arg4[%select_n3A_688, %dma_start3A_697, %mul3A_693] : memref<50x32x16384xf32, #tpu.memory_space<hbm>> -> memref<1x32x512xf32, #tpu.memory_space<hbm>>
      %dma_start3A_699 = tpu.memref_squeeze %dma_start3A_698 : memref<1x32x512xf32, #tpu.memory_space<hbm>> -> memref<32x512xf32, #tpu.memory_space<hbm>>
      tpu.enqueue_dma source(%arg9 : memref<32x512xf32, #tpu.memory_space<vmem>>) target(%dma_start3A_699 : memref<32x512xf32, #tpu.memory_space<hbm>>) target_semaphore(%arg13 : memref<!tpu.dma_semaphore, #tpu.memory_space<semaphore_mem>>)
    }
    %scan3A_263 = arith.constant 25 : i32
    %add3A_264 = arith.constant 48 : i32
    %add3A_265 = arith.addi %mul3A_2, %add3A_264 : i32
    %jit3A = arith.constant 32 : i32
    %div3A = arith.divsi %add3A_265, %jit3A : i32
    %sign3A = arith.constant 0 : i32
    %sign3A_266 = arith.cmpi sgt, %add3A_265, %sign3A : i32
    %sign3A_267 = arith.extui %sign3A_266 : i1 to i32
    %sign3A_268 = arith.constant 0 : i32
    %sign3A_269 = arith.cmpi slt, %add3A_265, %sign3A_268 : i32
    %sign3A_270 = arith.extui %sign3A_269 : i1 to i32
    %sign3A_271 = arith.subi %sign3A_267, %sign3A_270 : i32
    %sign3A_272 = arith.constant 0 : i32
    %sign3A_273 = arith.cmpi sgt, %jit3A, %sign3A_272 : i32
    %sign3A_274 = arith.extui %sign3A_273 : i1 to i32
    %sign3A_275 = arith.constant 0 : i32
    %sign3A_276 = arith.cmpi slt, %jit3A, %sign3A_275 : i32
    %sign3A_277 = arith.extui %sign3A_276 : i1 to i32
    %sign3A_278 = arith.subi %sign3A_274, %sign3A_277 : i32
    %ne3A = arith.cmpi ne, %sign3A_271, %sign3A_278 : i32
    %rem3A = arith.remsi %add3A_265, %jit3A : i32
    %ne3A_279 = arith.constant 0 : i32
    %ne3A_280 = arith.cmpi ne, %rem3A, %ne3A_279 : i32
    %and3A_281 = arith.andi %ne3A, %ne3A_280 : i1
    %sub3A = arith.constant 1 : i32
    %sub3A_282 = arith.subi %div3A, %sub3A : i32
    %select_n3A = arith.select %and3A_281, %sub3A_282, %div3A : i32
    %mul3A_283 = arith.constant 32 : i32
    %mul3A_284 = arith.muli %select_n3A, %mul3A_283 : i32
    %sub3A_285 = arith.subi %add3A_265, %mul3A_284 : i32
    %mul3A_286 = arith.constant 512 : i32
    %mul3A_287 = arith.muli %sub3A_285, %mul3A_286 : i32
    %dma_wait3A = arith.constant 0 : i32
    %dma_wait3A_288 = tpu.memref_slice %arg4[%select_n3A, %dma_wait3A, %mul3A_287] : memref<50x32x16384xf32, #tpu.memory_space<hbm>> -> memref<1x32x512xf32, #tpu.memory_space<hbm>>
    %dma_wait3A_289 = tpu.memref_squeeze %dma_wait3A_288 : memref<1x32x512xf32, #tpu.memory_space<hbm>> -> memref<32x512xf32, #tpu.memory_space<hbm>>
    %dma_wait3A_290 = arith.constant 0 : i32
    %dma_wait3A_291 = tpu.memref_slice %arg4[%select_n3A, %dma_wait3A_290, %mul3A_287] : memref<50x32x16384xf32, #tpu.memory_space<hbm>> -> memref<1x32x512xf32, #tpu.memory_space<hbm>>
    %dma_wait3A_292 = tpu.memref_squeeze %dma_wait3A_291 : memref<1x32x512xf32, #tpu.memory_space<hbm>> -> memref<32x512xf32, #tpu.memory_space<hbm>>
    tpu.wait_dma2 semaphore(%arg12 : memref<!tpu.dma_semaphore, #tpu.memory_space<semaphore_mem>>) src(%arg8 : memref<32x512xf32, #tpu.memory_space<vmem>>) dst(%dma_wait3A_292 : memref<32x512xf32, #tpu.memory_space<hbm>>)
    %add3A_293 = arith.constant 49 : i32
    %add3A_294 = arith.addi %mul3A_2, %add3A_293 : i32
    %jit3A_295 = arith.constant 32 : i32
    %div3A_296 = arith.divsi %add3A_294, %jit3A_295 : i32
    %sign3A_297 = arith.constant 0 : i32
    %sign3A_298 = arith.cmpi sgt, %add3A_294, %sign3A_297 : i32
    %sign3A_299 = arith.extui %sign3A_298 : i1 to i32
    %sign3A_300 = arith.constant 0 : i32
    %sign3A_301 = arith.cmpi slt, %add3A_294, %sign3A_300 : i32
    %sign3A_302 = arith.extui %sign3A_301 : i1 to i32
    %sign3A_303 = arith.subi %sign3A_299, %sign3A_302 : i32
    %sign3A_304 = arith.constant 0 : i32
    %sign3A_305 = arith.cmpi sgt, %jit3A_295, %sign3A_304 : i32
    %sign3A_306 = arith.extui %sign3A_305 : i1 to i32
    %sign3A_307 = arith.constant 0 : i32
    %sign3A_308 = arith.cmpi slt, %jit3A_295, %sign3A_307 : i32
    %sign3A_309 = arith.extui %sign3A_308 : i1 to i32
    %sign3A_310 = arith.subi %sign3A_306, %sign3A_309 : i32
    %ne3A_311 = arith.cmpi ne, %sign3A_303, %sign3A_310 : i32
    %rem3A_312 = arith.remsi %add3A_294, %jit3A_295 : i32
    %ne3A_313 = arith.constant 0 : i32
    %ne3A_314 = arith.cmpi ne, %rem3A_312, %ne3A_313 : i32
    %and3A_315 = arith.andi %ne3A_311, %ne3A_314 : i1
    %sub3A_316 = arith.constant 1 : i32
    %sub3A_317 = arith.subi %div3A_296, %sub3A_316 : i32
    %select_n3A_318 = arith.select %and3A_315, %sub3A_317, %div3A_296 : i32
    %mul3A_319 = arith.constant 32 : i32
    %mul3A_320 = arith.muli %select_n3A_318, %mul3A_319 : i32
    %sub3A_321 = arith.subi %add3A_294, %mul3A_320 : i32
    %mul3A_322 = arith.constant 512 : i32
    %mul3A_323 = arith.muli %sub3A_321, %mul3A_322 : i32
    %dma_wait3A_324 = arith.constant 0 : i32
    %dma_wait3A_325 = tpu.memref_slice %arg4[%select_n3A_318, %dma_wait3A_324, %mul3A_323] : memref<50x32x16384xf32, #tpu.memory_space<hbm>> -> memref<1x32x512xf32, #tpu.memory_space<hbm>>
    %dma_wait3A_326 = tpu.memref_squeeze %dma_wait3A_325 : memref<1x32x512xf32, #tpu.memory_space<hbm>> -> memref<32x512xf32, #tpu.memory_space<hbm>>
    %dma_wait3A_327 = arith.constant 0 : i32
    %dma_wait3A_328 = tpu.memref_slice %arg4[%select_n3A_318, %dma_wait3A_327, %mul3A_323] : memref<50x32x16384xf32, #tpu.memory_space<hbm>> -> memref<1x32x512xf32, #tpu.memory_space<hbm>>
    %dma_wait3A_329 = tpu.memref_squeeze %dma_wait3A_328 : memref<1x32x512xf32, #tpu.memory_space<hbm>> -> memref<32x512xf32, #tpu.memory_space<hbm>>
    tpu.wait_dma2 semaphore(%arg13 : memref<!tpu.dma_semaphore, #tpu.memory_space<semaphore_mem>>) src(%arg9 : memref<32x512xf32, #tpu.memory_space<vmem>>) dst(%dma_wait3A_329 : memref<32x512xf32, #tpu.memory_space<hbm>>)
    return
  }
}

</mosaic_0001>

<sc_bundles>
// kernel: _embed_call.3.cloned.1.call-start
scs
__scs_entry_jumppad:
0x0: {  	(pc) =	sbr.rel $0x88, $3  }
0x1: {  	(tag) =	ssettag $0x0;
	lr =	simm.s32 $0x1  }
0x2: {  	[smem:$0x3F9F] =	sst lr;
	_ =	strace $0xD0000000  }
0x3: {  	_ = 	snop  }
0x4: {  	_ = 	snop  }
0x5: {  	_ = 	snop  }
0x6: {  	_ = 	snop  }
0x7: {  	_ = 	snop  }
__scs_overlays_trampoline_lowered:
0x8: {  	[smem:$0x3FAE] =	sst s0  }
0x9: {  	[smem:$0x3FAF] =	sst s1  }
0xa: {  	[smem:$0x3FB0] =	sst s2  }
0xb: {  	[smem:$0x3FB1] =	sst s3  }
0xc: {  	[smem:$0x3FB2] =	sst s4  }
0xd: {  	[smem:$0x3FB3] =	sst s5  }
0xe: {  	[smem:$0x3FB4] =	sst s6  }
0xf: {  	[smem:$0x3FB5] =	sst s7  }
0x10: {  	[smem:$0x3FB6] =	sst s8  }
0x11: {  	[smem:$0x3FB7] =	sst s9;
	s0 =	simm.s32 @!p0 $0x0  }
0x12: {  	s1 =	sld [smem:$0x3F9D];
	s0 =	simm.s32 @p0 $0x1  }
0x13: {  	[smem:$0x3FB8] =	sst s0;
	s0 =	simm.s32 @!p1 $0x0  }
0x14: {  	s2 =	sld [smem:$0x3F9C];
	s0 =	simm.s32 @p1 $0x1  }
0x15: {  	[smem:$0x3FB9] =	sst s0;
	s0 =	simm.s32 @!p2 $0x0  }
0x16: {  	s3 =	sld [smem:$0x3FDB];
	s0 =	simm.s32 @p2 $0x1  }
0x17: {  	s4 =	simm.s32 $0x1BF5;
	[smem:$0x3FBB] =	sst s0  }
0x18: {  	s0 =	sld [smem:$0x3F9E];
	_ =	swait.ge [sflag:s4], $0x0  }
0x19: {  	s7 =	sld [smem:$0x3F9F]  }
0x1a: {  	s8 =	sadd.s32 $0xFFFFE003, lr  }
0x1b: {  	s9 =	sadd.s32 $0xFFFFFEF7, lr;
	s5 =	simm.s32 $0xFFFFFFFF;
	p2 =	slt.u32 s8, $0xFFFFF086  }
0x1c: {  	p1 =	slt.u32 s9, $0xF7A;
	s5 =	simm.s32 @!p2 $0x0  }
0x1d: {  	s5 =	simm.s32 @p1 $0x1;
	p0 =	seq.s32 s7, s2  }
0x1e: {  	s7 =	smul.u32 @!p0 $0xF7A, s2;
	p2 =	seq.s32 @!p0 s5, $0x0  }
0x1f: {  	s9 =	smul.u32 $0xF7A, s1;
	s8 =	simm.s32 @!p0 $0x1BF5;
	p2 =	por !p2, p0  }
0x20: {  	[sflag:s8] =	ssyncset.s32 @!p0 $0xFFFFF086;
	s6 =	sadd.s32 @!p0 s3, s7;
	s7 =	simm.s32 @!p0 $0x108  }
0x21: {  	s3 =	sadd.s32 s3, s9;
	s6 =	sadd.s32 @!p0 $0x88, s6;
	s7 =	simm.s32 @p2 $0x1082  }
0x22: {  	[simem:s7], [sflag:s8] =	dma.local @!p0 [hbm:s6], $0xF7A  }
0x23: {  	s9 =	sor.u32 $0xD0000000, s2;
	s6 =	simm.s32 $0x108;
	_ =	swait.ge @!p0 [sflag:s8], $0x0  }
0x24: {  	s3 =	sadd.s32 $0x88, s3;
	s6 =	simm.s32 @!p1 $0x1082;
	[sflag:s4] =	ssyncset.s32 $0xFFFFF086  }
0x25: {  	[simem:s6], [sflag:s4] =	dma.local [hbm:s3], $0xF7A  }
0x26: {  	[smem:$0x3F9F] =	sst s1;
	(tag) =	ssettag s2;
	_ =	strace s9  }
0x27: {  	s1 =	sld [smem:$0x3FAF]  }
0x28: {  	s2 =	sld [smem:$0x3FB0]  }
0x29: {  	s4 =	sld [smem:$0x3FB2]  }
0x2a: {  	p0 =	seq.s32 s5, $0x0;
	s5 =	sld [smem:$0x3FB3]  }
0x2b: {  	s6 =	sld [smem:$0x3FB4]  }
0x2c: {  	s7 =	sld [smem:$0x3FB5]  }
0x2d: {  	s3 =	simm.s32 $0x108;
	s8 =	sld [smem:$0x3FB6]  }
0x2e: {  	s3 =	simm.s32 @!p0 $0x1082;
	s9 =	sld [smem:$0x3FB7]  }
0x2f: {  	lr =	sadd.s32 s0, s3;
	s0 =	sld [smem:$0x3FAE]  }
0x30: {  	s3 =	sld [smem:$0x3FB1]  }
0x31: {  	[smem:$0x3FBA] =	sst s10  }
0x32: {  	s10 =	sld [smem:$0x3FB8];
	_ =	sdelay $0x3  }
0x33: {  	p0 =	seq.s32 s10, $0x1;
	s10 =	sld [smem:$0x3FBA];
	_ =	sdelay $0x3  }
0x34: {  	[smem:$0x3FBA] =	sst s10  }
0x35: {  	s10 =	sld [smem:$0x3FB9];
	_ =	sdelay $0x3  }
0x36: {  	p1 =	seq.s32 s10, $0x1;
	s10 =	sld [smem:$0x3FBA];
	_ =	sdelay $0x3  }
0x37: {  	[smem:$0x3FBA] =	sst s10  }
0x38: {  	s10 =	sld [smem:$0x3FBB]  }
0x39: {  	_ = 	snop;
	(pc) =	sbr.ind lr, $3  }
0x3a: {  	_ = 	snop  }
0x3b: {  	_ = 	snop  }
0x3c: {  	p2 =	seq.s32 s10, $0x1;
	s10 =	sld [smem:$0x3FBA]  }
0x3d: {  	_ =	shalt  }
0x3e: {  	_ =	shalt  }
0x3f: {  	_ =	shalt  }
0x40: {  	_ =	shalt  }
0x41: {  	_ =	shalt  }
0x42: {  	_ =	shalt  }
0x43: {  	_ =	shalt  }
0x44: {  	_ =	shalt  }
0x45: {  	_ =	shalt  }
0x46: {  	_ =	shalt  }
0x47: {  	_ =	shalt  }
0x48: {  	_ =	shalt  }
0x49: {  	_ =	shalt  }
0x4a: {  	_ =	shalt  }
0x4b: {  	_ =	shalt  }
0x4c: {  	_ =	shalt  }
0x4d: {  	_ =	shalt  }
0x4e: {  	_ =	shalt  }
0x4f: {  	_ =	shalt  }
0x50: {  	_ =	shalt  }
0x51: {  	_ =	shalt  }
0x52: {  	_ =	shalt  }
0x53: {  	_ =	shalt  }
0x54: {  	_ =	shalt  }
0x55: {  	_ =	shalt  }
0x56: {  	_ =	shalt  }
0x57: {  	_ =	shalt  }
0x58: {  	_ =	shalt  }
0x59: {  	_ =	shalt  }
0x5a: {  	_ =	shalt  }
0x5b: {  	_ =	shalt  }
0x5c: {  	_ =	shalt  }
0x5d: {  	_ =	shalt  }
0x5e: {  	_ =	shalt  }
0x5f: {  	_ =	shalt  }
0x60: {  	_ =	shalt  }
0x61: {  	_ =	shalt  }
0x62: {  	_ =	shalt  }
0x63: {  	_ =	shalt  }
0x64: {  	_ =	shalt  }
0x65: {  	_ =	shalt  }
0x66: {  	_ =	shalt  }
0x67: {  	_ =	shalt  }
0x68: {  	_ =	shalt  }
0x69: {  	_ =	shalt  }
0x6a: {  	_ =	shalt  }
0x6b: {  	_ =	shalt  }
0x6c: {  	_ =	shalt  }
0x6d: {  	_ =	shalt  }
0x6e: {  	_ =	shalt  }
0x6f: {  	_ =	shalt  }
0x70: {  	_ =	shalt  }
0x71: {  	_ =	shalt  }
0x72: {  	_ =	shalt  }
0x73: {  	_ =	shalt  }
0x74: {  	_ =	shalt  }
0x75: {  	_ =	shalt  }
0x76: {  	_ =	shalt  }
0x77: {  	_ =	shalt  }
0x78: {  	_ =	shalt  }
0x79: {  	_ =	shalt  }
0x7a: {  	_ =	shalt  }
0x7b: {  	_ =	shalt  }
0x7c: {  	_ =	shalt  }
0x7d: {  	_ =	shalt  }
0x7e: {  	_ =	shalt  }
0x7f: {  	_ =	shalt  }
0x80: {  	_ =	shalt  }
0x81: {  	_ =	shalt  }
0x82: {  	_ =	shalt  }
0x83: {  	_ =	shalt  }
0x84: {  	_ =	shalt  }
0x85: {  	_ =	shalt  }
0x86: {  	_ =	shalt  }
0x87: {  	_ =	shalt  }
.Lfunc_end0:
.L_simem_size_0:
called_computation_lowered:
.L_overlay_start_0:
0x88: {  	s2 =	sld [smem:$0x3FD9]  }
0x89: {  	s3 =	sld [smem:$0x3FFE];
	_ =	sdelay $0x1  }
0x8a: {  	s1 =	srdreg.scid  }
0x8b: {  	s0 =	sand.u32 $0x1, s1  }
0x8c: {  	s17 =	sshll.u32 s0, $0xA;
	s2 =	sadd.s32 s3, s2  }
0x8d: {  	s2 =	sadd.s32 s2, s17  }
0x8e: {  	[smem:$0x3FC6] =	sst s2  }
0x8f: {  	_ = 	snop  }
0x90: {  	s2 =	sld [smem:$0x3FC9];
	(tm) =	ssettm $0x1  }
0x91: {  	s18 =	sld [smem:$0x3FFB];
	_ =	sdelay $0x3  }
0x92: {  	_ =	strace s18  }
0x93: {  	s3 =	sld [smem:$0x3FFC];
	_ =	sdelay $0x3  }
0x94: {  	_ =	strace s3  }
0x95: {  	s3 =	sld [smem:$0x3FFD];
	_ =	sdelay $0x3  }
0x96: {  	_ =	strace s3  }
0x97: {  	_ =	strace $0x8FFFFFFF  }
0x98: {  	s19 =	sld [smem:$0x3FDB];
	_ =	sdelay $0x1  }
0x99: {  	s4 =	simm.s32 $_scs_section_size  }
0x9a: {  	s5 =	simm.s32 $_size__tile_overlayer_lowered;
	s6 =	simm.s32 $_tile_overlayer_lowered  }
0x9b: {  	s22 =	simm.s32 $0x1BFF;
	s21 =	sshll.u32 s6, $0x1;
	s3 =	sadd.s32 s4, s19  }
0x9c: {  	s7 =	simm.s32 $0x0;
	s20 =	sshll.u32 s5, $0x1;
	s5 =	sadd.s32 s21, s3  }
0x9d: {  	[timem:s7], [sflag:s22] =	dma.local [hbm:s5], s20  }
0x9e: {  	_ =	swait.ge [sflag:s22], s20  }
0x9f: {  	s4 =	ssub.s32 $0x0, s20;
	[sflag:s22] =	ssyncset.done $0x0  }
0xa0: {  	[sflag:s22] =	ssyncadd.s32 s4;
	_ =	sdelay $0x1  }
0xa1: {  	s23 =	simm.s32 $0x1B8B  }
0xa2: {  	_ =	swait.ge [sflag:s23], $0x1  }
0xa3: {  	[sflag:s23] =	ssyncset.done $0x0  }
0xa4: {  	s25 =	simm.s32 $0x1B8E;
	s24 =	sld [smem:$0x3FFE];
	[sflag:s23] =	ssyncadd.s32 $0xFFFFFFFF  }
0xa5: {  	s26 =	simm.s32 $execute0_lowered;
	[smem:$0x3FD2] =	sst s25  }
0xa6: {  	s5 =	sshll.u32 s26, $0x1;
	_ =	strace $0x80000046;
	[dreg:$0x1] =	wrdreg $0xFFFFFFFF  }
0xa7: {  	s28 =	simm.s32 $_size_execute0_lowered;
	s3 =	sadd.s32 s3, s5;
	[dreg:$0x0] =	wrdreg $0x0  }
0xa8: {  	s5 =	sshll.u32 s28, $0x1;
	[dreg:$0x2] =	wrdreg s3  }
0xa9: {  	[dreg:$0x3] =	wrdreg s5  }
0xaa: {  	[dreg:$0x4] =	wrdreg $0xC0  }
0xab: {  	_ =	task [dreg:s7], $0x5FFFF  }
0xac: {  	[dreg:$0x1] =	wrdreg $0xFFFFFFFF  }
0xad: {  	[dreg:$0x0] =	wrdreg $0x60  }
0xae: {  	[dreg:$0x2] =	wrdreg s2  }
0xaf: {  	[dreg:$0x3] =	wrdreg s24  }
0xb0: {  	[dreg:$0x4] =	wrdreg $0x9  }
0xb1: {  	_ =	task.clear_ibuf [dreg:s7], $0x5FFFF;
	_ =	strace $0x90000046  }
0xb2: {  	s29 =	simm.s32 $0x9;
	_ =	strace $0x80000048  }
0xb3: {  	_ =	swait.ge [sflag:s29], $0x1  }
0xb4: {  	[sflag:s29] =	ssyncadd.s32 $0xFFFFFFFF  }
0xb5: {  	_ =	strace $0x90000048  }
0xb6: {  	_ =	sfence  }
0xb7: {  	s30 =	sld [smem:$0x0];
	_ =	sdelay $0x2  }
0xb8: {  	s31 =	sshll.u32 s1, $0xD;
	s1 =	sshrl.u32 s1, $0x2  }
0xb9: {  	s3 =	sand.u32 $0x4000, s31;
	s1 =	sadd.s32 s1, s30  }
0xba: {  	s0 =	sor.u32 s3, s0;
	s1 =	sshll.u32 s1, $0x11  }
0xbb: {  	s0 =	sor.u32 s1, s0  }
0xbc: {  	s0 =	sadd.s32 $0x8F2B, s0  }
0xbd: {  	[sflag:s0] =	ssyncadd.remote.s32 $0x1  }
0xbe: {  	_ =	sfence.sel $0xFFFF  }
0xbf: {  	[dreg:$0x0] =	wrdreg $0xFFFFFFFF;
	(pc) =	sbr.abs _section_cstart, $3  }
0xc0: {  	[dreg:$0x1] =	wrdreg $0xFFFFFFFF  }
0xc1: {  	_ =	task.clear_ibuf [dreg:s7], $0x2FFFF;
	_ =	strace $0x9FFFFFFF  }
0xc2: {  	(tm) =	ssettm $0x7FFFFFFF  }
0xc3: {  	_ =	shalt  }
tec
execute0_lowered:
.L_overlay_start_1:
0x0: {  	(tag) =	ssettag $0x1  }
0x1: {  	v0 =	vimm.s32 $0x14131211;
	v1 =	vimm.s32 $0x18171615;
	v2 =	vimm.s32 $0x1C1B1A19  }
0x2: {  	v3 =	vimm.s32 $0x1F1E1D;
	vm0 =	vcmask $0x1F10;
	v4 =	vimm.s32 $0x15141312  }
0x3: {  	v5 =	vimm.s32 $0x1D1C1B1A;
	v6 =	vimm.s32 $0x1001F1E;
	v7 =	vimm.s32 $0x16151413  }
0x4: {  	v8 =	vimm.s32 $0x1A191817;
	v9 =	vimm.s32 $0x1E1D1C1B;
	v10 =	vimm.s32 $0x201001F  }
0x5: {  	v11 =	vimm.s32 $0x3020100;
	v12 =	vimm.s32 $0x1F1E1D1C;
	v22 =	vimm.s32 $0x1B1A1918  }
0x6: {  	v23 =	vimm.s32 $0x4030201;
	v13 =	vimm.s32 $0x5040302;
	v14 =	vimm.s32 $0x6050403  }
0x7: {  	v15 =	vimm.s32 $0x32107654;
	vm12 =	vcmask $0x2F10;
	vm1 =	vcmask $0x3F30  }
0x8: {  	v25 =	vimm.s32 $0xC0B0A09;
	v26 =	vimm.s32 $0xD0C0B0A;
	v27 =	vimm.s32 $0xE0D0C0B  }
0x9: {  	vm13 =	vcmask $0x300;
	v28 =	vimm.s32 $0x2607;
	v29 =	vimm.s32 $0x2807  }
0xa: {  	v30 =	vimm.s32 $0x2A07;
	v31 =	vimm.s32 $0x2C07;
	v32 =	vimm.s32 $0x2E07  }
0xb: {  	v33 =	vimm.s32 $0x3007;
	v34 =	vimm.s32 $0x3207;
	v35 =	vimm.s32 $0x3407  }
0xc: {  	v36 =	vimm.s32 $0x3607;
	v37 =	vimm.s32 $0x3807;
	v16 =	vimm.s32 $0x3A07  }
0xd: {  	v17 =	vimm.s32 $0x3C07;
	v18 =	vimm.s32 $0x3E07;
	v19 =	vimm.s32 $0x7  }
0xe: {  	v20 =	vimm.s32 $0x207;
	v21 =	vimm.s32 $0x407;
	vm14 =	vcmask $0x704  }
0xf: {  	vm15 =	vcmask $0xB08;
	vm4 =	vcmask $0xF0C;
	vm5 =	vcmask $0x1310  }
0x10: {  	vm6 =	vcmask $0x1714;
	vm7 =	vcmask $0x1B18;
	vm8 =	vcmask $0x1F1C  }
0x11: {  	vm9 =	vcmask $0x2320;
	vm10 =	vcmask $0x2724;
	vm11 =	vcmask $0x2B28  }
0x12: {  	v0 =	vunpack.c.0.s8.s32 v0;
	v1 =	vunpack.c.0.s8.s32 v1;
	v2 =	vunpack.c.0.s8.s32 v2  }
0x13: {  	v3 =	vunpack.c.0.s8.s32 v3;
	v5 =	vunpack.c.0.s8.s32 v5;
	v6 =	vunpack.c.0.s8.s32 v6  }
0x14: {  	v7 =	vunpack.c.0.s8.s32 v7;
	v8 =	vunpack.c.0.s8.s32 v8;
	v9 =	vunpack.c.0.s8.s32 v9  }
0x15: {  	v10 =	vunpack.c.0.s8.s32 v10;
	v11 =	vunpack.c.0.s8.s32 v11;
	v12 =	vunpack.c.0.s8.s32 v12  }
0x16: {  	v13 =	vunpack.c.0.s8.s32 v13;
	v24 =	vunpack.c.l.s4.s8 v15;
	v15 =	vsel vm13, $0x1A00, v37  }
0x17: {  	v16 =	vsel vm13, $0x1C00, v16;
	v17 =	vsel vm13, $0x1E00, v17;
	v18 =	vsel vm13, $0x2000, v18  }
0x18: {  	v19 =	vsel vm13, $0x2200, v19;
	v20 =	vsel vm13, $0x2400, v20;
	v21 =	vsel vm13, $0x2600, v21  }
0x19: {  	v15 =	vsel vm14, $0x1C01, v15;
	v16 =	vsel vm14, $0x1E01, v16;
	v17 =	vsel vm14, $0x2001, v17  }
0x1a: {  	v18 =	vsel vm14, $0x2201, v18;
	v19 =	vsel vm14, $0x2401, v19;
	v20 =	vsel vm14, $0x2601, v20  }
0x1b: {  	v21 =	vsel vm14, $0x2801, v21;
	v0 =	vsel vm0, v1, v0;
	v1 =	vsel vm0, v2, v1  }
0x1c: {  	v15 =	vsel vm15, $0x1E02, v15;
	v16 =	vsel vm15, $0x2002, v16;
	v17 =	vsel vm15, $0x2202, v17  }
0x1d: {  	v18 =	vsel vm15, $0x2402, v18;
	v19 =	vsel vm15, $0x2602, v19;
	v20 =	vsel vm15, $0x2802, v20;
	[tilespmem:$0x1FEE0] =	vst v0  }
0x1e: {  	v21 =	vsel vm15, $0x2A02, v21;
	v0 =	vsel vm0, v3, v2;
	[tilespmem:$0x1FE20] =	vst v1;
	v1 =	vsel vm0, v13, v6  }
0x1f: {  	v2 =	vimm.s32 $0xB0A0908;
	v13 =	vsel vm13, $0x1600, v35;
	v15 =	vsel vm4, $0x2003, v15  }
0x20: {  	v16 =	vsel vm4, $0x2203, v16;
	v17 =	vsel vm4, $0x2403, v17;
	v18 =	vsel vm4, $0x2603, v18  }
0x21: {  	v19 =	vsel vm4, $0x2803, v19;
	v20 =	vsel vm4, $0x2A03, v20;
	v21 =	vsel vm4, $0x2C03, v21  }
0x22: {  	[tilespmem:$0x1FEF0] =	vst v0;
	v0 =	vunpack.c.0.s8.s32 v4;
	v4 =	vimm.s32 $0x19181716;
	v2 =	vunpack.c.0.s8.s32 v2  }
0x23: {  	v13 =	vsel vm14, $0x1801, v13;
	v15 =	vsel vm5, $0x2204, v15;
	v16 =	vsel vm5, $0x2404, v16  }
0x24: {  	v17 =	vsel vm5, $0x2604, v17;
	v18 =	vsel vm5, $0x2804, v18;
	v19 =	vsel vm5, $0x2A04, v19  }
0x25: {  	v20 =	vsel vm5, $0x2C04, v20;
	v21 =	vsel vm5, $0x2E04, v21;
	v4 =	vunpack.c.0.s8.s32 v4  }
0x26: {  	v13 =	vsel vm15, $0x1A02, v13;
	v15 =	vsel vm6, $0x2405, v15;
	v16 =	vsel vm6, $0x2605, v16  }
0x27: {  	v17 =	vsel vm6, $0x2805, v17;
	v18 =	vsel vm6, $0x2A05, v18;
	v19 =	vsel vm6, $0x2C05, v19  }
0x28: {  	v20 =	vsel vm6, $0x2E05, v20;
	v21 =	vsel vm6, $0x3005, v21;
	v13 =	vsel vm4, $0x1C03, v13  }
0x29: {  	v15 =	vsel vm7, $0x2606, v15;
	v16 =	vsel vm7, $0x2806, v16;
	v17 =	vsel vm7, $0x2A06, v17  }
0x2a: {  	v18 =	vsel vm7, $0x2C06, v18;
	v19 =	vsel vm7, $0x2E06, v19;
	v20 =	vsel vm7, $0x3006, v20  }
0x2b: {  	[tilespmem:$0x1FE40] =	vst v1;
	v21 =	vsel vm7, $0x3206, v21;
	v0 =	vsel vm0, v4, v0;
	v1 =	vsel vm0, v5, v4  }
0x2c: {  	v4 =	vimm.s32 $0x54329876;
	v13 =	vsel vm5, $0x1E04, v13;
	v15 =	vsel vm8, $0x2807, v15  }
0x2d: {  	v16 =	vsel vm8, $0x2A07, v16;
	v17 =	vsel vm8, $0x2C07, v17;
	v18 =	vsel vm8, $0x2E07, v18  }
0x2e: {  	v19 =	vsel vm8, $0x3007, v19;
	v20 =	vsel vm8, $0x3207, v20;
	v21 =	vsel vm8, $0x3407, v21;
	[tilespmem:$0x1FF40] =	vst v0  }
0x2f: {  	v0 =	vsel vm0, v6, v5;
	[tilespmem:$0x1FE50] =	vst v1;
	v1 =	vsel vm0, v9, v8;
	v4 =	vunpack.c.l.s4.s8 v4  }
0x30: {  	v5 =	vimm.s32 $0x6543A987;
	v13 =	vsel vm6, $0x2005, v13;
	v15 =	vsel vm9, $0x2A00, v15  }
0x31: {  	v16 =	vsel vm9, $0x2C00, v16;
	v17 =	vsel vm9, $0x2E00, v17;
	v18 =	vsel vm9, $0x3000, v18  }
0x32: {  	v19 =	vsel vm9, $0x3200, v19;
	v20 =	vsel vm9, $0x3400, v20;
	v21 =	vsel vm9, $0x3600, v21  }
0x33: {  	[tilespmem:$0x1FF30] =	vst v0;
	v0 =	vsel vm0, v8, v7;
	v7 =	vunpack.c.0.s8.s32 v22;
	v5 =	vunpack.c.l.s4.s8 v5  }
0x34: {  	v8 =	vunpack.c.0.s8.s32 v27;
	v22 =	vimm.s32 $0x607;
	v27 =	vimm.s32 $0x1007  }
0x35: {  	v13 =	vsel vm7, $0x2206, v13;
	v15 =	vsel vm10, $0x2C01, v15;
	v16 =	vsel vm10, $0x2E01, v16  }
0x36: {  	v17 =	vsel vm10, $0x3001, v17;
	v18 =	vsel vm10, $0x3201, v18;
	v19 =	vsel vm10, $0x3401, v19  }
0x37: {  	v20 =	vsel vm10, $0x3601, v20;
	v21 =	vsel vm10, $0x3801, v21;
	[tilespmem:$0x1FF80] =	vst v0;
	v0 =	vsel vm0, v10, v9  }
0x38: {  	v4 =	vunpack.c.0.s8.s32 v4;
	v9 =	vsel vm13, $0xE00, v31;
	v22 =	vsel vm13, $0x2800, v22  }
0x39: {  	v27 =	vsel vm13, $0x3200, v27;
	v31 =	vimm.s32 $0x1807;
	v13 =	vsel vm8, $0x2407, v13  }
0x3a: {  	v15 =	vsel vm11, $0x2E02, v15;
	v16 =	vsel vm11, $0x3002, v16;
	v17 =	vsel vm11, $0x3202, v17  }
0x3b: {  	v18 =	vsel vm11, $0x3402, v18;
	v19 =	vsel vm11, $0x3602, v19;
	v20 =	vsel vm11, $0x3802, v20  }
0x3c: {  	v21 =	vsel vm11, $0x3A02, v21;
	[tilespmem:$0x1FF90] =	vst v0;
	v0 =	vsel vm0, v11, v12;
	v11 =	vunpack.c.0.s8.s32 v23  }
0x3d: {  	[tilespmem:$0x1FE80] =	vst v1;
	v1 =	vsel vm0, v12, v7;
	v5 =	vunpack.c.0.s8.s32 v5;
	v23 =	vimm.s32 $0x807  }
0x3e: {  	v31 =	vsel vm13, $0x3A00, v31;
	v9 =	vsel vm14, $0x1001, v9;
	v22 =	vsel vm14, $0x2A01, v22  }
0x3f: {  	v27 =	vsel vm14, $0x3401, v27;
	v13 =	vsel vm9, $0x2600, v13;
	[tilespmem:$0x1FDE0] =	vst v0;
	v0 =	vimm.s32 $0x17161514  }
0x40: {  	[tilespmem:$0x1FEB0] =	vst v1;
	v1 =	vimm.s32 $0x43218765;
	v4 =	vand.u32 $0xF, v4;
	v23 =	vsel vm13, $0x2A00, v23  }
0x41: {  	v31 =	vsel vm14, $0x3C01, v31;
	v9 =	vsel vm15, $0x1202, v9;
	v22 =	vsel vm15, $0x2C02, v22  }
0x42: {  	v27 =	vsel vm15, $0x3602, v27;
	v13 =	vsel vm10, $0x2801, v13;
	v0 =	vunpack.c.0.s8.s32 v0  }
0x43: {  	v11 =	vsel vm0, v11, v3;
	v1 =	vunpack.c.l.s4.s8 v1;
	v5 =	vand.u32 $0xF, v5  }
0x44: {  	v4 =	vsel vm12, v4, v6;
	v6 =	vsel vm13, $0x800, v28;
	v28 =	vimm.s32 $0x1207  }
0x45: {  	v23 =	vsel vm14, $0x2C01, v23;
	v31 =	vsel vm15, $0x3E02, v31;
	v9 =	vsel vm4, $0x1403, v9  }
0x46: {  	v22 =	vsel vm4, $0x2E03, v22;
	v27 =	vsel vm4, $0x3803, v27;
	v13 =	vsel vm11, $0x2A02, v13  }
0x47: {  	[tilespmem:$0x1FE10] =	vst v11;
	v5 =	vsel vm12, v5, v10;
	v11 =	vsel vm13, $0x1200, v33;
	v28 =	vsel vm13, $0x3400, v28  }
0x48: {  	v33 =	vimm.s32 $0x1C07;
	v6 =	vsel vm14, $0xA01, v6;
	v23 =	vsel vm15, $0x2E02, v23  }
0x49: {  	v31 =	vsel vm4, $0x3, v31;
	v9 =	vsel vm5, $0x1604, v9;
	v22 =	vsel vm5, $0x3004, v22  }
0x4a: {  	v27 =	vsel vm5, $0x3A04, v27;
	v0 =	vsel vm0, v7, v0;
	v1 =	vunpack.c.0.s8.s32 v1  }
0x4b: {  	v7 =	vunpack.c.0.s8.s32 v26;
	v26 =	vimm.s32 $0xE07;
	v33 =	vsel vm13, $0x3E00, v33  }
0x4c: {  	v11 =	vsel vm14, $0x1401, v11;
	v28 =	vsel vm14, $0x3601, v28;
	v6 =	vsel vm15, $0xC02, v6  }
0x4d: {  	v23 =	vsel vm4, $0x3003, v23;
	v31 =	vsel vm5, $0x204, v31;
	v9 =	vsel vm6, $0x1805, v9  }
0x4e: {  	v22 =	vsel vm6, $0x3205, v22;
	v27 =	vsel vm6, $0x3C05, v27;
	[tilespmem:$0x1FDF0] =	vst v0;
	v0 =	vunpack.c.0.s8.s32 v14  }
0x4f: {  	v14 =	vsel vm13, $0x1800, v36;
	v26 =	vsel vm13, $0x3000, v26;
	v33 =	vsel vm14, $0x1, v33  }
0x50: {  	v11 =	vsel vm15, $0x1602, v11;
	v28 =	vsel vm15, $0x3802, v28;
	v6 =	vsel vm4, $0xE03, v6  }
0x51: {  	v23 =	vsel vm5, $0x3204, v23;
	v31 =	vsel vm6, $0x405, v31;
	v9 =	vsel vm7, $0x1A06, v9  }
0x52: {  	v22 =	vsel vm7, $0x3406, v22;
	v27 =	vsel vm7, $0x3E06, v27;
	v1 =	vand.u32 $0xF, v1  }
0x53: {  	v14 =	vsel vm14, $0x1A01, v14;
	v26 =	vsel vm14, $0x3201, v26;
	v33 =	vsel vm15, $0x202, v33  }
0x54: {  	v11 =	vsel vm4, $0x1803, v11;
	v28 =	vsel vm4, $0x3A03, v28;
	v6 =	vsel vm5, $0x1004, v6  }
0x55: {  	v23 =	vsel vm6, $0x3405, v23;
	v31 =	vsel vm7, $0x606, v31;
	v9 =	vsel vm8, $0x1C07, v9  }
0x56: {  	v22 =	vsel vm8, $0x3607, v22;
	v27 =	vsel vm8, $0x7, v27;
	v0 =	vsel vm0, v0, v10  }
0x57: {  	v1 =	vsel vm12, v1, v3;
	v3 =	vunpack.c.0.s8.s32 v25;
	v10 =	vsel vm13, $0x1000, v32  }
0x58: {  	v25 =	vimm.s32 $0xC07;
	v32 =	vimm.s32 $0x1A07;
	v14 =	vsel vm15, $0x1C02, v14  }
0x59: {  	v26 =	vsel vm15, $0x3402, v26;
	v11 =	vsel vm5, $0x1A04, v11;
	v28 =	vsel vm5, $0x3C04, v28  }
0x5a: {  	v6 =	vsel vm6, $0x1205, v6;
	v23 =	vsel vm7, $0x3606, v23;
	v31 =	vsel vm8, $0x807, v31  }
0x5b: {  	v9 =	vsel vm9, $0x1E00, v9;
	v22 =	vsel vm9, $0x3800, v22;
	v27 =	vsel vm9, $0x200, v27  }
0x5c: {  	[tilespmem:$0x1FE70] =	vst v0;
	v0 =	vunpack.c.0.s8.s32 v24;
	v24 =	vimm.s32 $0xA07;
	v25 =	vsel vm13, $0x2E00, v25  }
0x5d: {  	v32 =	vsel vm13, $0x3C00, v32;
	v10 =	vsel vm14, $0x1201, v10;
	v14 =	vsel vm4, $0x1E03, v14  }
0x5e: {  	v26 =	vsel vm4, $0x3603, v26;
	v11 =	vsel vm6, $0x1C05, v11;
	v28 =	vsel vm6, $0x3E05, v28  }
0x5f: {  	v6 =	vsel vm7, $0x1406, v6;
	v23 =	vsel vm8, $0x3807, v23;
	v31 =	vsel vm9, $0xA00, v31  }
0x60: {  	v9 =	vsel vm10, $0x2001, v9;
	v22 =	vsel vm10, $0x3A01, v22;
	v27 =	vsel vm10, $0x401, v27  }
0x61: {  	v24 =	vsel vm13, $0x2C00, v24;
	v25 =	vsel vm14, $0x3001, v25;
	v32 =	vsel vm14, $0x3E01, v32  }
0x62: {  	v10 =	vsel vm15, $0x1402, v10;
	v14 =	vsel vm5, $0x2004, v14;
	v26 =	vsel vm5, $0x3804, v26  }
0x63: {  	v11 =	vsel vm7, $0x1E06, v11;
	v28 =	vsel vm7, $0x6, v28;
	v6 =	vsel vm8, $0x1607, v6  }
0x64: {  	v23 =	vsel vm9, $0x3A00, v23;
	v31 =	vsel vm10, $0xC01, v31;
	v9 =	vsel vm11, $0x2202, v9  }
0x65: {  	v22 =	vsel vm11, $0x3C02, v22;
	v27 =	vsel vm11, $0x602, v27;
	v0 =	vand.u32 $0xF, v0  }
0x66: {  	v24 =	vsel vm14, $0x2E01, v24;
	v25 =	vsel vm15, $0x3202, v25;
	v32 =	vsel vm15, $0x2, v32  }
0x67: {  	v10 =	vsel vm4, $0x1603, v10;
	v14 =	vsel vm6, $0x2205, v14;
	v26 =	vsel vm6, $0x3A05, v26  }
0x68: {  	v11 =	vsel vm8, $0x2007, v11;
	v28 =	vsel vm8, $0x207, v28;
	v6 =	vsel vm9, $0x1800, v6  }
0x69: {  	v23 =	vsel vm10, $0x3C01, v23;
	v31 =	vsel vm11, $0xE02, v31;
	v0 =	vsel vm12, v0, v12  }
0x6a: {  	v12 =	vsel vm13, $0x1400, v34;
	v24 =	vsel vm15, $0x3002, v24;
	v25 =	vsel vm4, $0x3403, v25  }
0x6b: {  	v10 =	vsel vm5, $0x1804, v10;
	v14 =	vsel vm7, $0x2406, v14;
	v26 =	vsel vm7, $0x3C06, v26  }
0x6c: {  	v11 =	vsel vm9, $0x2200, v11;
	v28 =	vsel vm9, $0x400, v28;
	v6 =	vsel vm10, $0x1A01, v6  }
0x6d: {  	v23 =	vsel vm11, $0x3E02, v23;
	vm12 =	vcmask $0x2F2C;
	v0 =	vsel vm1, v2, v0  }
0x6e: {  	v12 =	vsel vm14, $0x1601, v12;
	v24 =	vsel vm4, $0x3203, v24;
	v25 =	vsel vm5, $0x3604, v25  }
0x6f: {  	v10 =	vsel vm6, $0x1A05, v10;
	v14 =	vsel vm8, $0x2607, v14;
	v26 =	vsel vm8, $0x3E07, v26  }
0x70: {  	v11 =	vsel vm10, $0x2401, v11;
	v28 =	vsel vm10, $0x601, v28;
	v6 =	vsel vm11, $0x1C02, v6  }
0x71: {  	v9 =	vsel vm12, $0x2403, v9;
	v13 =	vsel vm12, $0x2C03, v13;
	v15 =	vsel vm12, $0x3003, v15  }
0x72: {  	v16 =	vsel vm12, $0x3203, v16;
	v17 =	vsel vm12, $0x3403, v17;
	v18 =	vsel vm12, $0x3603, v18  }
0x73: {  	v19 =	vsel vm12, $0x3803, v19;
	v20 =	vsel vm12, $0x3A03, v20;
	v21 =	vsel vm12, $0x3C03, v21  }
0x74: {  	v22 =	vsel vm12, $0x3E03, v22;
	v23 =	vsel vm12, $0x3, v23;
	v27 =	vsel vm12, $0x803, v27  }
0x75: {  	v31 =	vsel vm12, $0x1003, v31;
	[tilespmem:$0x1FB30] =	vst v0;
	v0 =	vsel vm1, v3, v1;
	v1 =	vimm.s32 $0x2007  }
0x76: {  	v12 =	vsel vm15, $0x1802, v12;
	v24 =	vsel vm5, $0x3404, v24;
	v25 =	vsel vm6, $0x3805, v25  }
0x77: {  	v10 =	vsel vm7, $0x1C06, v10;
	v14 =	vsel vm9, $0x2800, v14;
	v26 =	vsel vm9, $0x0, v26  }
0x78: {  	v11 =	vsel vm11, $0x2602, v11;
	v28 =	vsel vm11, $0x802, v28;
	v6 =	vsel vm12, $0x1E03, v6  }
0x79: {  	[tilespmem:$0x1FB40] =	vst v0;
	v0 =	vsel vm1, v7, v4;
	v1 =	vsel vm13, $0x200, v1;
	v4 =	vimm.s32 $0x2207  }
0x7a: {  	v7 =	vsel vm13, $0xA00, v29;
	v29 =	vimm.s32 $0x1407;
	v12 =	vsel vm4, $0x1A03, v12  }
0x7b: {  	v24 =	vsel vm6, $0x3605, v24;
	v25 =	vsel vm7, $0x3A06, v25;
	v10 =	vsel vm8, $0x1E07, v10  }
0x7c: {  	v14 =	vsel vm10, $0x2A01, v14;
	v26 =	vsel vm10, $0x201, v26;
	v11 =	vsel vm12, $0x2803, v11  }
0x7d: {  	v28 =	vsel vm12, $0xA03, v28;
	[tilespmem:$0x1FB50] =	vst v0;
	v0 =	vsel vm1, v8, v5;
	v4 =	vsel vm13, $0x400, v4  }
0x7e: {  	v5 =	vimm.s32 $0x2407;
	v8 =	vsel vm13, $0xC00, v30;
	v30 =	vimm.s32 $0x1607  }
0x7f: {  	v29 =	vsel vm13, $0x3600, v29;
	v1 =	vsel vm14, $0x401, v1;
	v7 =	vsel vm14, $0xC01, v7  }
0x80: {  	v12 =	vsel vm5, $0x1C04, v12;
	v24 =	vsel vm7, $0x3806, v24;
	v25 =	vsel vm8, $0x3C07, v25  }
0x81: {  	v10 =	vsel vm9, $0x2000, v10;
	v14 =	vsel vm11, $0x2C02, v14;
	v26 =	vsel vm11, $0x402, v26  }
0x82: {  	[tilespmem:$0x1FB60] =	vst v0;
	v0 =	vimm.s32 $0x1E07;
	v5 =	vsel vm13, $0x600, v5;
	v30 =	vsel vm13, $0x3800, v30  }
0x83: {  	v4 =	vsel vm14, $0x601, v4;
	v8 =	vsel vm14, $0xE01, v8;
	v29 =	vsel vm14, $0x3801, v29  }
0x84: {  	v1 =	vsel vm15, $0x602, v1;
	v7 =	vsel vm15, $0xE02, v7;
	v12 =	vsel vm6, $0x1E05, v12  }
0x85: {  	v24 =	vsel vm8, $0x3A07, v24;
	v25 =	vsel vm9, $0x3E00, v25;
	v10 =	vsel vm10, $0x2201, v10  }
0x86: {  	v14 =	vsel vm12, $0x2E03, v14;
	v26 =	vsel vm12, $0x603, v26;
	v0 =	vsel vm13, $0x0, v0  }
0x87: {  	v5 =	vsel vm14, $0x801, v5;
	v30 =	vsel vm14, $0x3A01, v30;
	v4 =	vsel vm15, $0x802, v4  }
0x88: {  	v8 =	vsel vm15, $0x1002, v8;
	v29 =	vsel vm15, $0x3A02, v29;
	v1 =	vsel vm4, $0x803, v1  }
0x89: {  	v7 =	vsel vm4, $0x1003, v7;
	v12 =	vsel vm7, $0x2006, v12;
	v24 =	vsel vm9, $0x3C00, v24  }
0x8a: {  	v25 =	vsel vm10, $0x1, v25;
	v10 =	vsel vm11, $0x2402, v10;
	vm13 =	vcmask $0x3330  }
0x8b: {  	v0 =	vsel vm14, $0x201, v0;
	v5 =	vsel vm15, $0xA02, v5;
	v30 =	vsel vm15, $0x3C02, v30  }
0x8c: {  	v4 =	vsel vm4, $0xA03, v4;
	v8 =	vsel vm4, $0x1203, v8;
	v29 =	vsel vm4, $0x3C03, v29  }
0x8d: {  	v1 =	vsel vm5, $0xA04, v1;
	v7 =	vsel vm5, $0x1204, v7;
	v12 =	vsel vm8, $0x2207, v12  }
0x8e: {  	v24 =	vsel vm10, $0x3E01, v24;
	v25 =	vsel vm11, $0x202, v25;
	v10 =	vsel vm12, $0x2603, v10  }
0x8f: {  	v6 =	vsel vm13, $0x2004, v6;
	v9 =	vsel vm13, $0x2604, v9;
	v11 =	vsel vm13, $0x2A04, v11  }
0x90: {  	v13 =	vsel vm13, $0x2E04, v13;
	v14 =	vsel vm13, $0x3004, v14;
	v15 =	vsel vm13, $0x3204, v15  }
0x91: {  	v16 =	vsel vm13, $0x3404, v16;
	v17 =	vsel vm13, $0x3604, v17;
	v18 =	vsel vm13, $0x3804, v18  }
0x92: {  	v19 =	vsel vm13, $0x3A04, v19;
	v20 =	vsel vm13, $0x3C04, v20;
	v21 =	vsel vm13, $0x3E04, v21  }
0x93: {  	v22 =	vsel vm13, $0x4, v22;
	v23 =	vsel vm13, $0x204, v23;
	v26 =	vsel vm13, $0x804, v26  }
0x94: {  	v27 =	vsel vm13, $0xA04, v27;
	v28 =	vsel vm13, $0xC04, v28;
	vm14 =	vcmask $0x3734  }
0x95: {  	v0 =	vsel vm15, $0x402, v0;
	v5 =	vsel vm4, $0xC03, v5;
	v30 =	vsel vm4, $0x3E03, v30  }
0x96: {  	v4 =	vsel vm5, $0xC04, v4;
	v8 =	vsel vm5, $0x1404, v8;
	v29 =	vsel vm5, $0x3E04, v29  }
0x97: {  	v1 =	vsel vm6, $0xC05, v1;
	v7 =	vsel vm6, $0x1405, v7;
	v12 =	vsel vm9, $0x2400, v12  }
0x98: {  	v24 =	vsel vm11, $0x2, v24;
	v25 =	vsel vm12, $0x403, v25;
	v10 =	vsel vm13, $0x2804, v10  }
0x99: {  	v36 =	vsel vm14, $0x2205, v6;
	v39 =	vsel vm14, $0x2805, v9;
	v41 =	vsel vm14, $0x2C05, v11  }
0x9a: {  	vm15 =	vcmask $0x3B38;
	v0 =	vsel vm4, $0x603, v0;
	v5 =	vsel vm5, $0xE04, v5  }
0x9b: {  	v4 =	vsel vm6, $0xE05, v4;
	v8 =	vsel vm6, $0x1605, v8;
	v1 =	vsel vm7, $0xE06, v1  }
0x9c: {  	v7 =	vsel vm7, $0x1606, v7;
	v0 =	vsel vm5, $0x804, v0;
	v5 =	vsel vm6, $0x1005, v5  }
0x9d: {  	v4 =	vsel vm7, $0x1006, v4;
	v8 =	vsel vm7, $0x1806, v8;
	v1 =	vsel vm8, $0x1007, v1  }
0x9e: {  	v7 =	vsel vm8, $0x1807, v7;
	v0 =	vsel vm6, $0xA05, v0;
	v5 =	vsel vm7, $0x1206, v5  }
0x9f: {  	v4 =	vsel vm8, $0x1207, v4;
	v8 =	vsel vm8, $0x1A07, v8;
	v1 =	vsel vm9, $0x1200, v1  }
0xa0: {  	v7 =	vsel vm9, $0x1A00, v7;
	v0 =	vsel vm7, $0xC06, v0;
	v5 =	vsel vm8, $0x1407, v5  }
0xa1: {  	v4 =	vsel vm9, $0x1400, v4;
	v8 =	vsel vm9, $0x1C00, v8;
	v1 =	vsel vm10, $0x1401, v1  }
0xa2: {  	v7 =	vsel vm10, $0x1C01, v7;
	v0 =	vsel vm8, $0xE07, v0;
	v5 =	vsel vm9, $0x1600, v5  }
0xa3: {  	v4 =	vsel vm10, $0x1601, v4;
	v8 =	vsel vm10, $0x1E01, v8;
	v1 =	vsel vm11, $0x1602, v1  }
0xa4: {  	v7 =	vsel vm11, $0x1E02, v7;
	v0 =	vsel vm9, $0x1000, v0;
	v5 =	vsel vm10, $0x1801, v5  }
0xa5: {  	v4 =	vsel vm11, $0x1802, v4;
	v8 =	vsel vm11, $0x2002, v8;
	v0 =	vsel vm10, $0x1201, v0  }
0xa6: {  	v1 =	vsel vm12, $0x1803, v1;
	v5 =	vsel vm11, $0x1A02, v5;
	v0 =	vsel vm11, $0x1402, v0  }
0xa7: {  	v4 =	vsel vm12, $0x1A03, v4;
	v1 =	vsel vm13, $0x1A04, v1;
	v0 =	vsel vm12, $0x1603, v0  }
0xa8: {  	v5 =	vsel vm12, $0x1C03, v5;
	v4 =	vsel vm13, $0x1C04, v4;
	v0 =	vsel vm13, $0x1804, v0  }
0xa9: {  	v1 =	vsel vm14, $0x1C05, v1;
	v5 =	vsel vm13, $0x1E04, v5;
	v0 =	vsel vm14, $0x1A05, v0  }
0xaa: {  	v34 =	vsel vm14, $0x1E05, v4;
	v3 =	vsel vm15, $0x1C06, v0;
	v0 =	vsel vm15, $0x1E06, v1  }
0xab: {  	v7 =	vsel vm12, $0x2003, v7;
	v35 =	vsel vm14, $0x2005, v5;
	[tilespmem:$0x1FB70] =	vst v0;
	v0 =	vsel vm15, $0x2006, v34  }
0xac: {  	v8 =	vsel vm12, $0x2203, v8;
	v7 =	vsel vm13, $0x2204, v7;
	[tilespmem:$0x1FB80] =	vst v0;
	v0 =	vsel vm15, $0x2206, v35  }
0xad: {  	v8 =	vsel vm13, $0x2404, v8;
	v37 =	vsel vm14, $0x2405, v7;
	[tilespmem:$0x1FB90] =	vst v0;
	v0 =	vsel vm15, $0x2406, v36  }
0xae: {  	v12 =	vsel vm10, $0x2601, v12;
	v38 =	vsel vm14, $0x2605, v8;
	[tilespmem:$0x1FBA0] =	vst v0;
	v0 =	vsel vm15, $0x2606, v37  }
0xaf: {  	v43 =	vsel vm14, $0x3005, v13;
	v12 =	vsel vm11, $0x2802, v12;
	[tilespmem:$0x1FBB0] =	vst v0;
	v0 =	vsel vm15, $0x2806, v38  }
0xb0: {  	v40 =	vsel vm14, $0x2A05, v10;
	v12 =	vsel vm12, $0x2A03, v12;
	[tilespmem:$0x1FBC0] =	vst v0;
	v0 =	vsel vm15, $0x2A06, v39  }
0xb1: {  	v44 =	vsel vm14, $0x3205, v14;
	v12 =	vsel vm13, $0x2C04, v12;
	[tilespmem:$0x1FBD0] =	vst v0;
	v0 =	vsel vm15, $0x2C06, v40  }
0xb2: {  	v45 =	vsel vm14, $0x3405, v15;
	v42 =	vsel vm14, $0x2E05, v12;
	[tilespmem:$0x1FBE0] =	vst v0;
	v0 =	vsel vm15, $0x2E06, v41  }
0xb3: {  	v46 =	vsel vm14, $0x3605, v16;
	v47 =	vsel vm14, $0x3805, v17;
	[tilespmem:$0x1FBF0] =	vst v0;
	v0 =	vsel vm15, $0x3006, v42  }
0xb4: {  	v63 =	vsel vm14, $0x3A05, v18;
	v48 =	vsel vm14, $0x3C05, v19;
	[tilespmem:$0x1FC00] =	vst v0;
	v0 =	vsel vm15, $0x3206, v43  }
0xb5: {  	v49 =	vsel vm14, $0x3E05, v20;
	v50 =	vsel vm14, $0x5, v21;
	[tilespmem:$0x1FC10] =	vst v0;
	v0 =	vsel vm15, $0x3406, v44  }
0xb6: {  	v51 =	vsel vm14, $0x205, v22;
	v52 =	vsel vm14, $0x405, v23;
	[tilespmem:$0x1FC20] =	vst v0;
	v0 =	vsel vm15, $0x3606, v45  }
0xb7: {  	v55 =	vsel vm14, $0xA05, v26;
	v56 =	vsel vm14, $0xC05, v27;
	[tilespmem:$0x1FC30] =	vst v0;
	v0 =	vsel vm15, $0x3806, v46  }
0xb8: {  	v57 =	vsel vm14, $0xE05, v28;
	v30 =	vsel vm5, $0x4, v30;
	[tilespmem:$0x1FC40] =	vst v0;
	v0 =	vsel vm15, $0x3A06, v47  }
0xb9: {  	v29 =	vsel vm6, $0x5, v29;
	v24 =	vsel vm12, $0x203, v24;
	[tilespmem:$0x1FC50] =	vst v0;
	v0 =	vsel vm15, $0x3C06, v63  }
0xba: {  	v25 =	vsel vm13, $0x604, v25;
	v30 =	vsel vm6, $0x205, v30;
	[tilespmem:$0x1FC60] =	vst v0;
	v0 =	vsel vm15, $0x3E06, v48  }
0xbb: {  	v29 =	vsel vm7, $0x206, v29;
	v24 =	vsel vm13, $0x404, v24;
	[tilespmem:$0x1FC70] =	vst v0;
	v0 =	vsel vm15, $0x6, v49  }
0xbc: {  	v54 =	vsel vm14, $0x805, v25;
	v30 =	vsel vm7, $0x406, v30;
	[tilespmem:$0x1FC80] =	vst v0;
	v0 =	vsel vm15, $0x206, v50  }
0xbd: {  	v29 =	vsel vm8, $0x407, v29;
	v53 =	vsel vm14, $0x605, v24;
	[tilespmem:$0x1FC90] =	vst v0;
	v0 =	vsel vm15, $0x406, v51  }
0xbe: {  	v30 =	vsel vm8, $0x607, v30;
	v29 =	vsel vm9, $0x600, v29;
	[tilespmem:$0x1FCA0] =	vst v0;
	v0 =	vsel vm15, $0x606, v52  }
0xbf: {  	v30 =	vsel vm9, $0x800, v30;
	v29 =	vsel vm10, $0x801, v29;
	[tilespmem:$0x1FCB0] =	vst v0;
	v0 =	vsel vm15, $0x806, v53  }
0xc0: {  	v30 =	vsel vm10, $0xA01, v30;
	v29 =	vsel vm11, $0xA02, v29;
	[tilespmem:$0x1FCC0] =	vst v0;
	v0 =	vsel vm15, $0xA06, v54  }
0xc1: {  	v30 =	vsel vm11, $0xC02, v30;
	v29 =	vsel vm12, $0xC03, v29;
	[tilespmem:$0x1FCD0] =	vst v0;
	v0 =	vsel vm15, $0xC06, v55  }
0xc2: {  	v30 =	vsel vm12, $0xE03, v30;
	v29 =	vsel vm13, $0xE04, v29;
	[tilespmem:$0x1FCE0] =	vst v0;
	v0 =	vsel vm15, $0xE06, v56  }
0xc3: {  	v30 =	vsel vm13, $0x1004, v30;
	v58 =	vsel vm14, $0x1005, v29;
	[tilespmem:$0x1FCF0] =	vst v0;
	v0 =	vsel vm15, $0x1006, v57  }
0xc4: {  	v31 =	vsel vm13, $0x1204, v31;
	v59 =	vsel vm14, $0x1205, v30;
	[tilespmem:$0x1FD00] =	vst v0;
	v0 =	vsel vm15, $0x1206, v58  }
0xc5: {  	v60 =	vsel vm14, $0x1405, v31;
	[tilespmem:$0x1FD10] =	vst v0;
	v0 =	vsel vm15, $0x1406, v59  }
0xc6: {  	s0 =	rddreg [dreg:$0x0];
	s5 =	simm.s32 $0x0;
	[tilespmem:$0x1FD20] =	vst v0;
	v0 =	vsel vm15, $0x1606, v60  }
0xc7: {  	[smem:$0x7FF] =	sst s5;
	v33 =	vsel vm4, $0x403, v33;
	[tilespmem:$0x1FD30] =	vst v0  }
0xc8: {  	s1 =	rddreg [dreg:$0x1];
	v33 =	vsel vm5, $0x604, v33;
	_ =	strace $0x80000047  }
0xc9: {  	v33 =	vsel vm6, $0x805, v33;
	v1 =	vld [tilespmem:$0x1FDE0]  }
0xca: {  	v33 =	vsel vm7, $0xA06, v33;
	v42 =	vld [tilespmem:$0x1FDF0]  }
0xcb: {  	v33 =	vsel vm8, $0xC07, v33  }
0xcc: {  	v33 =	vsel vm9, $0xE00, v33  }
0xcd: {  	v33 =	vsel vm10, $0x1001, v33  }
0xce: {  	v33 =	vsel vm11, $0x1202, v33;
	v5 =	vlaneseq.u32  }
0xcf: {  	v33 =	vsel vm12, $0x1403, v33;
	v0 =	vadd.s32 $0x2, v5;
	v1 =	vcombine.low v42, v1  }
0xd0: {  	v33 =	vsel vm13, $0x1604, v33;
	[tilespmem:$0x1FD40] =	vst v0  }
0xd1: {  	v62 =	vsel vm14, $0x1805, v33;
	v0 =	vadd.s32 $0x3, v5;
	[tilespmem:$0x1FE00] =	vst v1;
	v1 =	vimm.s32 $0x87654321  }
0xd2: {  	v2 =	vsel vm15, $0x1A06, v62;
	[tilespmem:$0x1FD50] =	vst v0;
	v0 =	vadd.s32 $0x4, v5;
	v62 =	vld [tilespmem:$0x1FEF0];
	v1 =	vunpack.c.l.s4.s8 v1  }
0xd3: {  	[tilespmem:$0x1FD60] =	vst v0;
	v0 =	vadd.s32 $0x5, v5  }
0xd4: {  	[tilespmem:$0x1FD70] =	vst v0;
	v0 =	vadd.s32 $0x6, v5;
	v1 =	vunpack.c.0.s8.s32 v1  }
0xd5: {  	v32 =	vsel vm4, $0x203, v32;
	[tilespmem:$0x1FD80] =	vst v0;
	v0 =	vadd.s32 $0x7, v5  }
0xd6: {  	v32 =	vsel vm5, $0x404, v32;
	[tilespmem:$0x1FD90] =	vst v0;
	v0 =	vadd.s32 $0x8, v5;
	v1 =	vand.u32 $0xF, v1  }
0xd7: {  	v32 =	vsel vm6, $0x605, v32;
	[tilespmem:$0x1FDA0] =	vst v0;
	v0 =	vadd.s32 $0x9, v5;
	v1 =	vcombine.low v62, v1  }
0xd8: {  	v32 =	vsel vm7, $0x806, v32;
	v43 =	vld [tilespmem:$0x1FE10];
	[tilespmem:$0x1FDB0] =	vst v0  }
0xd9: {  	v32 =	vsel vm8, $0xA07, v32;
	v63 =	vld [tilespmem:$0x1FF30];
	[tilespmem:$0x1FF10] =	vst v1;
	v1 =	vadd.s32 $0xE, v5  }
0xda: {  	v32 =	vsel vm9, $0xC00, v32;
	v0 =	vadd.s32 $0xA, v5;
	[tilespmem:$0x1FF20] =	vst v1;
	v1 =	vld [tilespmem:$0x1FF40]  }
0xdb: {  	v32 =	vsel vm10, $0xE01, v32;
	v44 =	vld [tilespmem:$0x1FE20];
	[tilespmem:$0x1FDC0] =	vst v0;
	v0 =	vadd.s32 $0xB, v5  }
0xdc: {  	v49 =	vimm.s32 $0x98765432;
	v58 =	vld [tilespmem:$0x1FEB0];
	[tilespmem:$0x1FDD0] =	vst v0;
	v0 =	vimm.s32 $0x76543210  }
0xdd: {  	v50 =	vunpack.c.l.s4.s8 v49;
	v57 =	vadd.s32 $0xC, v5;
	v0 =	vunpack.c.l.s4.s8 v0  }
0xde: {  	v32 =	vsel vm11, $0x1002, v32;
	v38 =	vadd.s32 $0x1, v5;
	v59 =	vadd.s32 $0xD, v5;
	[tilespmem:$0x1FEA0] =	vst v57;
	v45 =	vld [tilespmem:$0x1FE40]  }
0xdf: {  	v60 =	vunpack.c.0.s8.s32 v50;
	[tilespmem:$0x1FED0] =	vst v59;
	v46 =	vld [tilespmem:$0x1FE50];
	v0 =	vunpack.c.0.s8.s32 v0;
	v1 =	vcombine.low v1, v63  }
0xe0: {  	v32 =	vsel vm12, $0x1203, v32;
	[tilespmem:$0x1FFD0] =	vst v38;
	v47 =	vld [tilespmem:$0x1FE70];
	v6 =	vcombine.low v44, v43  }
0xe1: {  	v32 =	vsel vm13, $0x1404, v32;
	v48 =	vld [tilespmem:$0x1FE80];
	v0 =	vcombine.low v58, v0;
	[tilespmem:$0x1FF50] =	vst v1;
	v1 =	vand.u32 $0xF, v60  }
0xe2: {  	s3 =	srdreg.scid;
	v61 =	vsel vm14, $0x1605, v32;
	[tilespmem:$0x1FE30] =	vst v6;
	v1 =	vcombine.low v63, v1  }
0xe3: {  	s2 =	stileid.u32;
	s9 =	simm.s32 $0x40;
	s10 =	simm.s32 $0x6400;
	v4 =	vsel vm15, $0x1806, v61;
	v51 =	vimm.s32 $0xA9876543;
	v61 =	vld [tilespmem:$0x1FEE0];
	[tilespmem:$0x1FEC0] =	vst v0  }
0xe4: {  	s24 =	simm.s32 $0xA400;
	s28 =	simm.s32 $0xBC00;
	s29 =	simm.s32 $0xC400;
	v6 =	vcombine.low v46, v45;
	v0 =	vunpack.c.l.s4.s8 v51;
	[tilespmem:$0x1FF60] =	vst v1;
	v1 =	vadd.s32 $0xF, v5;
	v5 =	vld [tilespmem:$0x1FF90]  }
0xe5: {  	s30 =	simm.s32 $0xCC00;
	s31 =	simm.s32 $0xD400;
	s11 =	simm.s32 $0xE400;
	[tilespmem:$0x1FF70] =	vst v1;
	v1 =	vld [tilespmem:$0x1FF80]  }
0xe6: {  	s12 =	simm.s32 $0x200;
	s13 =	simm.s32 $0x4000;
	s14 =	simm.s32 $0x2;
	[tilespmem:$0x1FE60] =	vst v6;
	v6 =	vcombine.low v48, v47;
	v0 =	vunpack.c.0.s8.s32 v0  }
0xe7: {  	s15 =	simm.s32 $0x12400;
	s16 =	simm.s32 $0x3;
	s17 =	simm.s32 $0x4;
	[tilespmem:$0x1FFE0] =	vst v2  }
0xe8: {  	s18 =	simm.s32 $0x0;
	s3 =	sand.u32 $0x1, s3;
	s4 =	sshll.u32 s2, $0x1;
	[tilespmem:$0x1FE90] =	vst v6;
	v6 =	vcombine.low v61, v62;
	v0 =	vand.u32 $0xF, v0  }
0xe9: {  	s25 =	ssub.s32 $0x2, s3;
	s6 =	sor.u32 s3, s4;
	s3 =	sadd.s32 $0xF42800, s1;
	[tilespmem:$0x1FFF0] =	vst v4;
	v0 =	vcombine.low v5, v0  }
0xea: {  	s4 =	sadd.s32 $0x400, s1;
	s7 =	sshrl.u32 s25, $0x1;
	s8 =	smul.u32 $0xC80, s6;
	[tilespmem:$0x1FF00] =	vst v6;
	v1 =	vcombine.low v1, v5  }
0xeb: {  	s1 =	simm.s32 $0x1;
	s5 =	smul.u32 $0x32, s6;
	s26 =	ssub.s32 s25, s7;
	[tilespmem:$0x1FFB0] =	vst v0;
	v0 =	vlaneseq.u32  }
0xec: {  	s25 =	simm.s32 $0xAC00;
	s6 =	sadd.s32 s0, s8;
	s7 =	smax.u32 s26, $0x1;
	[tilespmem:$0x1FFA0] =	vst v1;
	v0 =	vor.u32 $0x10, v0  }
0xed: {  	s8 =	simm.s32 $0x5;
	s26 =	simm.s32 $0xB400;
	s0 =	simm.s32 $0xDC00;
	[tilespmem:$0x1FFC0] =	vst v0  }
.LBB2_1:
0xee: {  	s2 =	simm.s32 $0x0  }
0xef: {  	[tilespmem:s2], [sflag:$0x5] =	stream.linear.gather [hbm4b:s6+s2], $0x6400, $0x38;
	[tilespmem:$0x16400] =	vst v63  }
0xf0: {  	_ =	swait.ge [sflag:s8], $0x6400  }
0xf1: {  	[sflag:s8] =	ssyncset.done $0x0  }
0xf2: {  	[sflag:s8] =	ssyncadd.s32 $0xFFFF9C00  }
0xf3: {  	[tilespmem:s10], [sflag:$0x1] =	stream.indirect.gather [hbm4b:s3+s9], $0x20, s2, s9, $0xb8;
	[tilespmem:$0x16400] =	vst v63  }
0xf4: {  	s20 =	simm.s32 $0x6C00  }
0xf5: {  	[tilespmem:s20], [sflag:$0x1] =	stream.indirect.gather [hbm4b:s3+s9], $0x20, s9, s9, $0xb8;
	[tilespmem:$0x16400] =	vst v63  }
0xf6: {  	s21 =	simm.s32 $0x80;
	s19 =	simm.s32 $0x7400  }
0xf7: {  	[tilespmem:s19], [sflag:$0x1] =	stream.indirect.gather [hbm4b:s3+s9], $0x20, s21, s9, $0xb8;
	[tilespmem:$0x16400] =	vst v63  }
0xf8: {  	s22 =	simm.s32 $0xC0;
	s23 =	simm.s32 $0x7C00  }
0xf9: {  	[tilespmem:s23], [sflag:$0x1] =	stream.indirect.gather [hbm4b:s3+s9], $0x20, s22, s9, $0xb8;
	[tilespmem:$0x16400] =	vst v63  }
0xfa: {  	s20 =	simm.s32 $0x100;
	s21 =	simm.s32 $0x8400  }
0xfb: {  	[tilespmem:s21], [sflag:$0x1] =	stream.indirect.gather [hbm4b:s3+s9], $0x20, s20, s9, $0xb8;
	[tilespmem:$0x16400] =	vst v63  }
0xfc: {  	s22 =	simm.s32 $0x140;
	s23 =	simm.s32 $0x8C00  }
0xfd: {  	[tilespmem:s23], [sflag:$0x1] =	stream.indirect.gather [hbm4b:s3+s9], $0x20, s22, s9, $0xb8;
	[tilespmem:$0x16400] =	vst v63  }
0xfe: {  	s20 =	simm.s32 $0x180;
	s21 =	simm.s32 $0x9400  }
0xff: {  	[tilespmem:s21], [sflag:$0x1] =	stream.indirect.gather [hbm4b:s3+s9], $0x20, s20, s9, $0xb8;
	[tilespmem:$0x16400] =	vst v63  }
0x100: {  	s19 =	simm.s32 $0x0;
	s22 =	simm.s32 $0x1C0;
	s23 =	simm.s32 $0x9C00  }
0x101: {  	[tilespmem:s23], [sflag:$0x1] =	stream.indirect.gather [hbm4b:s3+s9], $0x20, s22, s9, $0xb8;
	[tilespmem:$0x16400] =	vst v63  }
.LBB2_2:
0x102: {  	s20 =	sshllo.u32 s19, $0x1  }
0x103: {  	s21 =	sshll.u32 s20, $0x9  }
0x104: {  	s21 =	sand.u32 $0x3FFFFE00, s21  }
0x105: {  	[tilespmem:s24], [sflag:$0x2] =	stream.indirect.gather [hbm4b:s3+s9], $0x20, s21, s9, $0xb8;
	[tilespmem:$0x16400] =	vst v63  }
0x106: {  	s22 =	sor.u32 $0x40, s21  }
0x107: {  	[tilespmem:s25], [sflag:$0x2] =	stream.indirect.gather [hbm4b:s3+s9], $0x20, s22, s9, $0xb8;
	[tilespmem:$0x16400] =	vst v63  }
0x108: {  	s23 =	sor.u32 $0x80, s21  }
0x109: {  	[tilespmem:s26], [sflag:$0x2] =	stream.indirect.gather [hbm4b:s3+s9], $0x20, s23, s9, $0xb8;
	[tilespmem:$0x16400] =	vst v63  }
0x10a: {  	s2 =	sor.u32 $0xC0, s21  }
0x10b: {  	[tilespmem:s28], [sflag:$0x2] =	stream.indirect.gather [hbm4b:s3+s9], $0x20, s2, s9, $0xb8;
	[tilespmem:$0x16400] =	vst v63  }
0x10c: {  	s23 =	sor.u32 $0x100, s21  }
0x10d: {  	[tilespmem:s29], [sflag:$0x2] =	stream.indirect.gather [hbm4b:s3+s9], $0x20, s23, s9, $0xb8;
	[tilespmem:$0x16400] =	vst v63  }
0x10e: {  	s2 =	sor.u32 $0x140, s21  }
0x10f: {  	[tilespmem:s30], [sflag:$0x2] =	stream.indirect.gather [hbm4b:s3+s9], $0x20, s2, s9, $0xb8;
	[tilespmem:$0x16400] =	vst v63  }
0x110: {  	s23 =	sor.u32 $0x180, s21  }
0x111: {  	[tilespmem:s31], [sflag:$0x2] =	stream.indirect.gather [hbm4b:s3+s9], $0x20, s23, s9, $0xb8;
	[tilespmem:$0x16400] =	vst v63  }
0x112: {  	s21 =	sor.u32 $0x1C0, s21  }
0x113: {  	[tilespmem:s0], [sflag:$0x2] =	stream.indirect.gather [hbm4b:s3+s9], $0x20, s21, s9, $0xb8;
	[tilespmem:$0x16400] =	vst v63  }
0x114: {  	_ =	swait.ge [sflag:s1], $0x800  }
0x115: {  	[sflag:s1] =	ssyncset.done $0x0  }
0x116: {  	[sflag:s1] =	ssyncadd.s32 $0xFFFFF800  }
0x117: {  	_ =	swait.ge [sflag:s1], $0x800  }
0x118: {  	[sflag:s1] =	ssyncset.done $0x0  }
0x119: {  	[sflag:s1] =	ssyncadd.s32 $0xFFFFF800  }
0x11a: {  	_ =	swait.ge [sflag:s1], $0x800  }
0x11b: {  	[sflag:s1] =	ssyncset.done $0x0  }
0x11c: {  	[sflag:s1] =	ssyncadd.s32 $0xFFFFF800  }
0x11d: {  	_ =	swait.ge [sflag:s1], $0x800  }
0x11e: {  	[sflag:s1] =	ssyncset.done $0x0  }
0x11f: {  	[sflag:s1] =	ssyncadd.s32 $0xFFFFF800  }
0x120: {  	_ =	swait.ge [sflag:s1], $0x800  }
0x121: {  	[sflag:s1] =	ssyncset.done $0x0  }
0x122: {  	[sflag:s1] =	ssyncadd.s32 $0xFFFFF800  }
0x123: {  	_ =	swait.ge [sflag:s1], $0x800  }
0x124: {  	[sflag:s1] =	ssyncset.done $0x0  }
0x125: {  	[sflag:s1] =	ssyncadd.s32 $0xFFFFF800  }
0x126: {  	_ =	swait.ge [sflag:s1], $0x800  }
0x127: {  	[sflag:s1] =	ssyncset.done $0x0  }
0x128: {  	[sflag:s1] =	ssyncadd.s32 $0xFFFFF800  }
0x129: {  	_ =	swait.ge [sflag:s1], $0x800  }
0x12a: {  	v11 =	vld [tilespmem:$0x1FB40]  }
0x12b: {  	v13 =	vld [tilespmem:$0x1FB60]  }
0x12c: {  	v17 =	vld [tilespmem:$0x1FBA0]  }
0x12d: {  	v19 =	vld [tilespmem:$0x1FBC0]  }
0x12e: {  	v21 =	vld [tilespmem:$0x1FBE0]  }
0x12f: {  	v23 =	vld [tilespmem:$0x1FC00]  }
0x130: {  	v25 =	vld [tilespmem:$0x1FC20]  }
0x131: {  	v27 =	vld [tilespmem:$0x1FC40]  }
0x132: {  	v29 =	vld [tilespmem:$0x1FC60]  }
0x133: {  	v31 =	vld [tilespmem:$0x1FC80]  }
0x134: {  	v33 =	vld [tilespmem:$0x1FCA0]  }
0x135: {  	v35 =	vld [tilespmem:$0x1FCC0]  }
0x136: {  	v37 =	vld [tilespmem:$0x1FCE0]  }
0x137: {  	v43 =	vld [tilespmem:$0x1FD00]  }
0x138: {  	v45 =	vld [tilespmem:$0x1FD20]  }
0x139: {  	v47 =	vld [tilespmem:$0x1FD40]  }
0x13a: {  	v51 =	vld [tilespmem:$0x1FD80]  }
0x13b: {  	v53 =	vld [tilespmem:$0x1FDA0]  }
0x13c: {  	v55 =	vld [tilespmem:$0x1FDC0]  }
0x13d: {  	v57 =	vld [tilespmem:$0x1FE00]  }
0x13e: {  	v59 =	vld [tilespmem:$0x1FE60]  }
0x13f: {  	v61 =	vld [tilespmem:$0x1FEA0]  }
0x140: {  	v63 =	vld [tilespmem:$0x1FED0]  }
0x141: {  	v6 =	vld [tilespmem:$0x1FF10]  }
0x142: {  	v8 =	vld [tilespmem:$0x1FF50]  }
0x143: {  	s22 =	simm.s32 $0xFFFFFFFE;
	[sflag:s1] =	ssyncset.done $0x0;
	v42 =	vld [tilespmem:$0x1FF60]  }
0x144: {  	s23 =	simm.s32 $0x10;
	s21 =	sshll.u32 s19, $0x1;
	v39 =	vld [tilespmem:$0x1FFB0];
	[sflag:s1] =	ssyncadd.s32 $0xFFFFF800  }
.LBB2_3:
0x145: {  	s2 =	sadd.s32 $0xFFFFFFF0, s23;
	v41 =	vlaneseq.u32  }
0x146: {  	v0 =	vor.u32 s2, v41  }
0x147: {  	v1 =	vshll.u32 v0, $0x5  }
0x148: {  	v2 =	vor.u32 v41, v1;
	_ =	sdelay $0x2  }
0x149: {  	v4 =	vld [tilespmem:$0x1FFD0];
	_ =	sdelay $0x1  }
0x14a: {  	v2 =	vld.idx.msk [tilespmem:v2+s10+$0x0], $0xffff  }
0x14b: {  	v0 =	vand.u32 $0x1E8, v0  }
0x14c: {  	v9 =	vmov v3;
	v3 =	vor.u32 v3, v0  }
0x14d: {  	v4 =	vor.u32 v4, v1;
	_ =	sdelay $0x1  }
0x14e: {  	v15 =	vld [tilespmem:$0x1FB70];
	v2 =	vmul.f32 $5.656854150e+00, v2;
	_ =	sdelay $0x1  }
0x14f: {  	[tilespmem:v3+s11+$0x0] =	vst.idx.msk $0xffff, v2  }
0x150: {  	v2 =	vld.idx.msk [tilespmem:v4+s10+$0x0], $0xffff;
	_ =	sdelay $0x1  }
0x151: {  	v3 =	vor.u32 v15, v0;
	_ =	sdelay $0x2  }
0x152: {  	v4 =	vor.u32 v47, v1;
	v2 =	vmul.f32 $5.656854150e+00, v2;
	_ =	sdelay $0x1  }
0x153: {  	[tilespmem:v3+s11+$0x0] =	vst.idx.msk $0xffff, v2;
	v3 =	vld [tilespmem:$0x1FB80]  }
0x154: {  	v49 =	vld [tilespmem:$0x1FD50];
	_ =	sdelay $0x1  }
0x155: {  	v2 =	vld.idx.msk [tilespmem:v4+s10+$0x0], $0xffff;
	_ =	sdelay $0x1  }
0x156: {  	v3 =	vor.u32 v3, v0  }
0x157: {  	v4 =	vor.u32 v49, v1;
	_ =	sdelay $0x1  }
0x158: {  	v2 =	vmul.f32 $5.656854150e+00, v2;
	_ =	sdelay $0x1  }
0x159: {  	v18 =	vmov v17;
	v17 =	vld [tilespmem:$0x1FB90];
	[tilespmem:v3+s11+$0x0] =	vst.idx.msk $0xffff, v2  }
0x15a: {  	v2 =	vld.idx.msk [tilespmem:v4+s10+$0x0], $0xffff  }
0x15b: {  	v4 =	vld [tilespmem:$0x1FD60];
	_ =	sdelay $0x3  }
0x15c: {  	v3 =	vor.u32 v17, v0  }
0x15d: {  	v4 =	vor.u32 v4, v1;
	_ =	sdelay $0x1  }
0x15e: {  	v2 =	vmul.f32 $5.656854150e+00, v2  }
0x15f: {  	v52 =	vmov v51;
	v51 =	vld [tilespmem:$0x1FD70]  }
0x160: {  	[tilespmem:v3+s11+$0x0] =	vst.idx.msk $0xffff, v2  }
0x161: {  	v2 =	vld.idx.msk [tilespmem:v4+s10+$0x0], $0xffff;
	_ =	sdelay $0x1  }
0x162: {  	v3 =	vor.u32 v18, v0  }
0x163: {  	v4 =	vor.u32 v51, v1;
	_ =	sdelay $0x1  }
0x164: {  	v20 =	vmov v19;
	v19 =	vld [tilespmem:$0x1FBB0];
	v2 =	vmul.f32 $5.656854150e+00, v2;
	_ =	sdelay $0x1  }
0x165: {  	[tilespmem:v3+s11+$0x0] =	vst.idx.msk $0xffff, v2  }
0x166: {  	v2 =	vld.idx.msk [tilespmem:v4+s10+$0x0], $0xffff;
	_ =	sdelay $0x1  }
0x167: {  	v3 =	vor.u32 v19, v0  }
0x168: {  	v4 =	vor.u32 v52, v1;
	_ =	sdelay $0x1  }
0x169: {  	v2 =	vmul.f32 $5.656854150e+00, v2  }
0x16a: {  	v54 =	vmov v53;
	v53 =	vld [tilespmem:$0x1FD90]  }
0x16b: {  	[tilespmem:v3+s11+$0x0] =	vst.idx.msk $0xffff, v2  }
0x16c: {  	v2 =	vld.idx.msk [tilespmem:v4+s10+$0x0], $0xffff;
	_ =	sdelay $0x1  }
0x16d: {  	v3 =	vor.u32 v20, v0  }
0x16e: {  	v4 =	vor.u32 v53, v1;
	_ =	sdelay $0x1  }
0x16f: {  	v22 =	vmov v21;
	v21 =	vld [tilespmem:$0x1FBD0];
	v2 =	vmul.f32 $5.656854150e+00, v2;
	_ =	sdelay $0x1  }
0x170: {  	[tilespmem:v3+s11+$0x0] =	vst.idx.msk $0xffff, v2  }
0x171: {  	v2 =	vld.idx.msk [tilespmem:v4+s10+$0x0], $0xffff;
	_ =	sdelay $0x1  }
0x172: {  	v3 =	vor.u32 v21, v0  }
0x173: {  	v4 =	vor.u32 v54, v1;
	_ =	sdelay $0x1  }
0x174: {  	v2 =	vmul.f32 $5.656854150e+00, v2  }
0x175: {  	v56 =	vmov v55;
	v55 =	vld [tilespmem:$0x1FDB0]  }
0x176: {  	[tilespmem:v3+s11+$0x0] =	vst.idx.msk $0xffff, v2  }
0x177: {  	v2 =	vld.idx.msk [tilespmem:v4+s10+$0x0], $0xffff;
	_ =	sdelay $0x1  }
0x178: {  	v3 =	vor.u32 v22, v0  }
0x179: {  	v4 =	vor.u32 v55, v1;
	_ =	sdelay $0x1  }
0x17a: {  	v24 =	vmov v23;
	v23 =	vld [tilespmem:$0x1FBF0];
	v2 =	vmul.f32 $5.656854150e+00, v2;
	_ =	sdelay $0x1  }
0x17b: {  	[tilespmem:v3+s11+$0x0] =	vst.idx.msk $0xffff, v2  }
0x17c: {  	v2 =	vld.idx.msk [tilespmem:v4+s10+$0x0], $0xffff;
	_ =	sdelay $0x1  }
0x17d: {  	v3 =	vor.u32 v23, v0  }
0x17e: {  	v4 =	vor.u32 v56, v1;
	_ =	sdelay $0x1  }
0x17f: {  	v2 =	vmul.f32 $5.656854150e+00, v2  }
0x180: {  	v58 =	vmov v57;
	v57 =	vld [tilespmem:$0x1FDD0]  }
0x181: {  	[tilespmem:v3+s11+$0x0] =	vst.idx.msk $0xffff, v2  }
0x182: {  	v2 =	vld.idx.msk [tilespmem:v4+s10+$0x0], $0xffff;
	_ =	sdelay $0x1  }
0x183: {  	v3 =	vor.u32 v24, v0  }
0x184: {  	v4 =	vor.u32 v57, v1;
	_ =	sdelay $0x1  }
0x185: {  	v26 =	vmov v25;
	v25 =	vld [tilespmem:$0x1FC10];
	v2 =	vmul.f32 $5.656854150e+00, v2;
	_ =	sdelay $0x1  }
0x186: {  	[tilespmem:v3+s11+$0x0] =	vst.idx.msk $0xffff, v2  }
0x187: {  	v2 =	vld.idx.msk [tilespmem:v4+s10+$0x0], $0xffff;
	_ =	sdelay $0x1  }
0x188: {  	v3 =	vor.u32 v25, v0  }
0x189: {  	v4 =	vor.u32 v61, v1;
	_ =	sdelay $0x1  }
0x18a: {  	v2 =	vmul.f32 $5.656854150e+00, v2;
	_ =	sdelay $0x1  }
0x18b: {  	[tilespmem:v3+s11+$0x0] =	vst.idx.msk $0xffff, v2  }
0x18c: {  	v2 =	vld.idx.msk [tilespmem:v4+s10+$0x0], $0xffff;
	_ =	sdelay $0x1  }
0x18d: {  	v3 =	vor.u32 v26, v0  }
0x18e: {  	v4 =	vor.u32 v63, v1;
	_ =	sdelay $0x1  }
0x18f: {  	v28 =	vmov v27;
	v27 =	vld [tilespmem:$0x1FC30];
	v2 =	vmul.f32 $5.656854150e+00, v2  }
0x190: {  	v10 =	vmov v8;
	v8 =	vld [tilespmem:$0x1FF20]  }
0x191: {  	[tilespmem:v3+s11+$0x0] =	vst.idx.msk $0xffff, v2  }
0x192: {  	v2 =	vld.idx.msk [tilespmem:v4+s10+$0x0], $0xffff;
	_ =	sdelay $0x1  }
0x193: {  	v3 =	vor.u32 v27, v0  }
0x194: {  	v4 =	vor.u32 v8, v1;
	_ =	sdelay $0x1  }
0x195: {  	v2 =	vmul.f32 $5.656854150e+00, v2  }
0x196: {  	v40 =	vmov v42;
	v42 =	vld [tilespmem:$0x1FF70]  }
0x197: {  	[tilespmem:v3+s11+$0x0] =	vst.idx.msk $0xffff, v2  }
0x198: {  	v2 =	vld.idx.msk [tilespmem:v4+s10+$0x0], $0xffff;
	_ =	sdelay $0x1  }
0x199: {  	v3 =	vor.u32 v28, v0  }
0x19a: {  	v4 =	vor.u32 v42, v1;
	_ =	sdelay $0x1  }
0x19b: {  	v30 =	vmov v29;
	v29 =	vld [tilespmem:$0x1FC50];
	v2 =	vmul.f32 $5.656854150e+00, v2  }
0x19c: {  	v50 =	vld [tilespmem:$0x1FFC0]  }
0x19d: {  	[tilespmem:v3+s11+$0x0] =	vst.idx.msk $0xffff, v2  }
0x19e: {  	v2 =	vld.idx.msk [tilespmem:v4+s10+$0x0], $0xffff;
	_ =	sdelay $0x1  }
0x19f: {  	v3 =	vor.u32 v29, v0  }
0x1a0: {  	v4 =	vor.u32 v50, v1;
	_ =	sdelay $0x1  }
0x1a1: {  	v2 =	vmul.f32 $5.656854150e+00, v2  }
0x1a2: {  	v7 =	vmov v6;
	v6 =	vld [tilespmem:$0x1FF00]  }
0x1a3: {  	[tilespmem:v3+s11+$0x0] =	vst.idx.msk $0xffff, v2  }
0x1a4: {  	v2 =	vld.idx.msk [tilespmem:v4+s10+$0x0], $0xffff;
	_ =	sdelay $0x1  }
0x1a5: {  	v3 =	vor.u32 v30, v0  }
0x1a6: {  	v4 =	vor.u32 v6, v1;
	_ =	sdelay $0x1  }
0x1a7: {  	v32 =	vmov v31;
	v31 =	vld [tilespmem:$0x1FC70];
	v2 =	vmul.f32 $5.656854150e+00, v2;
	_ =	sdelay $0x1  }
0x1a8: {  	[tilespmem:v3+s11+$0x0] =	vst.idx.msk $0xffff, v2  }
0x1a9: {  	v2 =	vld.idx.msk [tilespmem:v4+s10+$0x0], $0xffff;
	_ =	sdelay $0x1  }
0x1aa: {  	v3 =	vor.u32 v31, v0  }
0x1ab: {  	v4 =	vor.u32 v10, v1;
	_ =	sdelay $0x1  }
0x1ac: {  	v2 =	vmul.f32 $5.656854150e+00, v2  }
0x1ad: {  	v16 =	vmov v39;
	v39 =	vld [tilespmem:$0x1FFA0]  }
0x1ae: {  	[tilespmem:v3+s11+$0x0] =	vst.idx.msk $0xffff, v2  }
0x1af: {  	v2 =	vld.idx.msk [tilespmem:v4+s10+$0x0], $0xffff;
	_ =	sdelay $0x1  }
0x1b0: {  	v3 =	vor.u32 v32, v0  }
0x1b1: {  	v4 =	vor.u32 v39, v1;
	_ =	sdelay $0x1  }
0x1b2: {  	v34 =	vmov v33;
	v33 =	vld [tilespmem:$0x1FC90];
	v2 =	vmul.f32 $5.656854150e+00, v2;
	_ =	sdelay $0x1  }
0x1b3: {  	[tilespmem:v3+s11+$0x0] =	vst.idx.msk $0xffff, v2  }
0x1b4: {  	v2 =	vld.idx.msk [tilespmem:v4+s10+$0x0], $0xffff;
	_ =	sdelay $0x1  }
0x1b5: {  	v3 =	vor.u32 v33, v0  }
0x1b6: {  	v4 =	vor.u32 v58, v1;
	_ =	sdelay $0x1  }
0x1b7: {  	v2 =	vmul.f32 $5.656854150e+00, v2  }
0x1b8: {  	v60 =	vmov v59;
	v59 =	vld [tilespmem:$0x1FE30]  }
0x1b9: {  	[tilespmem:v3+s11+$0x0] =	vst.idx.msk $0xffff, v2  }
0x1ba: {  	v2 =	vld.idx.msk [tilespmem:v4+s10+$0x0], $0xffff;
	_ =	sdelay $0x1  }
0x1bb: {  	v3 =	vor.u32 v34, v0  }
0x1bc: {  	v4 =	vor.u32 v59, v1;
	_ =	sdelay $0x1  }
0x1bd: {  	v36 =	vmov v35;
	v35 =	vld [tilespmem:$0x1FCB0];
	v2 =	vmul.f32 $5.656854150e+00, v2;
	_ =	sdelay $0x1  }
0x1be: {  	[tilespmem:v3+s11+$0x0] =	vst.idx.msk $0xffff, v2  }
0x1bf: {  	v2 =	vld.idx.msk [tilespmem:v4+s10+$0x0], $0xffff;
	_ =	sdelay $0x1  }
0x1c0: {  	v3 =	vor.u32 v35, v0  }
0x1c1: {  	v4 =	vor.u32 v60, v1;
	_ =	sdelay $0x1  }
0x1c2: {  	v2 =	vmul.f32 $5.656854150e+00, v2  }
0x1c3: {  	v62 =	vmov v61;
	v61 =	vld [tilespmem:$0x1FE90]  }
0x1c4: {  	[tilespmem:v3+s11+$0x0] =	vst.idx.msk $0xffff, v2  }
0x1c5: {  	v2 =	vld.idx.msk [tilespmem:v4+s10+$0x0], $0xffff;
	_ =	sdelay $0x1  }
0x1c6: {  	v3 =	vor.u32 v36, v0  }
0x1c7: {  	v4 =	vor.u32 v61, v1;
	_ =	sdelay $0x1  }
0x1c8: {  	v38 =	vmov v37;
	v37 =	vld [tilespmem:$0x1FCD0];
	v2 =	vmul.f32 $5.656854150e+00, v2  }
0x1c9: {  	v5 =	vmov v63;
	v63 =	vld [tilespmem:$0x1FEC0]  }
0x1ca: {  	[tilespmem:v3+s11+$0x0] =	vst.idx.msk $0xffff, v2  }
0x1cb: {  	v2 =	vld.idx.msk [tilespmem:v4+s10+$0x0], $0xffff;
	_ =	sdelay $0x1  }
0x1cc: {  	v3 =	vor.u32 v37, v0  }
0x1cd: {  	v4 =	vor.u32 v63, v1;
	_ =	sdelay $0x1  }
0x1ce: {  	v2 =	vmul.f32 $5.656854150e+00, v2;
	_ =	sdelay $0x1  }
0x1cf: {  	[tilespmem:v3+s11+$0x0] =	vst.idx.msk $0xffff, v2  }
0x1d0: {  	v2 =	vld.idx.msk [tilespmem:v4+s10+$0x0], $0xffff;
	_ =	sdelay $0x1  }
0x1d1: {  	v3 =	vor.u32 v38, v0  }
0x1d2: {  	v4 =	vor.u32 v7, v1;
	_ =	sdelay $0x1  }
0x1d3: {  	v44 =	vmov v43;
	v43 =	vld [tilespmem:$0x1FCF0];
	v2 =	vmul.f32 $5.656854150e+00, v2;
	_ =	sdelay $0x1  }
0x1d4: {  	[tilespmem:v3+s11+$0x0] =	vst.idx.msk $0xffff, v2  }
0x1d5: {  	v2 =	vld.idx.msk [tilespmem:v4+s10+$0x0], $0xffff;
	_ =	sdelay $0x1  }
0x1d6: {  	v3 =	vor.u32 v43, v0  }
0x1d7: {  	v4 =	vor.u32 v40, v1;
	_ =	sdelay $0x1  }
0x1d8: {  	v2 =	vmul.f32 $5.656854150e+00, v2;
	_ =	sdelay $0x1  }
0x1d9: {  	[tilespmem:v3+s11+$0x0] =	vst.idx.msk $0xffff, v2  }
0x1da: {  	v2 =	vld.idx.msk [tilespmem:v4+s10+$0x0], $0xffff;
	_ =	sdelay $0x1  }
0x1db: {  	v3 =	vor.u32 v44, v0  }
0x1dc: {  	v4 =	vor.u32 v16, v1;
	_ =	sdelay $0x1  }
0x1dd: {  	v46 =	vmov v45;
	v45 =	vld [tilespmem:$0x1FD10];
	v2 =	vmul.f32 $5.656854150e+00, v2  }
0x1de: {  	v12 =	vmov v11;
	v11 =	vld [tilespmem:$0x1FB30]  }
0x1df: {  	[tilespmem:v3+s11+$0x0] =	vst.idx.msk $0xffff, v2  }
0x1e0: {  	v2 =	vld.idx.msk [tilespmem:v4+s10+$0x0], $0xffff;
	_ =	sdelay $0x1  }
0x1e1: {  	v3 =	vor.u32 v45, v0  }
0x1e2: {  	v4 =	vor.u32 v11, v1;
	_ =	sdelay $0x1  }
0x1e3: {  	v2 =	vmul.f32 $5.656854150e+00, v2;
	_ =	sdelay $0x1  }
0x1e4: {  	[tilespmem:v3+s11+$0x0] =	vst.idx.msk $0xffff, v2  }
0x1e5: {  	v2 =	vld.idx.msk [tilespmem:v4+s10+$0x0], $0xffff;
	_ =	sdelay $0x1  }
0x1e6: {  	v3 =	vor.u32 v46, v0  }
0x1e7: {  	v4 =	vor.u32 v12, v1;
	_ =	sdelay $0x1  }
0x1e8: {  	v48 =	vmov v47;
	v47 =	vld [tilespmem:$0x1FD30];
	v2 =	vmul.f32 $5.656854150e+00, v2;
	_ =	sdelay $0x1  }
0x1e9: {  	v14 =	vmov v13;
	v13 =	vld [tilespmem:$0x1FB50];
	[tilespmem:v3+s11+$0x0] =	vst.idx.msk $0xffff, v2  }
0x1ea: {  	v2 =	vld.idx.msk [tilespmem:v4+s10+$0x0], $0xffff;
	_ =	sdelay $0x1  }
0x1eb: {  	v3 =	vor.u32 v47, v0;
	_ =	sdelay $0x2  }
0x1ec: {  	v4 =	vor.u32 v13, v1;
	v2 =	vmul.f32 $5.656854150e+00, v2;
	_ =	sdelay $0x1  }
0x1ed: {  	[tilespmem:v3+s11+$0x0] =	vst.idx.msk $0xffff, v2;
	v3 =	vld [tilespmem:$0x1FFF0];
	_ =	sdelay $0x2  }
0x1ee: {  	v2 =	vld.idx.msk [tilespmem:v4+s10+$0x0], $0xffff;
	_ =	sdelay $0x1  }
0x1ef: {  	v3 =	vor.u32 v3, v0;
	_ =	sdelay $0x2  }
0x1f0: {  	v1 =	vor.u32 v14, v1;
	v2 =	vmul.f32 $5.656854150e+00, v2;
	_ =	sdelay $0x1  }
0x1f1: {  	[tilespmem:v3+s11+$0x0] =	vst.idx.msk $0xffff, v2;
	v3 =	vld [tilespmem:$0x1FFE0];
	_ =	sdelay $0x2  }
0x1f2: {  	v1 =	vld.idx.msk [tilespmem:v1+s10+$0x0], $0xffff  }
0x1f3: {  	v2 =	vor.u32 s23, v41  }
0x1f4: {  	v3 =	vor.u32 v3, v0;
	v0 =	vshll.u32 v2, $0x5  }
0x1f5: {  	v4 =	vor.u32 v41, v0;
	_ =	sdelay $0x1  }
0x1f6: {  	v1 =	vmul.f32 $5.656854150e+00, v1  }
0x1f7: {  	v41 =	vld [tilespmem:$0x1FFD0]  }
0x1f8: {  	[tilespmem:v3+s11+$0x0] =	vst.idx.msk $0xffff, v1  }
0x1f9: {  	v3 =	vld.idx.msk [tilespmem:v4+s10+$0x0], $0xffff  }
0x1fa: {  	v1 =	vand.u32 $0x1F8, v2  }
0x1fb: {  	v2 =	vor.u32 v9, v1  }
0x1fc: {  	v4 =	vor.u32 v41, v0;
	_ =	sdelay $0x1  }
0x1fd: {  	v3 =	vmul.f32 $5.656854150e+00, v3;
	_ =	sdelay $0x1  }
0x1fe: {  	[tilespmem:v2+s11+$0x0] =	vst.idx.msk $0xffff, v3  }
0x1ff: {  	v2 =	vld.idx.msk [tilespmem:v4+s10+$0x0], $0xffff;
	_ =	sdelay $0x1  }
0x200: {  	v3 =	vor.u32 v15, v1  }
0x201: {  	v4 =	vor.u32 v48, v0;
	_ =	sdelay $0x1  }
0x202: {  	v15 =	vld [tilespmem:$0x1FB80];
	v2 =	vmul.f32 $5.656854150e+00, v2;
	_ =	sdelay $0x1  }
0x203: {  	[tilespmem:v3+s11+$0x0] =	vst.idx.msk $0xffff, v2  }
0x204: {  	v2 =	vld.idx.msk [tilespmem:v4+s10+$0x0], $0xffff;
	_ =	sdelay $0x1  }
0x205: {  	v3 =	vor.u32 v15, v1  }
0x206: {  	v4 =	vor.u32 v49, v0;
	_ =	sdelay $0x1  }
0x207: {  	v2 =	vmul.f32 $5.656854150e+00, v2  }
0x208: {  	v41 =	vld [tilespmem:$0x1FD60]  }
0x209: {  	[tilespmem:v3+s11+$0x0] =	vst.idx.msk $0xffff, v2  }
0x20a: {  	v2 =	vld.idx.msk [tilespmem:v4+s10+$0x0], $0xffff;
	_ =	sdelay $0x1  }
0x20b: {  	v3 =	vor.u32 v17, v1  }
0x20c: {  	v4 =	vor.u32 v41, v0;
	_ =	sdelay $0x1  }
0x20d: {  	v2 =	vmul.f32 $5.656854150e+00, v2;
	_ =	sdelay $0x1  }
0x20e: {  	[tilespmem:v3+s11+$0x0] =	vst.idx.msk $0xffff, v2  }
0x20f: {  	v2 =	vld.idx.msk [tilespmem:v4+s10+$0x0], $0xffff;
	_ =	sdelay $0x1  }
0x210: {  	v3 =	vor.u32 v18, v1  }
0x211: {  	v4 =	vor.u32 v51, v0;
	_ =	sdelay $0x1  }
0x212: {  	v2 =	vmul.f32 $5.656854150e+00, v2;
	_ =	sdelay $0x1  }
0x213: {  	[tilespmem:v3+s11+$0x0] =	vst.idx.msk $0xffff, v2  }
0x214: {  	v2 =	vld.idx.msk [tilespmem:v4+s10+$0x0], $0xffff;
	_ =	sdelay $0x1  }
0x215: {  	v3 =	vor.u32 v19, v1  }
0x216: {  	v4 =	vor.u32 v52, v0;
	_ =	sdelay $0x1  }
0x217: {  	v2 =	vmul.f32 $5.656854150e+00, v2;
	_ =	sdelay $0x1  }
0x218: {  	[tilespmem:v3+s11+$0x0] =	vst.idx.msk $0xffff, v2  }
0x219: {  	v2 =	vld.idx.msk [tilespmem:v4+s10+$0x0], $0xffff;
	_ =	sdelay $0x1  }
0x21a: {  	v3 =	vor.u32 v20, v1  }
0x21b: {  	v4 =	vor.u32 v53, v0;
	_ =	sdelay $0x1  }
0x21c: {  	v2 =	vmul.f32 $5.656854150e+00, v2;
	_ =	sdelay $0x1  }
0x21d: {  	[tilespmem:v3+s11+$0x0] =	vst.idx.msk $0xffff, v2  }
0x21e: {  	v2 =	vld.idx.msk [tilespmem:v4+s10+$0x0], $0xffff;
	_ =	sdelay $0x1  }
0x21f: {  	v3 =	vor.u32 v21, v1  }
0x220: {  	v4 =	vor.u32 v54, v0;
	_ =	sdelay $0x1  }
0x221: {  	v2 =	vmul.f32 $5.656854150e+00, v2;
	_ =	sdelay $0x1  }
0x222: {  	[tilespmem:v3+s11+$0x0] =	vst.idx.msk $0xffff, v2  }
0x223: {  	v2 =	vld.idx.msk [tilespmem:v4+s10+$0x0], $0xffff;
	_ =	sdelay $0x1  }
0x224: {  	v3 =	vor.u32 v22, v1  }
0x225: {  	v4 =	vor.u32 v55, v0;
	_ =	sdelay $0x1  }
0x226: {  	v2 =	vmul.f32 $5.656854150e+00, v2;
	_ =	sdelay $0x1  }
0x227: {  	[tilespmem:v3+s11+$0x0] =	vst.idx.msk $0xffff, v2  }
0x228: {  	v2 =	vld.idx.msk [tilespmem:v4+s10+$0x0], $0xffff;
	_ =	sdelay $0x1  }
0x229: {  	v3 =	vor.u32 v23, v1  }
0x22a: {  	v4 =	vor.u32 v56, v0;
	_ =	sdelay $0x1  }
0x22b: {  	v2 =	vmul.f32 $5.656854150e+00, v2;
	_ =	sdelay $0x1  }
0x22c: {  	[tilespmem:v3+s11+$0x0] =	vst.idx.msk $0xffff, v2  }
0x22d: {  	v2 =	vld.idx.msk [tilespmem:v4+s10+$0x0], $0xffff;
	_ =	sdelay $0x1  }
0x22e: {  	v3 =	vor.u32 v24, v1  }
0x22f: {  	v4 =	vor.u32 v57, v0;
	_ =	sdelay $0x1  }
0x230: {  	v2 =	vmul.f32 $5.656854150e+00, v2;
	_ =	sdelay $0x1  }
0x231: {  	[tilespmem:v3+s11+$0x0] =	vst.idx.msk $0xffff, v2  }
0x232: {  	v2 =	vld.idx.msk [tilespmem:v4+s10+$0x0], $0xffff;
	_ =	sdelay $0x1  }
0x233: {  	v3 =	vor.u32 v25, v1  }
0x234: {  	v4 =	vor.u32 v62, v0;
	_ =	sdelay $0x1  }
0x235: {  	v2 =	vmul.f32 $5.656854150e+00, v2;
	_ =	sdelay $0x1  }
0x236: {  	[tilespmem:v3+s11+$0x0] =	vst.idx.msk $0xffff, v2  }
0x237: {  	v2 =	vld.idx.msk [tilespmem:v4+s10+$0x0], $0xffff;
	_ =	sdelay $0x1  }
0x238: {  	v3 =	vor.u32 v26, v1  }
0x239: {  	v4 =	vor.u32 v5, v0;
	_ =	sdelay $0x1  }
0x23a: {  	v2 =	vmul.f32 $5.656854150e+00, v2;
	_ =	sdelay $0x1  }
0x23b: {  	[tilespmem:v3+s11+$0x0] =	vst.idx.msk $0xffff, v2  }
0x23c: {  	v2 =	vld.idx.msk [tilespmem:v4+s10+$0x0], $0xffff;
	_ =	sdelay $0x1  }
0x23d: {  	v3 =	vor.u32 v27, v1  }
0x23e: {  	v4 =	vor.u32 v8, v0;
	_ =	sdelay $0x1  }
0x23f: {  	v2 =	vmul.f32 $5.656854150e+00, v2;
	_ =	sdelay $0x1  }
0x240: {  	[tilespmem:v3+s11+$0x0] =	vst.idx.msk $0xffff, v2  }
0x241: {  	v2 =	vld.idx.msk [tilespmem:v4+s10+$0x0], $0xffff;
	_ =	sdelay $0x1  }
0x242: {  	v3 =	vor.u32 v28, v1  }
0x243: {  	v4 =	vor.u32 v42, v0;
	_ =	sdelay $0x1  }
0x244: {  	v2 =	vmul.f32 $5.656854150e+00, v2;
	_ =	sdelay $0x1  }
0x245: {  	[tilespmem:v3+s11+$0x0] =	vst.idx.msk $0xffff, v2  }
0x246: {  	v2 =	vld.idx.msk [tilespmem:v4+s10+$0x0], $0xffff;
	_ =	sdelay $0x1  }
0x247: {  	v3 =	vor.u32 v29, v1  }
0x248: {  	v4 =	vor.u32 v50, v0;
	_ =	sdelay $0x1  }
0x249: {  	v2 =	vmul.f32 $5.656854150e+00, v2;
	_ =	sdelay $0x1  }
0x24a: {  	[tilespmem:v3+s11+$0x0] =	vst.idx.msk $0xffff, v2  }
0x24b: {  	v2 =	vld.idx.msk [tilespmem:v4+s10+$0x0], $0xffff;
	_ =	sdelay $0x1  }
0x24c: {  	v3 =	vor.u32 v30, v1  }
0x24d: {  	v4 =	vor.u32 v6, v0;
	_ =	sdelay $0x1  }
0x24e: {  	v2 =	vmul.f32 $5.656854150e+00, v2;
	_ =	sdelay $0x1  }
0x24f: {  	[tilespmem:v3+s11+$0x0] =	vst.idx.msk $0xffff, v2  }
0x250: {  	v2 =	vld.idx.msk [tilespmem:v4+s10+$0x0], $0xffff;
	_ =	sdelay $0x1  }
0x251: {  	v3 =	vor.u32 v31, v1  }
0x252: {  	v4 =	vor.u32 v10, v0;
	_ =	sdelay $0x1  }
0x253: {  	v2 =	vmul.f32 $5.656854150e+00, v2;
	_ =	sdelay $0x1  }
0x254: {  	[tilespmem:v3+s11+$0x0] =	vst.idx.msk $0xffff, v2  }
0x255: {  	v2 =	vld.idx.msk [tilespmem:v4+s10+$0x0], $0xffff;
	_ =	sdelay $0x1  }
0x256: {  	v3 =	vor.u32 v32, v1  }
0x257: {  	v4 =	vor.u32 v39, v0;
	_ =	sdelay $0x1  }
0x258: {  	v2 =	vmul.f32 $5.656854150e+00, v2;
	_ =	sdelay $0x1  }
0x259: {  	[tilespmem:v3+s11+$0x0] =	vst.idx.msk $0xffff, v2  }
0x25a: {  	v2 =	vld.idx.msk [tilespmem:v4+s10+$0x0], $0xffff;
	_ =	sdelay $0x1  }
0x25b: {  	v3 =	vor.u32 v33, v1  }
0x25c: {  	v4 =	vor.u32 v58, v0;
	_ =	sdelay $0x1  }
0x25d: {  	v2 =	vmul.f32 $5.656854150e+00, v2;
	_ =	sdelay $0x1  }
0x25e: {  	[tilespmem:v3+s11+$0x0] =	vst.idx.msk $0xffff, v2  }
0x25f: {  	v2 =	vld.idx.msk [tilespmem:v4+s10+$0x0], $0xffff;
	_ =	sdelay $0x1  }
0x260: {  	v3 =	vor.u32 v34, v1  }
0x261: {  	v4 =	vor.u32 v59, v0;
	_ =	sdelay $0x1  }
0x262: {  	v2 =	vmul.f32 $5.656854150e+00, v2;
	_ =	sdelay $0x1  }
0x263: {  	[tilespmem:v3+s11+$0x0] =	vst.idx.msk $0xffff, v2  }
0x264: {  	v2 =	vld.idx.msk [tilespmem:v4+s10+$0x0], $0xffff;
	_ =	sdelay $0x1  }
0x265: {  	v3 =	vor.u32 v35, v1  }
0x266: {  	v4 =	vor.u32 v60, v0;
	_ =	sdelay $0x1  }
0x267: {  	v2 =	vmul.f32 $5.656854150e+00, v2;
	_ =	sdelay $0x1  }
0x268: {  	[tilespmem:v3+s11+$0x0] =	vst.idx.msk $0xffff, v2  }
0x269: {  	v2 =	vld.idx.msk [tilespmem:v4+s10+$0x0], $0xffff;
	_ =	sdelay $0x1  }
0x26a: {  	v3 =	vor.u32 v36, v1  }
0x26b: {  	v4 =	vor.u32 v61, v0;
	_ =	sdelay $0x1  }
0x26c: {  	v2 =	vmul.f32 $5.656854150e+00, v2;
	_ =	sdelay $0x1  }
0x26d: {  	[tilespmem:v3+s11+$0x0] =	vst.idx.msk $0xffff, v2  }
0x26e: {  	v2 =	vld.idx.msk [tilespmem:v4+s10+$0x0], $0xffff;
	_ =	sdelay $0x1  }
0x26f: {  	v3 =	vor.u32 v37, v1  }
0x270: {  	v4 =	vor.u32 v63, v0;
	_ =	sdelay $0x1  }
0x271: {  	v2 =	vmul.f32 $5.656854150e+00, v2;
	_ =	sdelay $0x1  }
0x272: {  	[tilespmem:v3+s11+$0x0] =	vst.idx.msk $0xffff, v2  }
0x273: {  	v2 =	vld.idx.msk [tilespmem:v4+s10+$0x0], $0xffff;
	_ =	sdelay $0x1  }
0x274: {  	v3 =	vor.u32 v38, v1  }
0x275: {  	v4 =	vor.u32 v7, v0;
	_ =	sdelay $0x1  }
0x276: {  	v2 =	vmul.f32 $5.656854150e+00, v2;
	_ =	sdelay $0x1  }
0x277: {  	[tilespmem:v3+s11+$0x0] =	vst.idx.msk $0xffff, v2  }
0x278: {  	v2 =	vld.idx.msk [tilespmem:v4+s10+$0x0], $0xffff;
	_ =	sdelay $0x1  }
0x279: {  	v3 =	vor.u32 v43, v1  }
0x27a: {  	v4 =	vor.u32 v40, v0;
	_ =	sdelay $0x1  }
0x27b: {  	v2 =	vmul.f32 $5.656854150e+00, v2;
	_ =	sdelay $0x1  }
0x27c: {  	[tilespmem:v3+s11+$0x0] =	vst.idx.msk $0xffff, v2  }
0x27d: {  	v2 =	vld.idx.msk [tilespmem:v4+s10+$0x0], $0xffff;
	_ =	sdelay $0x1  }
0x27e: {  	v3 =	vor.u32 v44, v1  }
0x27f: {  	v4 =	vor.u32 v16, v0;
	_ =	sdelay $0x1  }
0x280: {  	v2 =	vmul.f32 $5.656854150e+00, v2;
	_ =	sdelay $0x1  }
0x281: {  	[tilespmem:v3+s11+$0x0] =	vst.idx.msk $0xffff, v2  }
0x282: {  	v2 =	vld.idx.msk [tilespmem:v4+s10+$0x0], $0xffff;
	_ =	sdelay $0x1  }
0x283: {  	v3 =	vor.u32 v45, v1  }
0x284: {  	v4 =	vor.u32 v11, v0;
	_ =	sdelay $0x1  }
0x285: {  	v2 =	vmul.f32 $5.656854150e+00, v2;
	_ =	sdelay $0x1  }
0x286: {  	[tilespmem:v3+s11+$0x0] =	vst.idx.msk $0xffff, v2  }
0x287: {  	v2 =	vld.idx.msk [tilespmem:v4+s10+$0x0], $0xffff;
	_ =	sdelay $0x1  }
0x288: {  	v3 =	vor.u32 v46, v1  }
0x289: {  	v4 =	vor.u32 v12, v0;
	_ =	sdelay $0x1  }
0x28a: {  	v2 =	vmul.f32 $5.656854150e+00, v2;
	_ =	sdelay $0x1  }
0x28b: {  	[tilespmem:v3+s11+$0x0] =	vst.idx.msk $0xffff, v2  }
0x28c: {  	v2 =	vld.idx.msk [tilespmem:v4+s10+$0x0], $0xffff;
	_ =	sdelay $0x1  }
0x28d: {  	v3 =	vor.u32 v47, v1  }
0x28e: {  	v4 =	vor.u32 v13, v0;
	_ =	sdelay $0x1  }
0x28f: {  	v2 =	vmul.f32 $5.656854150e+00, v2;
	_ =	sdelay $0x1  }
0x290: {  	[tilespmem:v3+s11+$0x0] =	vst.idx.msk $0xffff, v2  }
0x291: {  	v2 =	vld.idx.msk [tilespmem:v4+s10+$0x0], $0xffff  }
0x292: {  	v4 =	vld [tilespmem:$0x1FFF0];
	_ =	sdelay $0x4  }
0x293: {  	v3 =	vor.u32 v4, v1;
	_ =	sdelay $0x2  }
0x294: {  	v0 =	vor.u32 v14, v0;
	v2 =	vmul.f32 $5.656854150e+00, v2;
	_ =	sdelay $0x1  }
0x295: {  	[tilespmem:v3+s11+$0x0] =	vst.idx.msk $0xffff, v2;
	v2 =	vld [tilespmem:$0x1FFE0];
	_ =	sdelay $0x2  }
0x296: {  	v0 =	vld.idx.msk [tilespmem:v0+s10+$0x0], $0xffff  }
0x297: {  	s22 =	sadd.s32 $0x2, s22  }
0x298: {  	p0 =	slt.u32 s22, $0x1E;
	v17 =	vmovc v18;
	v51 =	vmovc v52;
	v19 =	vmov v20;
	v53 =	vmov v54;
	v1 =	vor.u32 v2, v1  }
.Ltmp0:
0x299: {  	v21 =	vmovc v22;
	v55 =	vmovc v56;
	v23 =	vmov v24;
	v57 =	vmov v58;
	v25 =	vmov v26;
	(pc) =	sbr.rel @p0 .LBB2_3-.Ltmp0, $4  }
0x29a: {  	v27 =	vmovc v28;
	v8 =	vmovc v10;
	v42 =	vmov v40;
	v29 =	vmov v30;
	v6 =	vmov v7  }
0x29b: {  	v31 =	vmovc v32;
	v39 =	vmovc v16;
	v33 =	vmov v34;
	v59 =	vmov v60;
	v0 =	vmul.f32 $5.656854150e+00, v0  }
0x29c: {  	v35 =	vmovc v36;
	v61 =	vmovc v62;
	v37 =	vmov v38;
	v63 =	vmov v5;
	v43 =	vmov v44  }
0x29d: {  	s23 =	sadd.s32 $0x20, s23;
	v45 =	vmovc v46;
	v11 =	vmovc v12;
	v47 =	vmov v48;
	v13 =	vmov v14;
	v3 =	vmov v9;
	[tilespmem:v1+s11+$0x0] =	vst.idx.msk $0xffff, v0  }
0x29e: {  	s2 =	sadd.s32 s5, s21  }
0x29f: {  	s21 =	sshrl.u32 s2, $0x5  }
0x2a0: {  	p0 =	seq.s32 s19, $0x0;
	s2 =	sshll.u32 s2, $0x9;
	s22 =	sshll.u32 s21, $0xE  }
0x2a1: {  	s23 =	simm.s32 @!p0 $0x3;
	s21 =	sshll.u32 s21, $0x13;
	s2 =	ssub.s32 s2, s22  }
0x2a2: {  	_ =	swait.ge @!p0 [sflag:s23], $0x4000;
	s2 =	sadd.s32 s21, s2  }
0x2a3: {  	[sflag:s23] =	ssyncset.done @!p0 $0x0;
	s2 =	sshrl.u32 s2, $0x3  }
0x2a4: {  	p1 =	seq.s32 s19, $0x18;
	[sflag:s23] =	ssyncadd.s32 @!p0 $0xFFFFC000;
	s2 =	sadd.s32 s4, s2  }
0x2a5: {  	[hbm4b:s2+s12] =	stream.strided.scatter [tilespmem:s11], [sflag:$0x3], $0x4000, s13, s12, $0x38;
	[tilespmem:$0x16400] =	vst v63  }
0x2a6: {  	s2 =	sshll.u32 @!p1 s19, $0xA  }
0x2a7: {  	s2 =	sand.u32 @!p1 $0x3FFFFC00, s2  }
0x2a8: {  	s22 =	simm.s32 @!p1 $0x40;
	s23 =	simm.s32 @!p1 $0x6400;
	s21 =	sadd.s32 @!p1 $0x400, s2  }
0x2a9: {  	[tilespmem:s23], [sflag:$0x1] =	stream.indirect.gather @!p1 [hbm4b:s3+s22], $0x20, s21, s22, $0xb8;
	[tilespmem:$0x16400] =	vst v63  }
0x2aa: {  	s21 =	sadd.s32 @!p1 $0x440, s2;
	s23 =	simm.s32 @!p1 $0x6C00  }
0x2ab: {  	[tilespmem:s23], [sflag:$0x1] =	stream.indirect.gather @!p1 [hbm4b:s3+s22], $0x20, s21, s22, $0xb8;
	[tilespmem:$0x16400] =	vst v63  }
0x2ac: {  	s21 =	sadd.s32 @!p1 $0x480, s2;
	s23 =	simm.s32 @!p1 $0x7400  }
0x2ad: {  	[tilespmem:s23], [sflag:$0x1] =	stream.indirect.gather @!p1 [hbm4b:s3+s22], $0x20, s21, s22, $0xb8;
	[tilespmem:$0x16400] =	vst v63  }
0x2ae: {  	s21 =	sadd.s32 @!p1 $0x4C0, s2;
	s23 =	simm.s32 @!p1 $0x7C00  }
0x2af: {  	[tilespmem:s23], [sflag:$0x1] =	stream.indirect.gather @!p1 [hbm4b:s3+s22], $0x20, s21, s22, $0xb8;
	[tilespmem:$0x16400] =	vst v63  }
0x2b0: {  	s21 =	sadd.s32 @!p1 $0x500, s2;
	s23 =	simm.s32 @!p1 $0x8400  }
0x2b1: {  	[tilespmem:s23], [sflag:$0x1] =	stream.indirect.gather @!p1 [hbm4b:s3+s22], $0x20, s21, s22, $0xb8;
	[tilespmem:$0x16400] =	vst v63  }
0x2b2: {  	s21 =	sadd.s32 @!p1 $0x540, s2;
	s23 =	simm.s32 @!p1 $0x8C00  }
0x2b3: {  	[tilespmem:s23], [sflag:$0x1] =	stream.indirect.gather @!p1 [hbm4b:s3+s22], $0x20, s21, s22, $0xb8;
	[tilespmem:$0x16400] =	vst v63  }
0x2b4: {  	s21 =	sadd.s32 @!p1 $0x580, s2;
	s23 =	simm.s32 @!p1 $0x9400  }
0x2b5: {  	[tilespmem:s23], [sflag:$0x1] =	stream.indirect.gather @!p1 [hbm4b:s3+s22], $0x20, s21, s22, $0xb8;
	[tilespmem:$0x16400] =	vst v63  }
0x2b6: {  	s2 =	sadd.s32 @!p1 $0x5C0, s2;
	s21 =	simm.s32 @!p1 $0x9C00  }
0x2b7: {  	[tilespmem:s21], [sflag:$0x1] =	stream.indirect.gather @!p1 [hbm4b:s3+s22], $0x20, s2, s22, $0xb8;
	[tilespmem:$0x16400] =	vst v63  }
0x2b8: {  	_ =	swait.ge [sflag:s14], $0x800  }
0x2b9: {  	[sflag:s14] =	ssyncset.done $0x0  }
0x2ba: {  	[sflag:s14] =	ssyncadd.s32 $0xFFFFF800  }
0x2bb: {  	_ =	swait.ge [sflag:s14], $0x800  }
0x2bc: {  	[sflag:s14] =	ssyncset.done $0x0  }
0x2bd: {  	[sflag:s14] =	ssyncadd.s32 $0xFFFFF800  }
0x2be: {  	_ =	swait.ge [sflag:s14], $0x800  }
0x2bf: {  	[sflag:s14] =	ssyncset.done $0x0  }
0x2c0: {  	[sflag:s14] =	ssyncadd.s32 $0xFFFFF800  }
0x2c1: {  	_ =	swait.ge [sflag:s14], $0x800  }
0x2c2: {  	[sflag:s14] =	ssyncset.done $0x0  }
0x2c3: {  	[sflag:s14] =	ssyncadd.s32 $0xFFFFF800  }
0x2c4: {  	_ =	swait.ge [sflag:s14], $0x800  }
0x2c5: {  	[sflag:s14] =	ssyncset.done $0x0  }
0x2c6: {  	[sflag:s14] =	ssyncadd.s32 $0xFFFFF800  }
0x2c7: {  	_ =	swait.ge [sflag:s14], $0x800  }
0x2c8: {  	[sflag:s14] =	ssyncset.done $0x0  }
0x2c9: {  	[sflag:s14] =	ssyncadd.s32 $0xFFFFF800  }
0x2ca: {  	_ =	swait.ge [sflag:s14], $0x800  }
0x2cb: {  	[sflag:s14] =	ssyncset.done $0x0  }
0x2cc: {  	[sflag:s14] =	ssyncadd.s32 $0xFFFFF800  }
0x2cd: {  	_ =	swait.ge [sflag:s14], $0x800  }
0x2ce: {  	[sflag:s14] =	ssyncset.done $0x0  }
0x2cf: {  	s21 =	simm.s32 $0xFFFFFFFE;
	s22 =	simm.s32 $0x10;
	[sflag:s14] =	ssyncadd.s32 $0xFFFFF800  }
.LBB2_5:
0x2d0: {  	s2 =	sadd.s32 $0xFFFFFFF0, s22;
	v41 =	vlaneseq.u32  }
0x2d1: {  	v0 =	vor.u32 s2, v41  }
0x2d2: {  	v1 =	vshll.u32 v0, $0x5  }
0x2d3: {  	v2 =	vor.u32 v41, v1;
	_ =	sdelay $0x2  }
0x2d4: {  	v4 =	vld [tilespmem:$0x1FFD0];
	_ =	sdelay $0x1  }
0x2d5: {  	v2 =	vld.idx.msk [tilespmem:v2+s24+$0x0], $0xffff  }
0x2d6: {  	v0 =	vand.u32 $0x1E8, v0  }
0x2d7: {  	v3 =	vor.u32 v9, v0  }
0x2d8: {  	v4 =	vor.u32 v4, v1;
	_ =	sdelay $0x1  }
0x2d9: {  	v15 =	vld [tilespmem:$0x1FB70];
	v2 =	vmul.f32 $5.656854150e+00, v2;
	_ =	sdelay $0x1  }
0x2da: {  	[tilespmem:v3+s15+$0x0] =	vst.idx.msk $0xffff, v2  }
0x2db: {  	v2 =	vld.idx.msk [tilespmem:v4+s24+$0x0], $0xffff;
	_ =	sdelay $0x1  }
0x2dc: {  	v3 =	vor.u32 v15, v0;
	_ =	sdelay $0x2  }
0x2dd: {  	v4 =	vor.u32 v47, v1;
	v2 =	vmul.f32 $5.656854150e+00, v2;
	_ =	sdelay $0x1  }
0x2de: {  	[tilespmem:v3+s15+$0x0] =	vst.idx.msk $0xffff, v2;
	v3 =	vld [tilespmem:$0x1FB80]  }
0x2df: {  	v49 =	vld [tilespmem:$0x1FD50];
	_ =	sdelay $0x1  }
0x2e0: {  	v2 =	vld.idx.msk [tilespmem:v4+s24+$0x0], $0xffff;
	_ =	sdelay $0x1  }
0x2e1: {  	v3 =	vor.u32 v3, v0  }
0x2e2: {  	v4 =	vor.u32 v49, v1;
	_ =	sdelay $0x1  }
0x2e3: {  	v2 =	vmul.f32 $5.656854150e+00, v2;
	_ =	sdelay $0x1  }
0x2e4: {  	v17 =	vld [tilespmem:$0x1FB90];
	[tilespmem:v3+s15+$0x0] =	vst.idx.msk $0xffff, v2  }
0x2e5: {  	v2 =	vld.idx.msk [tilespmem:v4+s24+$0x0], $0xffff  }
0x2e6: {  	v4 =	vld [tilespmem:$0x1FD60];
	_ =	sdelay $0x3  }
0x2e7: {  	v3 =	vor.u32 v17, v0  }
0x2e8: {  	v4 =	vor.u32 v4, v1;
	_ =	sdelay $0x1  }
0x2e9: {  	v2 =	vmul.f32 $5.656854150e+00, v2  }
0x2ea: {  	v51 =	vld [tilespmem:$0x1FD70]  }
0x2eb: {  	[tilespmem:v3+s15+$0x0] =	vst.idx.msk $0xffff, v2  }
0x2ec: {  	v2 =	vld.idx.msk [tilespmem:v4+s24+$0x0], $0xffff;
	_ =	sdelay $0x1  }
0x2ed: {  	v3 =	vor.u32 v18, v0  }
0x2ee: {  	v4 =	vor.u32 v51, v1;
	_ =	sdelay $0x1  }
0x2ef: {  	v19 =	vld [tilespmem:$0x1FBB0];
	v2 =	vmul.f32 $5.656854150e+00, v2;
	_ =	sdelay $0x1  }
0x2f0: {  	[tilespmem:v3+s15+$0x0] =	vst.idx.msk $0xffff, v2  }
0x2f1: {  	v2 =	vld.idx.msk [tilespmem:v4+s24+$0x0], $0xffff;
	_ =	sdelay $0x1  }
0x2f2: {  	v3 =	vor.u32 v19, v0  }
0x2f3: {  	v4 =	vor.u32 v52, v1;
	_ =	sdelay $0x1  }
0x2f4: {  	v2 =	vmul.f32 $5.656854150e+00, v2  }
0x2f5: {  	v53 =	vld [tilespmem:$0x1FD90]  }
0x2f6: {  	[tilespmem:v3+s15+$0x0] =	vst.idx.msk $0xffff, v2  }
0x2f7: {  	v2 =	vld.idx.msk [tilespmem:v4+s24+$0x0], $0xffff;
	_ =	sdelay $0x1  }
0x2f8: {  	v3 =	vor.u32 v20, v0  }
0x2f9: {  	v4 =	vor.u32 v53, v1;
	_ =	sdelay $0x1  }
0x2fa: {  	v21 =	vld [tilespmem:$0x1FBD0];
	v2 =	vmul.f32 $5.656854150e+00, v2;
	_ =	sdelay $0x1  }
0x2fb: {  	[tilespmem:v3+s15+$0x0] =	vst.idx.msk $0xffff, v2  }
0x2fc: {  	v2 =	vld.idx.msk [tilespmem:v4+s24+$0x0], $0xffff;
	_ =	sdelay $0x1  }
0x2fd: {  	v3 =	vor.u32 v21, v0  }
0x2fe: {  	v4 =	vor.u32 v54, v1;
	_ =	sdelay $0x1  }
0x2ff: {  	v2 =	vmul.f32 $5.656854150e+00, v2  }
0x300: {  	v55 =	vld [tilespmem:$0x1FDB0]  }
0x301: {  	[tilespmem:v3+s15+$0x0] =	vst.idx.msk $0xffff, v2  }
0x302: {  	v2 =	vld.idx.msk [tilespmem:v4+s24+$0x0], $0xffff;
	_ =	sdelay $0x1  }
0x303: {  	v3 =	vor.u32 v22, v0  }
0x304: {  	v4 =	vor.u32 v55, v1;
	_ =	sdelay $0x1  }
0x305: {  	v23 =	vld [tilespmem:$0x1FBF0];
	v2 =	vmul.f32 $5.656854150e+00, v2;
	_ =	sdelay $0x1  }
0x306: {  	[tilespmem:v3+s15+$0x0] =	vst.idx.msk $0xffff, v2  }
0x307: {  	v2 =	vld.idx.msk [tilespmem:v4+s24+$0x0], $0xffff;
	_ =	sdelay $0x1  }
0x308: {  	v3 =	vor.u32 v23, v0  }
0x309: {  	v4 =	vor.u32 v56, v1;
	_ =	sdelay $0x1  }
0x30a: {  	v2 =	vmul.f32 $5.656854150e+00, v2  }
0x30b: {  	v57 =	vld [tilespmem:$0x1FDD0]  }
0x30c: {  	[tilespmem:v3+s15+$0x0] =	vst.idx.msk $0xffff, v2  }
0x30d: {  	v2 =	vld.idx.msk [tilespmem:v4+s24+$0x0], $0xffff;
	_ =	sdelay $0x1  }
0x30e: {  	v3 =	vor.u32 v24, v0  }
0x30f: {  	v4 =	vor.u32 v57, v1;
	_ =	sdelay $0x1  }
0x310: {  	v25 =	vld [tilespmem:$0x1FC10];
	v2 =	vmul.f32 $5.656854150e+00, v2;
	_ =	sdelay $0x1  }
0x311: {  	[tilespmem:v3+s15+$0x0] =	vst.idx.msk $0xffff, v2  }
0x312: {  	v2 =	vld.idx.msk [tilespmem:v4+s24+$0x0], $0xffff;
	_ =	sdelay $0x1  }
0x313: {  	v3 =	vor.u32 v25, v0  }
0x314: {  	v4 =	vor.u32 v61, v1;
	_ =	sdelay $0x1  }
0x315: {  	v2 =	vmul.f32 $5.656854150e+00, v2;
	_ =	sdelay $0x1  }
0x316: {  	[tilespmem:v3+s15+$0x0] =	vst.idx.msk $0xffff, v2  }
0x317: {  	v2 =	vld.idx.msk [tilespmem:v4+s24+$0x0], $0xffff;
	_ =	sdelay $0x1  }
0x318: {  	v3 =	vor.u32 v26, v0  }
0x319: {  	v4 =	vor.u32 v63, v1;
	_ =	sdelay $0x1  }
0x31a: {  	v27 =	vld [tilespmem:$0x1FC30];
	v2 =	vmul.f32 $5.656854150e+00, v2  }
0x31b: {  	v8 =	vld [tilespmem:$0x1FF20]  }
0x31c: {  	[tilespmem:v3+s15+$0x0] =	vst.idx.msk $0xffff, v2  }
0x31d: {  	v2 =	vld.idx.msk [tilespmem:v4+s24+$0x0], $0xffff;
	_ =	sdelay $0x1  }
0x31e: {  	v3 =	vor.u32 v27, v0  }
0x31f: {  	v4 =	vor.u32 v8, v1;
	_ =	sdelay $0x1  }
0x320: {  	v2 =	vmul.f32 $5.656854150e+00, v2  }
0x321: {  	v42 =	vld [tilespmem:$0x1FF70]  }
0x322: {  	[tilespmem:v3+s15+$0x0] =	vst.idx.msk $0xffff, v2  }
0x323: {  	v2 =	vld.idx.msk [tilespmem:v4+s24+$0x0], $0xffff;
	_ =	sdelay $0x1  }
0x324: {  	v3 =	vor.u32 v28, v0  }
0x325: {  	v4 =	vor.u32 v42, v1;
	_ =	sdelay $0x1  }
0x326: {  	v29 =	vld [tilespmem:$0x1FC50];
	v2 =	vmul.f32 $5.656854150e+00, v2  }
0x327: {  	v50 =	vld [tilespmem:$0x1FFC0]  }
0x328: {  	[tilespmem:v3+s15+$0x0] =	vst.idx.msk $0xffff, v2  }
0x329: {  	v2 =	vld.idx.msk [tilespmem:v4+s24+$0x0], $0xffff;
	_ =	sdelay $0x1  }
0x32a: {  	v3 =	vor.u32 v29, v0  }
0x32b: {  	v4 =	vor.u32 v50, v1;
	_ =	sdelay $0x1  }
0x32c: {  	v2 =	vmul.f32 $5.656854150e+00, v2  }
0x32d: {  	v6 =	vld [tilespmem:$0x1FF00]  }
0x32e: {  	[tilespmem:v3+s15+$0x0] =	vst.idx.msk $0xffff, v2  }
0x32f: {  	v2 =	vld.idx.msk [tilespmem:v4+s24+$0x0], $0xffff;
	_ =	sdelay $0x1  }
0x330: {  	v3 =	vor.u32 v30, v0  }
0x331: {  	v4 =	vor.u32 v6, v1;
	_ =	sdelay $0x1  }
0x332: {  	v31 =	vld [tilespmem:$0x1FC70];
	v2 =	vmul.f32 $5.656854150e+00, v2;
	_ =	sdelay $0x1  }
0x333: {  	[tilespmem:v3+s15+$0x0] =	vst.idx.msk $0xffff, v2  }
0x334: {  	v2 =	vld.idx.msk [tilespmem:v4+s24+$0x0], $0xffff;
	_ =	sdelay $0x1  }
0x335: {  	v3 =	vor.u32 v31, v0  }
0x336: {  	v4 =	vor.u32 v10, v1;
	_ =	sdelay $0x1  }
0x337: {  	v2 =	vmul.f32 $5.656854150e+00, v2  }
0x338: {  	v39 =	vld [tilespmem:$0x1FFA0]  }
0x339: {  	[tilespmem:v3+s15+$0x0] =	vst.idx.msk $0xffff, v2  }
0x33a: {  	v2 =	vld.idx.msk [tilespmem:v4+s24+$0x0], $0xffff;
	_ =	sdelay $0x1  }
0x33b: {  	v3 =	vor.u32 v32, v0  }
0x33c: {  	v4 =	vor.u32 v39, v1;
	_ =	sdelay $0x1  }
0x33d: {  	v33 =	vld [tilespmem:$0x1FC90];
	v2 =	vmul.f32 $5.656854150e+00, v2;
	_ =	sdelay $0x1  }
0x33e: {  	[tilespmem:v3+s15+$0x0] =	vst.idx.msk $0xffff, v2  }
0x33f: {  	v2 =	vld.idx.msk [tilespmem:v4+s24+$0x0], $0xffff;
	_ =	sdelay $0x1  }
0x340: {  	v3 =	vor.u32 v33, v0  }
0x341: {  	v4 =	vor.u32 v58, v1;
	_ =	sdelay $0x1  }
0x342: {  	v2 =	vmul.f32 $5.656854150e+00, v2  }
0x343: {  	v59 =	vld [tilespmem:$0x1FE30]  }
0x344: {  	[tilespmem:v3+s15+$0x0] =	vst.idx.msk $0xffff, v2  }
0x345: {  	v2 =	vld.idx.msk [tilespmem:v4+s24+$0x0], $0xffff;
	_ =	sdelay $0x1  }
0x346: {  	v3 =	vor.u32 v34, v0  }
0x347: {  	v4 =	vor.u32 v59, v1;
	_ =	sdelay $0x1  }
0x348: {  	v35 =	vld [tilespmem:$0x1FCB0];
	v2 =	vmul.f32 $5.656854150e+00, v2;
	_ =	sdelay $0x1  }
0x349: {  	[tilespmem:v3+s15+$0x0] =	vst.idx.msk $0xffff, v2  }
0x34a: {  	v2 =	vld.idx.msk [tilespmem:v4+s24+$0x0], $0xffff;
	_ =	sdelay $0x1  }
0x34b: {  	v3 =	vor.u32 v35, v0  }
0x34c: {  	v4 =	vor.u32 v60, v1;
	_ =	sdelay $0x1  }
0x34d: {  	v2 =	vmul.f32 $5.656854150e+00, v2  }
0x34e: {  	v61 =	vld [tilespmem:$0x1FE90]  }
0x34f: {  	[tilespmem:v3+s15+$0x0] =	vst.idx.msk $0xffff, v2  }
0x350: {  	v2 =	vld.idx.msk [tilespmem:v4+s24+$0x0], $0xffff;
	_ =	sdelay $0x1  }
0x351: {  	v3 =	vor.u32 v36, v0  }
0x352: {  	v4 =	vor.u32 v61, v1;
	_ =	sdelay $0x1  }
0x353: {  	v37 =	vld [tilespmem:$0x1FCD0];
	v2 =	vmul.f32 $5.656854150e+00, v2  }
0x354: {  	v63 =	vld [tilespmem:$0x1FEC0]  }
0x355: {  	[tilespmem:v3+s15+$0x0] =	vst.idx.msk $0xffff, v2  }
0x356: {  	v2 =	vld.idx.msk [tilespmem:v4+s24+$0x0], $0xffff;
	_ =	sdelay $0x1  }
0x357: {  	v3 =	vor.u32 v37, v0  }
0x358: {  	v4 =	vor.u32 v63, v1;
	_ =	sdelay $0x1  }
0x359: {  	v2 =	vmul.f32 $5.656854150e+00, v2;
	_ =	sdelay $0x1  }
0x35a: {  	[tilespmem:v3+s15+$0x0] =	vst.idx.msk $0xffff, v2  }
0x35b: {  	v2 =	vld.idx.msk [tilespmem:v4+s24+$0x0], $0xffff;
	_ =	sdelay $0x1  }
0x35c: {  	v3 =	vor.u32 v38, v0  }
0x35d: {  	v4 =	vor.u32 v7, v1;
	_ =	sdelay $0x1  }
0x35e: {  	v43 =	vld [tilespmem:$0x1FCF0];
	v2 =	vmul.f32 $5.656854150e+00, v2;
	_ =	sdelay $0x1  }
0x35f: {  	[tilespmem:v3+s15+$0x0] =	vst.idx.msk $0xffff, v2  }
0x360: {  	v2 =	vld.idx.msk [tilespmem:v4+s24+$0x0], $0xffff;
	_ =	sdelay $0x1  }
0x361: {  	v3 =	vor.u32 v43, v0  }
0x362: {  	v4 =	vor.u32 v40, v1;
	_ =	sdelay $0x1  }
0x363: {  	v2 =	vmul.f32 $5.656854150e+00, v2;
	_ =	sdelay $0x1  }
0x364: {  	[tilespmem:v3+s15+$0x0] =	vst.idx.msk $0xffff, v2  }
0x365: {  	v2 =	vld.idx.msk [tilespmem:v4+s24+$0x0], $0xffff;
	_ =	sdelay $0x1  }
0x366: {  	v3 =	vor.u32 v44, v0  }
0x367: {  	v4 =	vor.u32 v16, v1;
	_ =	sdelay $0x1  }
0x368: {  	v45 =	vld [tilespmem:$0x1FD10];
	v2 =	vmul.f32 $5.656854150e+00, v2  }
0x369: {  	v11 =	vld [tilespmem:$0x1FB30]  }
0x36a: {  	[tilespmem:v3+s15+$0x0] =	vst.idx.msk $0xffff, v2  }
0x36b: {  	v2 =	vld.idx.msk [tilespmem:v4+s24+$0x0], $0xffff;
	_ =	sdelay $0x1  }
0x36c: {  	v3 =	vor.u32 v45, v0  }
0x36d: {  	v4 =	vor.u32 v11, v1;
	_ =	sdelay $0x1  }
0x36e: {  	v2 =	vmul.f32 $5.656854150e+00, v2;
	_ =	sdelay $0x1  }
0x36f: {  	[tilespmem:v3+s15+$0x0] =	vst.idx.msk $0xffff, v2  }
0x370: {  	v2 =	vld.idx.msk [tilespmem:v4+s24+$0x0], $0xffff;
	_ =	sdelay $0x1  }
0x371: {  	v3 =	vor.u32 v46, v0  }
0x372: {  	v4 =	vor.u32 v12, v1;
	_ =	sdelay $0x1  }
0x373: {  	v47 =	vld [tilespmem:$0x1FD30];
	v2 =	vmul.f32 $5.656854150e+00, v2;
	_ =	sdelay $0x1  }
0x374: {  	v13 =	vld [tilespmem:$0x1FB50];
	[tilespmem:v3+s15+$0x0] =	vst.idx.msk $0xffff, v2  }
0x375: {  	v2 =	vld.idx.msk [tilespmem:v4+s24+$0x0], $0xffff;
	_ =	sdelay $0x1  }
0x376: {  	v3 =	vor.u32 v47, v0;
	_ =	sdelay $0x2  }
0x377: {  	v4 =	vor.u32 v13, v1;
	v2 =	vmul.f32 $5.656854150e+00, v2;
	_ =	sdelay $0x1  }
0x378: {  	[tilespmem:v3+s15+$0x0] =	vst.idx.msk $0xffff, v2;
	v3 =	vld [tilespmem:$0x1FFF0];
	_ =	sdelay $0x2  }
0x379: {  	v2 =	vld.idx.msk [tilespmem:v4+s24+$0x0], $0xffff;
	_ =	sdelay $0x1  }
0x37a: {  	v3 =	vor.u32 v3, v0;
	_ =	sdelay $0x2  }
0x37b: {  	v1 =	vor.u32 v14, v1;
	v2 =	vmul.f32 $5.656854150e+00, v2;
	_ =	sdelay $0x1  }
0x37c: {  	[tilespmem:v3+s15+$0x0] =	vst.idx.msk $0xffff, v2;
	v3 =	vld [tilespmem:$0x1FFE0];
	_ =	sdelay $0x2  }
0x37d: {  	v1 =	vld.idx.msk [tilespmem:v1+s24+$0x0], $0xffff  }
0x37e: {  	v2 =	vor.u32 s22, v41  }
0x37f: {  	v3 =	vor.u32 v3, v0;
	v0 =	vshll.u32 v2, $0x5  }
0x380: {  	v4 =	vor.u32 v41, v0;
	_ =	sdelay $0x1  }
0x381: {  	v1 =	vmul.f32 $5.656854150e+00, v1  }
0x382: {  	v41 =	vld [tilespmem:$0x1FFD0]  }
0x383: {  	[tilespmem:v3+s15+$0x0] =	vst.idx.msk $0xffff, v1  }
0x384: {  	v3 =	vld.idx.msk [tilespmem:v4+s24+$0x0], $0xffff  }
0x385: {  	v1 =	vand.u32 $0x1F8, v2  }
0x386: {  	v2 =	vor.u32 v9, v1  }
0x387: {  	v4 =	vor.u32 v41, v0;
	_ =	sdelay $0x1  }
0x388: {  	v3 =	vmul.f32 $5.656854150e+00, v3;
	_ =	sdelay $0x1  }
0x389: {  	[tilespmem:v2+s15+$0x0] =	vst.idx.msk $0xffff, v3  }
0x38a: {  	v2 =	vld.idx.msk [tilespmem:v4+s24+$0x0], $0xffff;
	_ =	sdelay $0x1  }
0x38b: {  	v3 =	vor.u32 v15, v1;
	_ =	sdelay $0x2  }
0x38c: {  	v4 =	vor.u32 v48, v0;
	v2 =	vmul.f32 $5.656854150e+00, v2;
	_ =	sdelay $0x1  }
0x38d: {  	[tilespmem:v3+s15+$0x0] =	vst.idx.msk $0xffff, v2;
	v3 =	vld [tilespmem:$0x1FB80];
	_ =	sdelay $0x2  }
0x38e: {  	v2 =	vld.idx.msk [tilespmem:v4+s24+$0x0], $0xffff;
	_ =	sdelay $0x1  }
0x38f: {  	v3 =	vor.u32 v3, v1  }
0x390: {  	v4 =	vor.u32 v49, v0;
	_ =	sdelay $0x1  }
0x391: {  	v2 =	vmul.f32 $5.656854150e+00, v2;
	_ =	sdelay $0x1  }
0x392: {  	[tilespmem:v3+s15+$0x0] =	vst.idx.msk $0xffff, v2  }
0x393: {  	v2 =	vld.idx.msk [tilespmem:v4+s24+$0x0], $0xffff  }
0x394: {  	v4 =	vld [tilespmem:$0x1FD60];
	_ =	sdelay $0x3  }
0x395: {  	v3 =	vor.u32 v17, v1  }
0x396: {  	v4 =	vor.u32 v4, v0;
	_ =	sdelay $0x1  }
0x397: {  	v2 =	vmul.f32 $5.656854150e+00, v2;
	_ =	sdelay $0x1  }
0x398: {  	[tilespmem:v3+s15+$0x0] =	vst.idx.msk $0xffff, v2  }
0x399: {  	v2 =	vld.idx.msk [tilespmem:v4+s24+$0x0], $0xffff;
	_ =	sdelay $0x1  }
0x39a: {  	v3 =	vor.u32 v18, v1  }
0x39b: {  	v4 =	vor.u32 v51, v0;
	_ =	sdelay $0x1  }
0x39c: {  	v2 =	vmul.f32 $5.656854150e+00, v2;
	_ =	sdelay $0x1  }
0x39d: {  	[tilespmem:v3+s15+$0x0] =	vst.idx.msk $0xffff, v2  }
0x39e: {  	v2 =	vld.idx.msk [tilespmem:v4+s24+$0x0], $0xffff;
	_ =	sdelay $0x1  }
0x39f: {  	v3 =	vor.u32 v19, v1  }
0x3a0: {  	v4 =	vor.u32 v52, v0;
	_ =	sdelay $0x1  }
0x3a1: {  	v2 =	vmul.f32 $5.656854150e+00, v2;
	_ =	sdelay $0x1  }
0x3a2: {  	[tilespmem:v3+s15+$0x0] =	vst.idx.msk $0xffff, v2  }
0x3a3: {  	v2 =	vld.idx.msk [tilespmem:v4+s24+$0x0], $0xffff;
	_ =	sdelay $0x1  }
0x3a4: {  	v3 =	vor.u32 v20, v1  }
0x3a5: {  	v4 =	vor.u32 v53, v0;
	_ =	sdelay $0x1  }
0x3a6: {  	v2 =	vmul.f32 $5.656854150e+00, v2;
	_ =	sdelay $0x1  }
0x3a7: {  	[tilespmem:v3+s15+$0x0] =	vst.idx.msk $0xffff, v2  }
0x3a8: {  	v2 =	vld.idx.msk [tilespmem:v4+s24+$0x0], $0xffff;
	_ =	sdelay $0x1  }
0x3a9: {  	v3 =	vor.u32 v21, v1  }
0x3aa: {  	v4 =	vor.u32 v54, v0;
	_ =	sdelay $0x1  }
0x3ab: {  	v2 =	vmul.f32 $5.656854150e+00, v2;
	_ =	sdelay $0x1  }
0x3ac: {  	[tilespmem:v3+s15+$0x0] =	vst.idx.msk $0xffff, v2  }
0x3ad: {  	v2 =	vld.idx.msk [tilespmem:v4+s24+$0x0], $0xffff;
	_ =	sdelay $0x1  }
0x3ae: {  	v3 =	vor.u32 v22, v1  }
0x3af: {  	v4 =	vor.u32 v55, v0;
	_ =	sdelay $0x1  }
0x3b0: {  	v2 =	vmul.f32 $5.656854150e+00, v2;
	_ =	sdelay $0x1  }
0x3b1: {  	[tilespmem:v3+s15+$0x0] =	vst.idx.msk $0xffff, v2  }
0x3b2: {  	v2 =	vld.idx.msk [tilespmem:v4+s24+$0x0], $0xffff;
	_ =	sdelay $0x1  }
0x3b3: {  	v3 =	vor.u32 v23, v1  }
0x3b4: {  	v4 =	vor.u32 v56, v0;
	_ =	sdelay $0x1  }
0x3b5: {  	v2 =	vmul.f32 $5.656854150e+00, v2;
	_ =	sdelay $0x1  }
0x3b6: {  	[tilespmem:v3+s15+$0x0] =	vst.idx.msk $0xffff, v2  }
0x3b7: {  	v2 =	vld.idx.msk [tilespmem:v4+s24+$0x0], $0xffff;
	_ =	sdelay $0x1  }
0x3b8: {  	v3 =	vor.u32 v24, v1  }
0x3b9: {  	v4 =	vor.u32 v57, v0;
	_ =	sdelay $0x1  }
0x3ba: {  	v2 =	vmul.f32 $5.656854150e+00, v2;
	_ =	sdelay $0x1  }
0x3bb: {  	[tilespmem:v3+s15+$0x0] =	vst.idx.msk $0xffff, v2  }
0x3bc: {  	v2 =	vld.idx.msk [tilespmem:v4+s24+$0x0], $0xffff;
	_ =	sdelay $0x1  }
0x3bd: {  	v3 =	vor.u32 v25, v1  }
0x3be: {  	v4 =	vor.u32 v62, v0;
	_ =	sdelay $0x1  }
0x3bf: {  	v2 =	vmul.f32 $5.656854150e+00, v2;
	_ =	sdelay $0x1  }
0x3c0: {  	[tilespmem:v3+s15+$0x0] =	vst.idx.msk $0xffff, v2  }
0x3c1: {  	v2 =	vld.idx.msk [tilespmem:v4+s24+$0x0], $0xffff;
	_ =	sdelay $0x1  }
0x3c2: {  	v3 =	vor.u32 v26, v1  }
0x3c3: {  	v4 =	vor.u32 v5, v0;
	_ =	sdelay $0x1  }
0x3c4: {  	v2 =	vmul.f32 $5.656854150e+00, v2;
	_ =	sdelay $0x1  }
0x3c5: {  	[tilespmem:v3+s15+$0x0] =	vst.idx.msk $0xffff, v2  }
0x3c6: {  	v2 =	vld.idx.msk [tilespmem:v4+s24+$0x0], $0xffff;
	_ =	sdelay $0x1  }
0x3c7: {  	v3 =	vor.u32 v27, v1  }
0x3c8: {  	v4 =	vor.u32 v8, v0;
	_ =	sdelay $0x1  }
0x3c9: {  	v2 =	vmul.f32 $5.656854150e+00, v2;
	_ =	sdelay $0x1  }
0x3ca: {  	[tilespmem:v3+s15+$0x0] =	vst.idx.msk $0xffff, v2  }
0x3cb: {  	v2 =	vld.idx.msk [tilespmem:v4+s24+$0x0], $0xffff;
	_ =	sdelay $0x1  }
0x3cc: {  	v3 =	vor.u32 v28, v1  }
0x3cd: {  	v4 =	vor.u32 v42, v0;
	_ =	sdelay $0x1  }
0x3ce: {  	v2 =	vmul.f32 $5.656854150e+00, v2;
	_ =	sdelay $0x1  }
0x3cf: {  	[tilespmem:v3+s15+$0x0] =	vst.idx.msk $0xffff, v2  }
0x3d0: {  	v2 =	vld.idx.msk [tilespmem:v4+s24+$0x0], $0xffff;
	_ =	sdelay $0x1  }
0x3d1: {  	v3 =	vor.u32 v29, v1  }
0x3d2: {  	v4 =	vor.u32 v50, v0;
	_ =	sdelay $0x1  }
0x3d3: {  	v2 =	vmul.f32 $5.656854150e+00, v2;
	_ =	sdelay $0x1  }
0x3d4: {  	[tilespmem:v3+s15+$0x0] =	vst.idx.msk $0xffff, v2  }
0x3d5: {  	v2 =	vld.idx.msk [tilespmem:v4+s24+$0x0], $0xffff;
	_ =	sdelay $0x1  }
0x3d6: {  	v3 =	vor.u32 v30, v1  }
0x3d7: {  	v4 =	vor.u32 v6, v0;
	_ =	sdelay $0x1  }
0x3d8: {  	v2 =	vmul.f32 $5.656854150e+00, v2;
	_ =	sdelay $0x1  }
0x3d9: {  	[tilespmem:v3+s15+$0x0] =	vst.idx.msk $0xffff, v2  }
0x3da: {  	v2 =	vld.idx.msk [tilespmem:v4+s24+$0x0], $0xffff;
	_ =	sdelay $0x1  }
0x3db: {  	v3 =	vor.u32 v31, v1  }
0x3dc: {  	v4 =	vor.u32 v10, v0;
	_ =	sdelay $0x1  }
0x3dd: {  	v2 =	vmul.f32 $5.656854150e+00, v2;
	_ =	sdelay $0x1  }
0x3de: {  	[tilespmem:v3+s15+$0x0] =	vst.idx.msk $0xffff, v2  }
0x3df: {  	v2 =	vld.idx.msk [tilespmem:v4+s24+$0x0], $0xffff;
	_ =	sdelay $0x1  }
0x3e0: {  	v3 =	vor.u32 v32, v1  }
0x3e1: {  	v4 =	vor.u32 v39, v0;
	_ =	sdelay $0x1  }
0x3e2: {  	v2 =	vmul.f32 $5.656854150e+00, v2;
	_ =	sdelay $0x1  }
0x3e3: {  	[tilespmem:v3+s15+$0x0] =	vst.idx.msk $0xffff, v2  }
0x3e4: {  	v2 =	vld.idx.msk [tilespmem:v4+s24+$0x0], $0xffff;
	_ =	sdelay $0x1  }
0x3e5: {  	v3 =	vor.u32 v33, v1  }
0x3e6: {  	v4 =	vor.u32 v58, v0;
	_ =	sdelay $0x1  }
0x3e7: {  	v2 =	vmul.f32 $5.656854150e+00, v2;
	_ =	sdelay $0x1  }
0x3e8: {  	[tilespmem:v3+s15+$0x0] =	vst.idx.msk $0xffff, v2  }
0x3e9: {  	v2 =	vld.idx.msk [tilespmem:v4+s24+$0x0], $0xffff;
	_ =	sdelay $0x1  }
0x3ea: {  	v3 =	vor.u32 v34, v1  }
0x3eb: {  	v4 =	vor.u32 v59, v0;
	_ =	sdelay $0x1  }
0x3ec: {  	v2 =	vmul.f32 $5.656854150e+00, v2;
	_ =	sdelay $0x1  }
0x3ed: {  	[tilespmem:v3+s15+$0x0] =	vst.idx.msk $0xffff, v2  }
0x3ee: {  	v2 =	vld.idx.msk [tilespmem:v4+s24+$0x0], $0xffff;
	_ =	sdelay $0x1  }
0x3ef: {  	v3 =	vor.u32 v35, v1  }
0x3f0: {  	v4 =	vor.u32 v60, v0;
	_ =	sdelay $0x1  }
0x3f1: {  	v2 =	vmul.f32 $5.656854150e+00, v2;
	_ =	sdelay $0x1  }
0x3f2: {  	[tilespmem:v3+s15+$0x0] =	vst.idx.msk $0xffff, v2  }
0x3f3: {  	v2 =	vld.idx.msk [tilespmem:v4+s24+$0x0], $0xffff;
	_ =	sdelay $0x1  }
0x3f4: {  	v3 =	vor.u32 v36, v1  }
0x3f5: {  	v4 =	vor.u32 v61, v0;
	_ =	sdelay $0x1  }
0x3f6: {  	v2 =	vmul.f32 $5.656854150e+00, v2;
	_ =	sdelay $0x1  }
0x3f7: {  	[tilespmem:v3+s15+$0x0] =	vst.idx.msk $0xffff, v2  }
0x3f8: {  	v2 =	vld.idx.msk [tilespmem:v4+s24+$0x0], $0xffff;
	_ =	sdelay $0x1  }
0x3f9: {  	v3 =	vor.u32 v37, v1  }
0x3fa: {  	v4 =	vor.u32 v63, v0;
	_ =	sdelay $0x1  }
0x3fb: {  	v2 =	vmul.f32 $5.656854150e+00, v2;
	_ =	sdelay $0x1  }
0x3fc: {  	[tilespmem:v3+s15+$0x0] =	vst.idx.msk $0xffff, v2  }
0x3fd: {  	v2 =	vld.idx.msk [tilespmem:v4+s24+$0x0], $0xffff;
	_ =	sdelay $0x1  }
0x3fe: {  	v3 =	vor.u32 v38, v1  }
0x3ff: {  	v4 =	vor.u32 v7, v0;
	_ =	sdelay $0x1  }
0x400: {  	v2 =	vmul.f32 $5.656854150e+00, v2;
	_ =	sdelay $0x1  }
0x401: {  	[tilespmem:v3+s15+$0x0] =	vst.idx.msk $0xffff, v2  }
0x402: {  	v2 =	vld.idx.msk [tilespmem:v4+s24+$0x0], $0xffff;
	_ =	sdelay $0x1  }
0x403: {  	v3 =	vor.u32 v43, v1  }
0x404: {  	v4 =	vor.u32 v40, v0;
	_ =	sdelay $0x1  }
0x405: {  	v2 =	vmul.f32 $5.656854150e+00, v2;
	_ =	sdelay $0x1  }
0x406: {  	[tilespmem:v3+s15+$0x0] =	vst.idx.msk $0xffff, v2  }
0x407: {  	v2 =	vld.idx.msk [tilespmem:v4+s24+$0x0], $0xffff;
	_ =	sdelay $0x1  }
0x408: {  	v3 =	vor.u32 v44, v1  }
0x409: {  	v4 =	vor.u32 v16, v0;
	_ =	sdelay $0x1  }
0x40a: {  	v2 =	vmul.f32 $5.656854150e+00, v2;
	_ =	sdelay $0x1  }
0x40b: {  	[tilespmem:v3+s15+$0x0] =	vst.idx.msk $0xffff, v2  }
0x40c: {  	v2 =	vld.idx.msk [tilespmem:v4+s24+$0x0], $0xffff;
	_ =	sdelay $0x1  }
0x40d: {  	v3 =	vor.u32 v45, v1  }
0x40e: {  	v4 =	vor.u32 v11, v0;
	_ =	sdelay $0x1  }
0x40f: {  	v2 =	vmul.f32 $5.656854150e+00, v2;
	_ =	sdelay $0x1  }
0x410: {  	[tilespmem:v3+s15+$0x0] =	vst.idx.msk $0xffff, v2  }
0x411: {  	v2 =	vld.idx.msk [tilespmem:v4+s24+$0x0], $0xffff;
	_ =	sdelay $0x1  }
0x412: {  	v3 =	vor.u32 v46, v1  }
0x413: {  	v4 =	vor.u32 v12, v0;
	_ =	sdelay $0x1  }
0x414: {  	v2 =	vmul.f32 $5.656854150e+00, v2;
	_ =	sdelay $0x1  }
0x415: {  	[tilespmem:v3+s15+$0x0] =	vst.idx.msk $0xffff, v2  }
0x416: {  	v2 =	vld.idx.msk [tilespmem:v4+s24+$0x0], $0xffff;
	_ =	sdelay $0x1  }
0x417: {  	v3 =	vor.u32 v47, v1  }
0x418: {  	v4 =	vor.u32 v13, v0;
	_ =	sdelay $0x1  }
0x419: {  	v2 =	vmul.f32 $5.656854150e+00, v2;
	_ =	sdelay $0x1  }
0x41a: {  	[tilespmem:v3+s15+$0x0] =	vst.idx.msk $0xffff, v2  }
0x41b: {  	v2 =	vld.idx.msk [tilespmem:v4+s24+$0x0], $0xffff  }
0x41c: {  	v4 =	vld [tilespmem:$0x1FFF0];
	_ =	sdelay $0x4  }
0x41d: {  	v3 =	vor.u32 v4, v1  }
0x41e: {  	v0 =	vor.u32 v14, v0;
	_ =	sdelay $0x1  }
0x41f: {  	v59 =	vld [tilespmem:$0x1FFE0];
	v2 =	vmul.f32 $5.656854150e+00, v2;
	_ =	sdelay $0x1  }
0x420: {  	[tilespmem:v3+s15+$0x0] =	vst.idx.msk $0xffff, v2  }
0x421: {  	v0 =	vld.idx.msk [tilespmem:v0+s24+$0x0], $0xffff  }
0x422: {  	s21 =	sadd.s32 $0x2, s21  }
0x423: {  	p1 =	slt.u32 s21, $0x1E;
	v1 =	vor.u32 v59, v1  }
.Ltmp1:
0x424: {  	_ = 	snop;
	(pc) =	sbr.rel @p1 .LBB2_5-.Ltmp1, $3  }
0x425: {  	_ = 	snop  }
0x426: {  	v0 =	vmul.f32 $5.656854150e+00, v0;
	_ =	sdelay $0x1  }
0x427: {  	s22 =	sadd.s32 $0x20, s22;
	v61 =	vmov v62;
	v63 =	vmov v5;
	v47 =	vmov v48;
	[tilespmem:v1+s15+$0x0] =	vst.idx.msk $0xffff, v0  }
0x428: {  	s2 =	sadd.s32 s5, s20  }
0x429: {  	s20 =	sshrl.u32 s2, $0x5  }
0x42a: {  	s2 =	sshll.u32 s2, $0x9;
	s21 =	sshll.u32 s20, $0xE  }
0x42b: {  	s2 =	ssub.s32 s2, s21;
	s21 =	simm.s32 @!p0 $0x4  }
0x42c: {  	_ =	swait.ge @!p0 [sflag:s21], $0x4000  }
0x42d: {  	s19 =	sadd.s32 $0x1, s19;
	[sflag:s21] =	ssyncset.done @!p0 $0x0  }
0x42e: {  	[sflag:s21] =	ssyncadd.s32 @!p0 $0xFFFFC000;
	p0 =	sne.s32 s19, $0x19  }
.Ltmp2:
0x42f: {  	s20 =	sshll.u32 s20, $0x13;
	(pc) =	sbr.rel @p0 .LBB2_2-.Ltmp2, $4  }
0x430: {  	s2 =	sadd.s32 s20, s2  }
0x431: {  	s2 =	sshrl.u32 s2, $0x3  }
0x432: {  	s2 =	sadd.s32 s4, s2  }
0x433: {  	v3 =	vmov v9;
	[hbm4b:s2+s12] =	stream.strided.scatter [tilespmem:s15], [sflag:$0x4], $0x4000, s13, s12, $0x38;
	[tilespmem:$0x16400] =	vst v63  }
0x434: {  	s18 =	sadd.s32 $0x1, s18  }
0x435: {  	_ =	swait.ge [sflag:s16], $0x4000;
	p0 =	sne.s32 s18, s7  }
.Ltmp3:
0x436: {  	[sflag:s16] =	ssyncset.done $0x0;
	(pc) =	sbr.rel @p0 .LBB2_1-.Ltmp3, $4  }
0x437: {  	[sflag:s16] =	ssyncadd.s32 $0xFFFFC000  }
0x438: {  	_ =	swait.ge [sflag:s17], $0x4000  }
0x439: {  	[sflag:s17] =	ssyncset.done $0x0  }
0x43a: {  	[sflag:s17] =	ssyncadd.s32 $0xFFFFC000  }
0x43b: {  	_ =	sfence.sel $0x180000  }
0x43c: {  	[bflag:$0x0] =	sbarrier.arrive $0xFFFF  }
0x43d: {  	_ =	strace $0x90000047  }
0x43e: {  	s0 =	stileid.u32;
	[bflag:$0x2] =	sbarrier.arrive $0xFFFF  }
0x43f: {  	p0 =	sne.s32 s0, $0x0;
	s0 =	rddreg [dreg:$0x2]  }
0x440: {  	s0 =	sadd.s32 @!p0 $0x100000, s0  }
0x441: {  	[sflag:s0] =	ssyncadd.tile.s32 @!p0 $0x1;
	_ =	shalt  }
.Lfunc_end2:
_tile_overlayer_lowered:
.L_overlay_start_2:
0x442: {  	(tag) =	ssettag $0x2  }
0x443: {  	s0 =	rddreg [dreg:$0x0];
	s2 =	stileid.u32  }
0x444: {  	s1 =	rddreg [dreg:$0x1];
	p0 =	sne.s32 s2, $0x0  }
0x445: {  	s3 =	rddreg [dreg:$0x2];
	[bflag:$0x3] =	sbarrier.arrive $0xFFFF;
	s2 =	simm.s32 @!p0 $0x1C05  }
0x446: {  	[timem:s3], [sflag:s2] =	dma.local @!p0 [hbm:s0], s1  }
0x447: {  	s0 =	simm.s32 @!p0 $0x5  }
0x448: {  	_ =	swait.ge @!p0 [sflag:s0], s1  }
0x449: {  	s1 =	ssub.s32 @!p0 $0x0, s1;
	[sflag:s0] =	ssyncset.done @!p0 $0x0  }
0x44a: {  	[sflag:s0] =	ssyncadd.s32 @!p0 s1  }
0x44b: {  	[bflag:$0x3] =	sbarrier.arrive $0xFFFF  }
0x44c: {  	_ =	shalt  }

</sc_bundles>
